<compile_context>
chip_gen: v7x
topology: tpu7x:2x2x1
jax: 0.10.2.dev20260603
libtpu: 0.0.44.dev20260713+nightly
codegen_flags: <defaults>
</compile_context>

<pallas_src>
import functools

import jax
import jax.numpy as jnp
from jax import lax
from jax.experimental import pallas as pl
from jax.experimental.pallas import tpu as pltpu
from jax.experimental.pallas import tpu_sc as plsc

N_NODES = 10000
DEG = 32
D = 128
NC, NS = 2, 16
NW = NC * NS
N_PAD = 10240
NPW = N_PAD // NW
CH = 80
CHUNKS = NPW // CH


def _sc_gather_sum(nbr_t, emb):
    mesh = plsc.VectorSubcoreMesh(core_axis_name="c", subcore_axis_name="s")

    @functools.partial(
        pl.kernel,
        out_type=jax.ShapeDtypeStruct((N_PAD, D), jnp.float32),
        mesh=mesh,
        scratch_types=[
            pltpu.VMEM((DEG * NPW,), jnp.int32),
            pltpu.VMEM((CH, D), jnp.float32),
            pltpu.VMEM((CH, D), jnp.float32),
            pltpu.SemaphoreType.DMA,
            pltpu.SemaphoreType.DMA,
            pltpu.SemaphoreType.DMA,
            pltpu.SemaphoreType.DMA,
        ],
    )
    def k(nbr_hbm, emb_hbm, out_hbm, idx_all, acc0, acc1, semA0, semA1,
          semO0, semO1):
        sid = lax.axis_index("s")
        wid = sid * NC + lax.axis_index("c")
        base = wid * NPW
        acc = (acc0, acc1)
        semA = (semA0, semA1)
        semO = (semO0, semO1)

        idx_cp = pltpu.async_copy(
            nbr_hbm.at[pl.ds(wid * DEG * NPW, DEG * NPW)], idx_all, semO0
        )

        def zero(p):
            a = acc[p]

            @pl.loop(0, CH)
            def _(i):
                @pl.loop(0, D, step=16)
                def _(col):
                    a[i, pl.ds(col, 16)] = jnp.zeros((16,), jnp.float32)

        def fire_adds(c, p):
            for d in range(DEG):
                pltpu.async_copy(
                    emb_hbm.at[idx_all.at[pl.ds(d * NPW + c * CH, CH)]],
                    acc[p],
                    semA[p],
                    add=True,
                )

        def drain_adds(c, p):
            for d in range(DEG):
                pltpu.make_async_copy(
                    emb_hbm.at[idx_all.at[pl.ds(d * NPW + c * CH, CH)]],
                    acc[p],
                    semA[p],
                ).wait()

        def fire_out(c, p):
            pltpu.async_copy(
                acc[p], out_hbm.at[pl.ds(base + c * CH, CH)], semO[p]
            )

        def drain_out(c, p):
            pltpu.make_async_copy(
                acc[p], out_hbm.at[pl.ds(base + c * CH, CH)], semO[p]
            ).wait()

        zero(0)
        zero(1)
        idx_cp.wait()
        fire_adds(0, 0)
        for c in range(CHUNKS):
            p = c % 2
            if c + 1 < CHUNKS:
                if c >= 1:
                    drain_out(c - 1, 1 - p)
                    zero(1 - p)
                fire_adds(c + 1, 1 - p)
            drain_adds(c, p)
            fire_out(c, p)
        drain_out(CHUNKS - 2, CHUNKS % 2)
        drain_out(CHUNKS - 1, (CHUNKS - 1) % 2)

    return k(nbr_t, emb)


def _tc_post(sums, W):
    BLK = 2000

    def body(x_ref, w_ref, o_ref):
        y = lax.dot_general(
            x_ref[...], w_ref[...],
            (((1,), (1,)), ((), ())),
            preferred_element_type=jnp.float32,
        )
        y = jnp.maximum(y, 0.0)
        norm = jnp.sqrt(jnp.sum(y * y, axis=1, keepdims=True))
        o_ref[...] = y / jnp.maximum(norm, 1e-12)

    return pl.pallas_call(
        body,
        grid=(N_NODES // BLK,),
        in_specs=[
            pl.BlockSpec((BLK, D), lambda i: (i, 0)),
            pl.BlockSpec((D, D), lambda i: (0, 0)),
        ],
        out_specs=pl.BlockSpec((BLK, D), lambda i: (i, 0)),
        out_shape=jax.ShapeDtypeStruct((N_NODES, D), jnp.float32),
    )(sums, W)


def kernel(neighbors, emb_features, W):
    pad_idx = (
        jnp.arange((N_PAD - N_NODES) * DEG, dtype=jnp.int32) % N_NODES
    ).reshape(N_PAD - N_NODES, DEG)
    nbr = jnp.concatenate([neighbors, pad_idx], axis=0)
    nbr_t = (
        nbr.reshape(NW, NPW, DEG).transpose(0, 2, 1).reshape(-1)
    )
    sums = _sc_gather_sum(nbr_t, emb_features)
    return _tc_post(sums, W)

# --- scband reference (transcript-rebuilt; emitter-appended) ---
"""Pipeline reference for scband-graph-sagelayer-19155554140771 (READ-ONLY COPY).

The authoritative reference and input builder live on the scoring server;
editing this copy changes nothing except your own understanding.
"""

import jax, jax.numpy as jnp
import numpy as np

N_NODES = 10000
DEG = 32
D_IN = 128
D_OUT = 128


def setup_inputs(seed: int = 0) -> dict:
    key = jax.random.key(seed)
    k1, k2, k3 = jax.random.split(key, 3)
    neighbors = jax.random.randint(k1, (N_NODES, DEG), 0, N_NODES, dtype=jnp.int32)
    emb_features = jax.random.normal(k2, (N_NODES, D_IN), dtype=jnp.float32)
    # Learned parameter of nn.Linear(in_dim, out_dim, bias=False): weight shape [out_dim, in_dim]
    W = jax.random.normal(k3, (D_OUT, D_IN), dtype=jnp.float32) / np.sqrt(D_IN)
    return {"neighbors": neighbors, "emb_features": emb_features, "W": W}


def reference(neighbors, emb_features, W):
    # torch: means = stack([mean(emb_features[neighbor], dim=0) for neighbor in neighbors])
    # Gather neighbor features [N, DEG, D_IN] then mean over neighbor axis.
    gathered = jnp.take(emb_features, neighbors, axis=0)
    means = jnp.mean(gathered, axis=1)
    # Linear(bias=False) + ReLU
    new_emb = jax.nn.relu(means @ W.T)
    # F.normalize(new_emb, p=2, dim=-1) with eps=1e-12
    norm = jnp.linalg.norm(new_emb, ord=2, axis=-1, keepdims=True)
    return new_emb / jnp.maximum(norm, 1e-12)

if __name__ == "__main__":
    import jax
    _d = setup_inputs()
    print(jax.jit(kernel)(*tuple(_d.values())))

</pallas_src>

<mosaic_0001>
#map = affine_map<(d0, d1) -> (0)>
#map1 = affine_map<(d0, d1) -> (0, 0)>
module attributes {stable_mosaic.version = 14 : i64} {
  func.func @k(%arg0: i32, %arg1: i32, %arg2: memref<327680xi32, #tpu.memory_space<hbm>>, %arg3: memref<10000x128xf32, #tpu.memory_space<hbm>>, %arg4: memref<10240x128xf32, #tpu.memory_space<hbm>>, %arg5: memref<10240xi32, #tpu.memory_space<vmem>>, %arg6: memref<80x128xf32, #tpu.memory_space<vmem>>, %arg7: memref<80x128xf32, #tpu.memory_space<vmem>>, %arg8: memref<!tpu.dma_semaphore, #tpu.memory_space<semaphore_mem>>, %arg9: memref<!tpu.dma_semaphore, #tpu.memory_space<semaphore_mem>>, %arg10: memref<!tpu.dma_semaphore, #tpu.memory_space<semaphore_mem>>, %arg11: memref<!tpu.dma_semaphore, #tpu.memory_space<semaphore_mem>>) attributes {dimension_semantics = [#tpu.dimension_semantics<core_parallel>, #tpu.dimension_semantics<subcore_parallel>], iteration_bounds = array<i64: 2, 16>, scalar_prefetch = 0 : i64, scratch_operands = 7 : i64, tpu.core_type = #tpu.core_type<sc_vector_subcore>, window_params = [{transform_indices = #map}, {transform_indices = #map1}, {transform_indices = #map1}]} {
    %mul3A = arith.constant 2 : i32
    %mul3A_0 = arith.muli %arg1, %mul3A : i32
    %add3A = arith.addi %mul3A_0, %arg0 : i32
    %mul3A_1 = arith.constant 320 : i32
    %mul3A_2 = arith.muli %add3A, %mul3A_1 : i32
    %mul3A_3 = arith.constant 32 : i32
    %mul3A_4 = arith.muli %add3A, %mul3A_3 : i32
    %mul3A_5 = arith.constant 320 : i32
    %mul3A_6 = arith.muli %mul3A_4, %mul3A_5 : i32
    %dma_start3A = tpu.memref_slice %arg2[%mul3A_6] : memref<327680xi32, #tpu.memory_space<hbm>> -> memref<10240xi32, #tpu.memory_space<hbm>>
    %dma_start3A_7 = tpu.memref_slice %arg2[%mul3A_6] : memref<327680xi32, #tpu.memory_space<hbm>> -> memref<10240xi32, #tpu.memory_space<hbm>>
    tpu.enqueue_dma source(%dma_start3A_7 : memref<10240xi32, #tpu.memory_space<hbm>>) target(%arg5 : memref<10240xi32, #tpu.memory_space<vmem>>) target_semaphore(%arg10 : memref<!tpu.dma_semaphore, #tpu.memory_space<semaphore_mem>>)
    %scan3A = arith.constant 0 : i32
    %scan3A_8 = arith.constant 80 : i32
    %scan3A_9 = arith.addi %scan3A, %scan3A_8 : i32
    %scan3A_10 = arith.constant 1 : i32
    scf.for %scan3A_1356 = %scan3A to %scan3A_9 step %scan3A_10  : i32 {
      %mul3A_1357 = arith.constant 1 : i32
      %mul3A_1358 = arith.muli %scan3A_1356, %mul3A_1357 : i32
      %add3A_1359 = arith.constant 0 : i32
      %add3A_1360 = arith.addi %add3A_1359, %mul3A_1358 : i32
      %scan3A_1361 = arith.constant 0 : i32
      %scan3A_1362 = arith.constant 8 : i32
      %scan3A_1363 = arith.addi %scan3A_1361, %scan3A_1362 : i32
      %scan3A_1364 = arith.constant 1 : i32
      scf.for %scan3A_1366 = %scan3A_1361 to %scan3A_1363 step %scan3A_1364  : i32 {
        %mul3A_1367 = arith.constant 16 : i32
        %mul3A_1368 = arith.muli %scan3A_1366, %mul3A_1367 : i32
        %add3A_1369 = arith.constant 0 : i32
        %add3A_1370 = arith.addi %add3A_1369, %mul3A_1368 : i32
        %broadcast_in_dim3A = arith.constant 0.000000e+00 : f32
        %broadcast_in_dim3A_1371 = vector.broadcast %broadcast_in_dim3A : f32 to vector<16xf32>
        %swap3A = arith.index_cast %add3A_1360 : i32 to index
        %swap3A_1372 = arith.index_cast %add3A_1370 : i32 to index
        %swap3A_1373 = tpu.vector_load %arg6[%swap3A, %swap3A_1372] {strides = array<i32>} : memref<80x128xf32, #tpu.memory_space<vmem>>, vector<1x16xf32>,
        %swap3A_1374 = vector.shape_cast %swap3A_1373 : vector<1x16xf32> to vector<16xf32>
        %swap3A_1375 = vector.shape_cast %broadcast_in_dim3A_1371 : vector<16xf32> to vector<1x16xf32>
        tpu.vector_store %arg6[%swap3A, %swap3A_1372], %swap3A_1375 {strides = array<i32>} : memref<80x128xf32, #tpu.memory_space<vmem>>, vector<1x16xf32>,
      }
      %scan3A_1365 = arith.constant 8 : i32
    }
    %scan3A_11 = arith.constant 80 : i32
    %scan3A_12 = arith.constant 0 : i32
    %scan3A_13 = arith.constant 80 : i32
    %scan3A_14 = arith.addi %scan3A_12, %scan3A_13 : i32
    %scan3A_15 = arith.constant 1 : i32
    scf.for %scan3A_1356 = %scan3A_12 to %scan3A_14 step %scan3A_15  : i32 {
      %mul3A_1357 = arith.constant 1 : i32
      %mul3A_1358 = arith.muli %scan3A_1356, %mul3A_1357 : i32
      %add3A_1359 = arith.constant 0 : i32
      %add3A_1360 = arith.addi %add3A_1359, %mul3A_1358 : i32
      %scan3A_1361 = arith.constant 0 : i32
      %scan3A_1362 = arith.constant 8 : i32
      %scan3A_1363 = arith.addi %scan3A_1361, %scan3A_1362 : i32
      %scan3A_1364 = arith.constant 1 : i32
      scf.for %scan3A_1366 = %scan3A_1361 to %scan3A_1363 step %scan3A_1364  : i32 {
        %mul3A_1367 = arith.constant 16 : i32
        %mul3A_1368 = arith.muli %scan3A_1366, %mul3A_1367 : i32
        %add3A_1369 = arith.constant 0 : i32
        %add3A_1370 = arith.addi %add3A_1369, %mul3A_1368 : i32
        %broadcast_in_dim3A = arith.constant 0.000000e+00 : f32
        %broadcast_in_dim3A_1371 = vector.broadcast %broadcast_in_dim3A : f32 to vector<16xf32>
        %swap3A = arith.index_cast %add3A_1360 : i32 to index
        %swap3A_1372 = arith.index_cast %add3A_1370 : i32 to index
        %swap3A_1373 = tpu.vector_load %arg7[%swap3A, %swap3A_1372] {strides = array<i32>} : memref<80x128xf32, #tpu.memory_space<vmem>>, vector<1x16xf32>,
        %swap3A_1374 = vector.shape_cast %swap3A_1373 : vector<1x16xf32> to vector<16xf32>
        %swap3A_1375 = vector.shape_cast %broadcast_in_dim3A_1371 : vector<16xf32> to vector<1x16xf32>
        tpu.vector_store %arg7[%swap3A, %swap3A_1372], %swap3A_1375 {strides = array<i32>} : memref<80x128xf32, #tpu.memory_space<vmem>>, vector<1x16xf32>,
      }
      %scan3A_1365 = arith.constant 8 : i32
    }
    %scan3A_16 = arith.constant 80 : i32
    %dma_wait3A = tpu.memref_slice %arg2[%mul3A_6] : memref<327680xi32, #tpu.memory_space<hbm>> -> memref<10240xi32, #tpu.memory_space<hbm>>
    %dma_wait3A_17 = tpu.memref_slice %arg2[%mul3A_6] : memref<327680xi32, #tpu.memory_space<hbm>> -> memref<10240xi32, #tpu.memory_space<hbm>>
    tpu.wait_dma2 semaphore(%arg10 : memref<!tpu.dma_semaphore, #tpu.memory_space<semaphore_mem>>) src(%dma_wait3A_17 : memref<10240xi32, #tpu.memory_space<hbm>>) dst(%arg5 : memref<10240xi32, #tpu.memory_space<vmem>>)
    %dma_start3A_18 = arith.constant 0 : i32
    %dma_start3A_19 = tpu.memref_slice %arg5[%dma_start3A_18] : memref<10240xi32, #tpu.memory_space<vmem>> -> memref<80xi32, #tpu.memory_space<vmem>>
    %dma_start3A_20 = arith.constant 0 : i32
    %dma_start3A_21 = arith.constant 0 : i32
    %dma_start3A_22 = tpu.memref_slice %arg3[%dma_start3A_20, %dma_start3A_21] : memref<10000x128xf32, #tpu.memory_space<hbm>> -> memref<10000x128xf32, #tpu.memory_space<hbm>>
    tpu.enqueue_indirect_dma source(%dma_start3A_22 : memref<10000x128xf32, #tpu.memory_space<hbm>>) target(%arg6 : memref<80x128xf32, #tpu.memory_space<vmem>>) offsets(%dma_start3A_19 : memref<80xi32, #tpu.memory_space<vmem>>) semaphore(%arg8 : memref<!tpu.dma_semaphore, #tpu.memory_space<semaphore_mem>>) {add = true}
    %dma_start3A_23 = arith.constant 320 : i32
    %dma_start3A_24 = tpu.memref_slice %arg5[%dma_start3A_23] : memref<10240xi32, #tpu.memory_space<vmem>> -> memref<80xi32, #tpu.memory_space<vmem>>
    %dma_start3A_25 = arith.constant 0 : i32
    %dma_start3A_26 = arith.constant 0 : i32
    %dma_start3A_27 = tpu.memref_slice %arg3[%dma_start3A_25, %dma_start3A_26] : memref<10000x128xf32, #tpu.memory_space<hbm>> -> memref<10000x128xf32, #tpu.memory_space<hbm>>
    tpu.enqueue_indirect_dma source(%dma_start3A_27 : memref<10000x128xf32, #tpu.memory_space<hbm>>) target(%arg6 : memref<80x128xf32, #tpu.memory_space<vmem>>) offsets(%dma_start3A_24 : memref<80xi32, #tpu.memory_space<vmem>>) semaphore(%arg8 : memref<!tpu.dma_semaphore, #tpu.memory_space<semaphore_mem>>) {add = true}
    %dma_start3A_28 = arith.constant 640 : i32
    %dma_start3A_29 = tpu.memref_slice %arg5[%dma_start3A_28] : memref<10240xi32, #tpu.memory_space<vmem>> -> memref<80xi32, #tpu.memory_space<vmem>>
    %dma_start3A_30 = arith.constant 0 : i32
    %dma_start3A_31 = arith.constant 0 : i32
    %dma_start3A_32 = tpu.memref_slice %arg3[%dma_start3A_30, %dma_start3A_31] : memref<10000x128xf32, #tpu.memory_space<hbm>> -> memref<10000x128xf32, #tpu.memory_space<hbm>>
    tpu.enqueue_indirect_dma source(%dma_start3A_32 : memref<10000x128xf32, #tpu.memory_space<hbm>>) target(%arg6 : memref<80x128xf32, #tpu.memory_space<vmem>>) offsets(%dma_start3A_29 : memref<80xi32, #tpu.memory_space<vmem>>) semaphore(%arg8 : memref<!tpu.dma_semaphore, #tpu.memory_space<semaphore_mem>>) {add = true}
    %dma_start3A_33 = arith.constant 960 : i32
    %dma_start3A_34 = tpu.memref_slice %arg5[%dma_start3A_33] : memref<10240xi32, #tpu.memory_space<vmem>> -> memref<80xi32, #tpu.memory_space<vmem>>
    %dma_start3A_35 = arith.constant 0 : i32
    %dma_start3A_36 = arith.constant 0 : i32
    %dma_start3A_37 = tpu.memref_slice %arg3[%dma_start3A_35, %dma_start3A_36] : memref<10000x128xf32, #tpu.memory_space<hbm>> -> memref<10000x128xf32, #tpu.memory_space<hbm>>
    tpu.enqueue_indirect_dma source(%dma_start3A_37 : memref<10000x128xf32, #tpu.memory_space<hbm>>) target(%arg6 : memref<80x128xf32, #tpu.memory_space<vmem>>) offsets(%dma_start3A_34 : memref<80xi32, #tpu.memory_space<vmem>>) semaphore(%arg8 : memref<!tpu.dma_semaphore, #tpu.memory_space<semaphore_mem>>) {add = true}
    %dma_start3A_38 = arith.constant 1280 : i32
    %dma_start3A_39 = tpu.memref_slice %arg5[%dma_start3A_38] : memref<10240xi32, #tpu.memory_space<vmem>> -> memref<80xi32, #tpu.memory_space<vmem>>
    %dma_start3A_40 = arith.constant 0 : i32
    %dma_start3A_41 = arith.constant 0 : i32
    %dma_start3A_42 = tpu.memref_slice %arg3[%dma_start3A_40, %dma_start3A_41] : memref<10000x128xf32, #tpu.memory_space<hbm>> -> memref<10000x128xf32, #tpu.memory_space<hbm>>
    tpu.enqueue_indirect_dma source(%dma_start3A_42 : memref<10000x128xf32, #tpu.memory_space<hbm>>) target(%arg6 : memref<80x128xf32, #tpu.memory_space<vmem>>) offsets(%dma_start3A_39 : memref<80xi32, #tpu.memory_space<vmem>>) semaphore(%arg8 : memref<!tpu.dma_semaphore, #tpu.memory_space<semaphore_mem>>) {add = true}
    %dma_start3A_43 = arith.constant 1600 : i32
    %dma_start3A_44 = tpu.memref_slice %arg5[%dma_start3A_43] : memref<10240xi32, #tpu.memory_space<vmem>> -> memref<80xi32, #tpu.memory_space<vmem>>
    %dma_start3A_45 = arith.constant 0 : i32
    %dma_start3A_46 = arith.constant 0 : i32
    %dma_start3A_47 = tpu.memref_slice %arg3[%dma_start3A_45, %dma_start3A_46] : memref<10000x128xf32, #tpu.memory_space<hbm>> -> memref<10000x128xf32, #tpu.memory_space<hbm>>
    tpu.enqueue_indirect_dma source(%dma_start3A_47 : memref<10000x128xf32, #tpu.memory_space<hbm>>) target(%arg6 : memref<80x128xf32, #tpu.memory_space<vmem>>) offsets(%dma_start3A_44 : memref<80xi32, #tpu.memory_space<vmem>>) semaphore(%arg8 : memref<!tpu.dma_semaphore, #tpu.memory_space<semaphore_mem>>) {add = true}
    %dma_start3A_48 = arith.constant 1920 : i32
    %dma_start3A_49 = tpu.memref_slice %arg5[%dma_start3A_48] : memref<10240xi32, #tpu.memory_space<vmem>> -> memref<80xi32, #tpu.memory_space<vmem>>
    %dma_start3A_50 = arith.constant 0 : i32
    %dma_start3A_51 = arith.constant 0 : i32
    %dma_start3A_52 = tpu.memref_slice %arg3[%dma_start3A_50, %dma_start3A_51] : memref<10000x128xf32, #tpu.memory_space<hbm>> -> memref<10000x128xf32, #tpu.memory_space<hbm>>
    tpu.enqueue_indirect_dma source(%dma_start3A_52 : memref<10000x128xf32, #tpu.memory_space<hbm>>) target(%arg6 : memref<80x128xf32, #tpu.memory_space<vmem>>) offsets(%dma_start3A_49 : memref<80xi32, #tpu.memory_space<vmem>>) semaphore(%arg8 : memref<!tpu.dma_semaphore, #tpu.memory_space<semaphore_mem>>) {add = true}
    %dma_start3A_53 = arith.constant 2240 : i32
    %dma_start3A_54 = tpu.memref_slice %arg5[%dma_start3A_53] : memref<10240xi32, #tpu.memory_space<vmem>> -> memref<80xi32, #tpu.memory_space<vmem>>
    %dma_start3A_55 = arith.constant 0 : i32
    %dma_start3A_56 = arith.constant 0 : i32
    %dma_start3A_57 = tpu.memref_slice %arg3[%dma_start3A_55, %dma_start3A_56] : memref<10000x128xf32, #tpu.memory_space<hbm>> -> memref<10000x128xf32, #tpu.memory_space<hbm>>
    tpu.enqueue_indirect_dma source(%dma_start3A_57 : memref<10000x128xf32, #tpu.memory_space<hbm>>) target(%arg6 : memref<80x128xf32, #tpu.memory_space<vmem>>) offsets(%dma_start3A_54 : memref<80xi32, #tpu.memory_space<vmem>>) semaphore(%arg8 : memref<!tpu.dma_semaphore, #tpu.memory_space<semaphore_mem>>) {add = true}
    %dma_start3A_58 = arith.constant 2560 : i32
    %dma_start3A_59 = tpu.memref_slice %arg5[%dma_start3A_58] : memref<10240xi32, #tpu.memory_space<vmem>> -> memref<80xi32, #tpu.memory_space<vmem>>
    %dma_start3A_60 = arith.constant 0 : i32
    %dma_start3A_61 = arith.constant 0 : i32
    %dma_start3A_62 = tpu.memref_slice %arg3[%dma_start3A_60, %dma_start3A_61] : memref<10000x128xf32, #tpu.memory_space<hbm>> -> memref<10000x128xf32, #tpu.memory_space<hbm>>
    tpu.enqueue_indirect_dma source(%dma_start3A_62 : memref<10000x128xf32, #tpu.memory_space<hbm>>) target(%arg6 : memref<80x128xf32, #tpu.memory_space<vmem>>) offsets(%dma_start3A_59 : memref<80xi32, #tpu.memory_space<vmem>>) semaphore(%arg8 : memref<!tpu.dma_semaphore, #tpu.memory_space<semaphore_mem>>) {add = true}
    %dma_start3A_63 = arith.constant 2880 : i32
    %dma_start3A_64 = tpu.memref_slice %arg5[%dma_start3A_63] : memref<10240xi32, #tpu.memory_space<vmem>> -> memref<80xi32, #tpu.memory_space<vmem>>
    %dma_start3A_65 = arith.constant 0 : i32
    %dma_start3A_66 = arith.constant 0 : i32
    %dma_start3A_67 = tpu.memref_slice %arg3[%dma_start3A_65, %dma_start3A_66] : memref<10000x128xf32, #tpu.memory_space<hbm>> -> memref<10000x128xf32, #tpu.memory_space<hbm>>
    tpu.enqueue_indirect_dma source(%dma_start3A_67 : memref<10000x128xf32, #tpu.memory_space<hbm>>) target(%arg6 : memref<80x128xf32, #tpu.memory_space<vmem>>) offsets(%dma_start3A_64 : memref<80xi32, #tpu.memory_space<vmem>>) semaphore(%arg8 : memref<!tpu.dma_semaphore, #tpu.memory_space<semaphore_mem>>) {add = true}
    %dma_start3A_68 = arith.constant 3200 : i32
    %dma_start3A_69 = tpu.memref_slice %arg5[%dma_start3A_68] : memref<10240xi32, #tpu.memory_space<vmem>> -> memref<80xi32, #tpu.memory_space<vmem>>
    %dma_start3A_70 = arith.constant 0 : i32
    %dma_start3A_71 = arith.constant 0 : i32
    %dma_start3A_72 = tpu.memref_slice %arg3[%dma_start3A_70, %dma_start3A_71] : memref<10000x128xf32, #tpu.memory_space<hbm>> -> memref<10000x128xf32, #tpu.memory_space<hbm>>
    tpu.enqueue_indirect_dma source(%dma_start3A_72 : memref<10000x128xf32, #tpu.memory_space<hbm>>) target(%arg6 : memref<80x128xf32, #tpu.memory_space<vmem>>) offsets(%dma_start3A_69 : memref<80xi32, #tpu.memory_space<vmem>>) semaphore(%arg8 : memref<!tpu.dma_semaphore, #tpu.memory_space<semaphore_mem>>) {add = true}
    %dma_start3A_73 = arith.constant 3520 : i32
    %dma_start3A_74 = tpu.memref_slice %arg5[%dma_start3A_73] : memref<10240xi32, #tpu.memory_space<vmem>> -> memref<80xi32, #tpu.memory_space<vmem>>
    %dma_start3A_75 = arith.constant 0 : i32
    %dma_start3A_76 = arith.constant 0 : i32
    %dma_start3A_77 = tpu.memref_slice %arg3[%dma_start3A_75, %dma_start3A_76] : memref<10000x128xf32, #tpu.memory_space<hbm>> -> memref<10000x128xf32, #tpu.memory_space<hbm>>
    tpu.enqueue_indirect_dma source(%dma_start3A_77 : memref<10000x128xf32, #tpu.memory_space<hbm>>) target(%arg6 : memref<80x128xf32, #tpu.memory_space<vmem>>) offsets(%dma_start3A_74 : memref<80xi32, #tpu.memory_space<vmem>>) semaphore(%arg8 : memref<!tpu.dma_semaphore, #tpu.memory_space<semaphore_mem>>) {add = true}
    %dma_start3A_78 = arith.constant 3840 : i32
    %dma_start3A_79 = tpu.memref_slice %arg5[%dma_start3A_78] : memref<10240xi32, #tpu.memory_space<vmem>> -> memref<80xi32, #tpu.memory_space<vmem>>
    %dma_start3A_80 = arith.constant 0 : i32
    %dma_start3A_81 = arith.constant 0 : i32
    %dma_start3A_82 = tpu.memref_slice %arg3[%dma_start3A_80, %dma_start3A_81] : memref<10000x128xf32, #tpu.memory_space<hbm>> -> memref<10000x128xf32, #tpu.memory_space<hbm>>
    tpu.enqueue_indirect_dma source(%dma_start3A_82 : memref<10000x128xf32, #tpu.memory_space<hbm>>) target(%arg6 : memref<80x128xf32, #tpu.memory_space<vmem>>) offsets(%dma_start3A_79 : memref<80xi32, #tpu.memory_space<vmem>>) semaphore(%arg8 : memref<!tpu.dma_semaphore, #tpu.memory_space<semaphore_mem>>) {add = true}
    %dma_start3A_83 = arith.constant 4160 : i32
    %dma_start3A_84 = tpu.memref_slice %arg5[%dma_start3A_83] : memref<10240xi32, #tpu.memory_space<vmem>> -> memref<80xi32, #tpu.memory_space<vmem>>
    %dma_start3A_85 = arith.constant 0 : i32
    %dma_start3A_86 = arith.constant 0 : i32
    %dma_start3A_87 = tpu.memref_slice %arg3[%dma_start3A_85, %dma_start3A_86] : memref<10000x128xf32, #tpu.memory_space<hbm>> -> memref<10000x128xf32, #tpu.memory_space<hbm>>
    tpu.enqueue_indirect_dma source(%dma_start3A_87 : memref<10000x128xf32, #tpu.memory_space<hbm>>) target(%arg6 : memref<80x128xf32, #tpu.memory_space<vmem>>) offsets(%dma_start3A_84 : memref<80xi32, #tpu.memory_space<vmem>>) semaphore(%arg8 : memref<!tpu.dma_semaphore, #tpu.memory_space<semaphore_mem>>) {add = true}
    %dma_start3A_88 = arith.constant 4480 : i32
    %dma_start3A_89 = tpu.memref_slice %arg5[%dma_start3A_88] : memref<10240xi32, #tpu.memory_space<vmem>> -> memref<80xi32, #tpu.memory_space<vmem>>
    %dma_start3A_90 = arith.constant 0 : i32
    %dma_start3A_91 = arith.constant 0 : i32
    %dma_start3A_92 = tpu.memref_slice %arg3[%dma_start3A_90, %dma_start3A_91] : memref<10000x128xf32, #tpu.memory_space<hbm>> -> memref<10000x128xf32, #tpu.memory_space<hbm>>
    tpu.enqueue_indirect_dma source(%dma_start3A_92 : memref<10000x128xf32, #tpu.memory_space<hbm>>) target(%arg6 : memref<80x128xf32, #tpu.memory_space<vmem>>) offsets(%dma_start3A_89 : memref<80xi32, #tpu.memory_space<vmem>>) semaphore(%arg8 : memref<!tpu.dma_semaphore, #tpu.memory_space<semaphore_mem>>) {add = true}
    %dma_start3A_93 = arith.constant 4800 : i32
    %dma_start3A_94 = tpu.memref_slice %arg5[%dma_start3A_93] : memref<10240xi32, #tpu.memory_space<vmem>> -> memref<80xi32, #tpu.memory_space<vmem>>
    %dma_start3A_95 = arith.constant 0 : i32
    %dma_start3A_96 = arith.constant 0 : i32
    %dma_start3A_97 = tpu.memref_slice %arg3[%dma_start3A_95, %dma_start3A_96] : memref<10000x128xf32, #tpu.memory_space<hbm>> -> memref<10000x128xf32, #tpu.memory_space<hbm>>
    tpu.enqueue_indirect_dma source(%dma_start3A_97 : memref<10000x128xf32, #tpu.memory_space<hbm>>) target(%arg6 : memref<80x128xf32, #tpu.memory_space<vmem>>) offsets(%dma_start3A_94 : memref<80xi32, #tpu.memory_space<vmem>>) semaphore(%arg8 : memref<!tpu.dma_semaphore, #tpu.memory_space<semaphore_mem>>) {add = true}
    %dma_start3A_98 = arith.constant 5120 : i32
    %dma_start3A_99 = tpu.memref_slice %arg5[%dma_start3A_98] : memref<10240xi32, #tpu.memory_space<vmem>> -> memref<80xi32, #tpu.memory_space<vmem>>
    %dma_start3A_100 = arith.constant 0 : i32
    %dma_start3A_101 = arith.constant 0 : i32
    %dma_start3A_102 = tpu.memref_slice %arg3[%dma_start3A_100, %dma_start3A_101] : memref<10000x128xf32, #tpu.memory_space<hbm>> -> memref<10000x128xf32, #tpu.memory_space<hbm>>
    tpu.enqueue_indirect_dma source(%dma_start3A_102 : memref<10000x128xf32, #tpu.memory_space<hbm>>) target(%arg6 : memref<80x128xf32, #tpu.memory_space<vmem>>) offsets(%dma_start3A_99 : memref<80xi32, #tpu.memory_space<vmem>>) semaphore(%arg8 : memref<!tpu.dma_semaphore, #tpu.memory_space<semaphore_mem>>) {add = true}
    %dma_start3A_103 = arith.constant 5440 : i32
    %dma_start3A_104 = tpu.memref_slice %arg5[%dma_start3A_103] : memref<10240xi32, #tpu.memory_space<vmem>> -> memref<80xi32, #tpu.memory_space<vmem>>
    %dma_start3A_105 = arith.constant 0 : i32
    %dma_start3A_106 = arith.constant 0 : i32
    %dma_start3A_107 = tpu.memref_slice %arg3[%dma_start3A_105, %dma_start3A_106] : memref<10000x128xf32, #tpu.memory_space<hbm>> -> memref<10000x128xf32, #tpu.memory_space<hbm>>
    tpu.enqueue_indirect_dma source(%dma_start3A_107 : memref<10000x128xf32, #tpu.memory_space<hbm>>) target(%arg6 : memref<80x128xf32, #tpu.memory_space<vmem>>) offsets(%dma_start3A_104 : memref<80xi32, #tpu.memory_space<vmem>>) semaphore(%arg8 : memref<!tpu.dma_semaphore, #tpu.memory_space<semaphore_mem>>) {add = true}
    %dma_start3A_108 = arith.constant 5760 : i32
    %dma_start3A_109 = tpu.memref_slice %arg5[%dma_start3A_108] : memref<10240xi32, #tpu.memory_space<vmem>> -> memref<80xi32, #tpu.memory_space<vmem>>
    %dma_start3A_110 = arith.constant 0 : i32
    %dma_start3A_111 = arith.constant 0 : i32
    %dma_start3A_112 = tpu.memref_slice %arg3[%dma_start3A_110, %dma_start3A_111] : memref<10000x128xf32, #tpu.memory_space<hbm>> -> memref<10000x128xf32, #tpu.memory_space<hbm>>
    tpu.enqueue_indirect_dma source(%dma_start3A_112 : memref<10000x128xf32, #tpu.memory_space<hbm>>) target(%arg6 : memref<80x128xf32, #tpu.memory_space<vmem>>) offsets(%dma_start3A_109 : memref<80xi32, #tpu.memory_space<vmem>>) semaphore(%arg8 : memref<!tpu.dma_semaphore, #tpu.memory_space<semaphore_mem>>) {add = true}
    %dma_start3A_113 = arith.constant 6080 : i32
    %dma_start3A_114 = tpu.memref_slice %arg5[%dma_start3A_113] : memref<10240xi32, #tpu.memory_space<vmem>> -> memref<80xi32, #tpu.memory_space<vmem>>
    %dma_start3A_115 = arith.constant 0 : i32
    %dma_start3A_116 = arith.constant 0 : i32
    %dma_start3A_117 = tpu.memref_slice %arg3[%dma_start3A_115, %dma_start3A_116] : memref<10000x128xf32, #tpu.memory_space<hbm>> -> memref<10000x128xf32, #tpu.memory_space<hbm>>
    tpu.enqueue_indirect_dma source(%dma_start3A_117 : memref<10000x128xf32, #tpu.memory_space<hbm>>) target(%arg6 : memref<80x128xf32, #tpu.memory_space<vmem>>) offsets(%dma_start3A_114 : memref<80xi32, #tpu.memory_space<vmem>>) semaphore(%arg8 : memref<!tpu.dma_semaphore, #tpu.memory_space<semaphore_mem>>) {add = true}
    %dma_start3A_118 = arith.constant 6400 : i32
    %dma_start3A_119 = tpu.memref_slice %arg5[%dma_start3A_118] : memref<10240xi32, #tpu.memory_space<vmem>> -> memref<80xi32, #tpu.memory_space<vmem>>
    %dma_start3A_120 = arith.constant 0 : i32
    %dma_start3A_121 = arith.constant 0 : i32
    %dma_start3A_122 = tpu.memref_slice %arg3[%dma_start3A_120, %dma_start3A_121] : memref<10000x128xf32, #tpu.memory_space<hbm>> -> memref<10000x128xf32, #tpu.memory_space<hbm>>
    tpu.enqueue_indirect_dma source(%dma_start3A_122 : memref<10000x128xf32, #tpu.memory_space<hbm>>) target(%arg6 : memref<80x128xf32, #tpu.memory_space<vmem>>) offsets(%dma_start3A_119 : memref<80xi32, #tpu.memory_space<vmem>>) semaphore(%arg8 : memref<!tpu.dma_semaphore, #tpu.memory_space<semaphore_mem>>) {add = true}
    %dma_start3A_123 = arith.constant 6720 : i32
    %dma_start3A_124 = tpu.memref_slice %arg5[%dma_start3A_123] : memref<10240xi32, #tpu.memory_space<vmem>> -> memref<80xi32, #tpu.memory_space<vmem>>
    %dma_start3A_125 = arith.constant 0 : i32
    %dma_start3A_126 = arith.constant 0 : i32
    %dma_start3A_127 = tpu.memref_slice %arg3[%dma_start3A_125, %dma_start3A_126] : memref<10000x128xf32, #tpu.memory_space<hbm>> -> memref<10000x128xf32, #tpu.memory_space<hbm>>
    tpu.enqueue_indirect_dma source(%dma_start3A_127 : memref<10000x128xf32, #tpu.memory_space<hbm>>) target(%arg6 : memref<80x128xf32, #tpu.memory_space<vmem>>) offsets(%dma_start3A_124 : memref<80xi32, #tpu.memory_space<vmem>>) semaphore(%arg8 : memref<!tpu.dma_semaphore, #tpu.memory_space<semaphore_mem>>) {add = true}
    %dma_start3A_128 = arith.constant 7040 : i32
    %dma_start3A_129 = tpu.memref_slice %arg5[%dma_start3A_128] : memref<10240xi32, #tpu.memory_space<vmem>> -> memref<80xi32, #tpu.memory_space<vmem>>
    %dma_start3A_130 = arith.constant 0 : i32
    %dma_start3A_131 = arith.constant 0 : i32
    %dma_start3A_132 = tpu.memref_slice %arg3[%dma_start3A_130, %dma_start3A_131] : memref<10000x128xf32, #tpu.memory_space<hbm>> -> memref<10000x128xf32, #tpu.memory_space<hbm>>
    tpu.enqueue_indirect_dma source(%dma_start3A_132 : memref<10000x128xf32, #tpu.memory_space<hbm>>) target(%arg6 : memref<80x128xf32, #tpu.memory_space<vmem>>) offsets(%dma_start3A_129 : memref<80xi32, #tpu.memory_space<vmem>>) semaphore(%arg8 : memref<!tpu.dma_semaphore, #tpu.memory_space<semaphore_mem>>) {add = true}
    %dma_start3A_133 = arith.constant 7360 : i32
    %dma_start3A_134 = tpu.memref_slice %arg5[%dma_start3A_133] : memref<10240xi32, #tpu.memory_space<vmem>> -> memref<80xi32, #tpu.memory_space<vmem>>
    %dma_start3A_135 = arith.constant 0 : i32
    %dma_start3A_136 = arith.constant 0 : i32
    %dma_start3A_137 = tpu.memref_slice %arg3[%dma_start3A_135, %dma_start3A_136] : memref<10000x128xf32, #tpu.memory_space<hbm>> -> memref<10000x128xf32, #tpu.memory_space<hbm>>
    tpu.enqueue_indirect_dma source(%dma_start3A_137 : memref<10000x128xf32, #tpu.memory_space<hbm>>) target(%arg6 : memref<80x128xf32, #tpu.memory_space<vmem>>) offsets(%dma_start3A_134 : memref<80xi32, #tpu.memory_space<vmem>>) semaphore(%arg8 : memref<!tpu.dma_semaphore, #tpu.memory_space<semaphore_mem>>) {add = true}
    %dma_start3A_138 = arith.constant 7680 : i32
    %dma_start3A_139 = tpu.memref_slice %arg5[%dma_start3A_138] : memref<10240xi32, #tpu.memory_space<vmem>> -> memref<80xi32, #tpu.memory_space<vmem>>
    %dma_start3A_140 = arith.constant 0 : i32
    %dma_start3A_141 = arith.constant 0 : i32
    %dma_start3A_142 = tpu.memref_slice %arg3[%dma_start3A_140, %dma_start3A_141] : memref<10000x128xf32, #tpu.memory_space<hbm>> -> memref<10000x128xf32, #tpu.memory_space<hbm>>
    tpu.enqueue_indirect_dma source(%dma_start3A_142 : memref<10000x128xf32, #tpu.memory_space<hbm>>) target(%arg6 : memref<80x128xf32, #tpu.memory_space<vmem>>) offsets(%dma_start3A_139 : memref<80xi32, #tpu.memory_space<vmem>>) semaphore(%arg8 : memref<!tpu.dma_semaphore, #tpu.memory_space<semaphore_mem>>) {add = true}
    %dma_start3A_143 = arith.constant 8000 : i32
    %dma_start3A_144 = tpu.memref_slice %arg5[%dma_start3A_143] : memref<10240xi32, #tpu.memory_space<vmem>> -> memref<80xi32, #tpu.memory_space<vmem>>
    %dma_start3A_145 = arith.constant 0 : i32
    %dma_start3A_146 = arith.constant 0 : i32
    %dma_start3A_147 = tpu.memref_slice %arg3[%dma_start3A_145, %dma_start3A_146] : memref<10000x128xf32, #tpu.memory_space<hbm>> -> memref<10000x128xf32, #tpu.memory_space<hbm>>
    tpu.enqueue_indirect_dma source(%dma_start3A_147 : memref<10000x128xf32, #tpu.memory_space<hbm>>) target(%arg6 : memref<80x128xf32, #tpu.memory_space<vmem>>) offsets(%dma_start3A_144 : memref<80xi32, #tpu.memory_space<vmem>>) semaphore(%arg8 : memref<!tpu.dma_semaphore, #tpu.memory_space<semaphore_mem>>) {add = true}
    %dma_start3A_148 = arith.constant 8320 : i32
    %dma_start3A_149 = tpu.memref_slice %arg5[%dma_start3A_148] : memref<10240xi32, #tpu.memory_space<vmem>> -> memref<80xi32, #tpu.memory_space<vmem>>
    %dma_start3A_150 = arith.constant 0 : i32
    %dma_start3A_151 = arith.constant 0 : i32
    %dma_start3A_152 = tpu.memref_slice %arg3[%dma_start3A_150, %dma_start3A_151] : memref<10000x128xf32, #tpu.memory_space<hbm>> -> memref<10000x128xf32, #tpu.memory_space<hbm>>
    tpu.enqueue_indirect_dma source(%dma_start3A_152 : memref<10000x128xf32, #tpu.memory_space<hbm>>) target(%arg6 : memref<80x128xf32, #tpu.memory_space<vmem>>) offsets(%dma_start3A_149 : memref<80xi32, #tpu.memory_space<vmem>>) semaphore(%arg8 : memref<!tpu.dma_semaphore, #tpu.memory_space<semaphore_mem>>) {add = true}
    %dma_start3A_153 = arith.constant 8640 : i32
    %dma_start3A_154 = tpu.memref_slice %arg5[%dma_start3A_153] : memref<10240xi32, #tpu.memory_space<vmem>> -> memref<80xi32, #tpu.memory_space<vmem>>
    %dma_start3A_155 = arith.constant 0 : i32
    %dma_start3A_156 = arith.constant 0 : i32
    %dma_start3A_157 = tpu.memref_slice %arg3[%dma_start3A_155, %dma_start3A_156] : memref<10000x128xf32, #tpu.memory_space<hbm>> -> memref<10000x128xf32, #tpu.memory_space<hbm>>
    tpu.enqueue_indirect_dma source(%dma_start3A_157 : memref<10000x128xf32, #tpu.memory_space<hbm>>) target(%arg6 : memref<80x128xf32, #tpu.memory_space<vmem>>) offsets(%dma_start3A_154 : memref<80xi32, #tpu.memory_space<vmem>>) semaphore(%arg8 : memref<!tpu.dma_semaphore, #tpu.memory_space<semaphore_mem>>) {add = true}
    %dma_start3A_158 = arith.constant 8960 : i32
    %dma_start3A_159 = tpu.memref_slice %arg5[%dma_start3A_158] : memref<10240xi32, #tpu.memory_space<vmem>> -> memref<80xi32, #tpu.memory_space<vmem>>
    %dma_start3A_160 = arith.constant 0 : i32
    %dma_start3A_161 = arith.constant 0 : i32
    %dma_start3A_162 = tpu.memref_slice %arg3[%dma_start3A_160, %dma_start3A_161] : memref<10000x128xf32, #tpu.memory_space<hbm>> -> memref<10000x128xf32, #tpu.memory_space<hbm>>
    tpu.enqueue_indirect_dma source(%dma_start3A_162 : memref<10000x128xf32, #tpu.memory_space<hbm>>) target(%arg6 : memref<80x128xf32, #tpu.memory_space<vmem>>) offsets(%dma_start3A_159 : memref<80xi32, #tpu.memory_space<vmem>>) semaphore(%arg8 : memref<!tpu.dma_semaphore, #tpu.memory_space<semaphore_mem>>) {add = true}
    %dma_start3A_163 = arith.constant 9280 : i32
    %dma_start3A_164 = tpu.memref_slice %arg5[%dma_start3A_163] : memref<10240xi32, #tpu.memory_space<vmem>> -> memref<80xi32, #tpu.memory_space<vmem>>
    %dma_start3A_165 = arith.constant 0 : i32
    %dma_start3A_166 = arith.constant 0 : i32
    %dma_start3A_167 = tpu.memref_slice %arg3[%dma_start3A_165, %dma_start3A_166] : memref<10000x128xf32, #tpu.memory_space<hbm>> -> memref<10000x128xf32, #tpu.memory_space<hbm>>
    tpu.enqueue_indirect_dma source(%dma_start3A_167 : memref<10000x128xf32, #tpu.memory_space<hbm>>) target(%arg6 : memref<80x128xf32, #tpu.memory_space<vmem>>) offsets(%dma_start3A_164 : memref<80xi32, #tpu.memory_space<vmem>>) semaphore(%arg8 : memref<!tpu.dma_semaphore, #tpu.memory_space<semaphore_mem>>) {add = true}
    %dma_start3A_168 = arith.constant 9600 : i32
    %dma_start3A_169 = tpu.memref_slice %arg5[%dma_start3A_168] : memref<10240xi32, #tpu.memory_space<vmem>> -> memref<80xi32, #tpu.memory_space<vmem>>
    %dma_start3A_170 = arith.constant 0 : i32
    %dma_start3A_171 = arith.constant 0 : i32
    %dma_start3A_172 = tpu.memref_slice %arg3[%dma_start3A_170, %dma_start3A_171] : memref<10000x128xf32, #tpu.memory_space<hbm>> -> memref<10000x128xf32, #tpu.memory_space<hbm>>
    tpu.enqueue_indirect_dma source(%dma_start3A_172 : memref<10000x128xf32, #tpu.memory_space<hbm>>) target(%arg6 : memref<80x128xf32, #tpu.memory_space<vmem>>) offsets(%dma_start3A_169 : memref<80xi32, #tpu.memory_space<vmem>>) semaphore(%arg8 : memref<!tpu.dma_semaphore, #tpu.memory_space<semaphore_mem>>) {add = true}
    %dma_start3A_173 = arith.constant 9920 : i32
    %dma_start3A_174 = tpu.memref_slice %arg5[%dma_start3A_173] : memref<10240xi32, #tpu.memory_space<vmem>> -> memref<80xi32, #tpu.memory_space<vmem>>
    %dma_start3A_175 = arith.constant 0 : i32
    %dma_start3A_176 = arith.constant 0 : i32
    %dma_start3A_177 = tpu.memref_slice %arg3[%dma_start3A_175, %dma_start3A_176] : memref<10000x128xf32, #tpu.memory_space<hbm>> -> memref<10000x128xf32, #tpu.memory_space<hbm>>
    tpu.enqueue_indirect_dma source(%dma_start3A_177 : memref<10000x128xf32, #tpu.memory_space<hbm>>) target(%arg6 : memref<80x128xf32, #tpu.memory_space<vmem>>) offsets(%dma_start3A_174 : memref<80xi32, #tpu.memory_space<vmem>>) semaphore(%arg8 : memref<!tpu.dma_semaphore, #tpu.memory_space<semaphore_mem>>) {add = true}
    %dma_start3A_178 = arith.constant 80 : i32
    %dma_start3A_179 = tpu.memref_slice %arg5[%dma_start3A_178] : memref<10240xi32, #tpu.memory_space<vmem>> -> memref<80xi32, #tpu.memory_space<vmem>>
    %dma_start3A_180 = arith.constant 0 : i32
    %dma_start3A_181 = arith.constant 0 : i32
    %dma_start3A_182 = tpu.memref_slice %arg3[%dma_start3A_180, %dma_start3A_181] : memref<10000x128xf32, #tpu.memory_space<hbm>> -> memref<10000x128xf32, #tpu.memory_space<hbm>>
    tpu.enqueue_indirect_dma source(%dma_start3A_182 : memref<10000x128xf32, #tpu.memory_space<hbm>>) target(%arg7 : memref<80x128xf32, #tpu.memory_space<vmem>>) offsets(%dma_start3A_179 : memref<80xi32, #tpu.memory_space<vmem>>) semaphore(%arg9 : memref<!tpu.dma_semaphore, #tpu.memory_space<semaphore_mem>>) {add = true}
    %dma_start3A_183 = arith.constant 400 : i32
    %dma_start3A_184 = tpu.memref_slice %arg5[%dma_start3A_183] : memref<10240xi32, #tpu.memory_space<vmem>> -> memref<80xi32, #tpu.memory_space<vmem>>
    %dma_start3A_185 = arith.constant 0 : i32
    %dma_start3A_186 = arith.constant 0 : i32
    %dma_start3A_187 = tpu.memref_slice %arg3[%dma_start3A_185, %dma_start3A_186] : memref<10000x128xf32, #tpu.memory_space<hbm>> -> memref<10000x128xf32, #tpu.memory_space<hbm>>
    tpu.enqueue_indirect_dma source(%dma_start3A_187 : memref<10000x128xf32, #tpu.memory_space<hbm>>) target(%arg7 : memref<80x128xf32, #tpu.memory_space<vmem>>) offsets(%dma_start3A_184 : memref<80xi32, #tpu.memory_space<vmem>>) semaphore(%arg9 : memref<!tpu.dma_semaphore, #tpu.memory_space<semaphore_mem>>) {add = true}
    %dma_start3A_188 = arith.constant 720 : i32
    %dma_start3A_189 = tpu.memref_slice %arg5[%dma_start3A_188] : memref<10240xi32, #tpu.memory_space<vmem>> -> memref<80xi32, #tpu.memory_space<vmem>>
    %dma_start3A_190 = arith.constant 0 : i32
    %dma_start3A_191 = arith.constant 0 : i32
    %dma_start3A_192 = tpu.memref_slice %arg3[%dma_start3A_190, %dma_start3A_191] : memref<10000x128xf32, #tpu.memory_space<hbm>> -> memref<10000x128xf32, #tpu.memory_space<hbm>>
    tpu.enqueue_indirect_dma source(%dma_start3A_192 : memref<10000x128xf32, #tpu.memory_space<hbm>>) target(%arg7 : memref<80x128xf32, #tpu.memory_space<vmem>>) offsets(%dma_start3A_189 : memref<80xi32, #tpu.memory_space<vmem>>) semaphore(%arg9 : memref<!tpu.dma_semaphore, #tpu.memory_space<semaphore_mem>>) {add = true}
    %dma_start3A_193 = arith.constant 1040 : i32
    %dma_start3A_194 = tpu.memref_slice %arg5[%dma_start3A_193] : memref<10240xi32, #tpu.memory_space<vmem>> -> memref<80xi32, #tpu.memory_space<vmem>>
    %dma_start3A_195 = arith.constant 0 : i32
    %dma_start3A_196 = arith.constant 0 : i32
    %dma_start3A_197 = tpu.memref_slice %arg3[%dma_start3A_195, %dma_start3A_196] : memref<10000x128xf32, #tpu.memory_space<hbm>> -> memref<10000x128xf32, #tpu.memory_space<hbm>>
    tpu.enqueue_indirect_dma source(%dma_start3A_197 : memref<10000x128xf32, #tpu.memory_space<hbm>>) target(%arg7 : memref<80x128xf32, #tpu.memory_space<vmem>>) offsets(%dma_start3A_194 : memref<80xi32, #tpu.memory_space<vmem>>) semaphore(%arg9 : memref<!tpu.dma_semaphore, #tpu.memory_space<semaphore_mem>>) {add = true}
    %dma_start3A_198 = arith.constant 1360 : i32
    %dma_start3A_199 = tpu.memref_slice %arg5[%dma_start3A_198] : memref<10240xi32, #tpu.memory_space<vmem>> -> memref<80xi32, #tpu.memory_space<vmem>>
    %dma_start3A_200 = arith.constant 0 : i32
    %dma_start3A_201 = arith.constant 0 : i32
    %dma_start3A_202 = tpu.memref_slice %arg3[%dma_start3A_200, %dma_start3A_201] : memref<10000x128xf32, #tpu.memory_space<hbm>> -> memref<10000x128xf32, #tpu.memory_space<hbm>>
    tpu.enqueue_indirect_dma source(%dma_start3A_202 : memref<10000x128xf32, #tpu.memory_space<hbm>>) target(%arg7 : memref<80x128xf32, #tpu.memory_space<vmem>>) offsets(%dma_start3A_199 : memref<80xi32, #tpu.memory_space<vmem>>) semaphore(%arg9 : memref<!tpu.dma_semaphore, #tpu.memory_space<semaphore_mem>>) {add = true}
    %dma_start3A_203 = arith.constant 1680 : i32
    %dma_start3A_204 = tpu.memref_slice %arg5[%dma_start3A_203] : memref<10240xi32, #tpu.memory_space<vmem>> -> memref<80xi32, #tpu.memory_space<vmem>>
    %dma_start3A_205 = arith.constant 0 : i32
    %dma_start3A_206 = arith.constant 0 : i32
    %dma_start3A_207 = tpu.memref_slice %arg3[%dma_start3A_205, %dma_start3A_206] : memref<10000x128xf32, #tpu.memory_space<hbm>> -> memref<10000x128xf32, #tpu.memory_space<hbm>>
    tpu.enqueue_indirect_dma source(%dma_start3A_207 : memref<10000x128xf32, #tpu.memory_space<hbm>>) target(%arg7 : memref<80x128xf32, #tpu.memory_space<vmem>>) offsets(%dma_start3A_204 : memref<80xi32, #tpu.memory_space<vmem>>) semaphore(%arg9 : memref<!tpu.dma_semaphore, #tpu.memory_space<semaphore_mem>>) {add = true}
    %dma_start3A_208 = arith.constant 2000 : i32
    %dma_start3A_209 = tpu.memref_slice %arg5[%dma_start3A_208] : memref<10240xi32, #tpu.memory_space<vmem>> -> memref<80xi32, #tpu.memory_space<vmem>>
    %dma_start3A_210 = arith.constant 0 : i32
    %dma_start3A_211 = arith.constant 0 : i32
    %dma_start3A_212 = tpu.memref_slice %arg3[%dma_start3A_210, %dma_start3A_211] : memref<10000x128xf32, #tpu.memory_space<hbm>> -> memref<10000x128xf32, #tpu.memory_space<hbm>>
    tpu.enqueue_indirect_dma source(%dma_start3A_212 : memref<10000x128xf32, #tpu.memory_space<hbm>>) target(%arg7 : memref<80x128xf32, #tpu.memory_space<vmem>>) offsets(%dma_start3A_209 : memref<80xi32, #tpu.memory_space<vmem>>) semaphore(%arg9 : memref<!tpu.dma_semaphore, #tpu.memory_space<semaphore_mem>>) {add = true}
    %dma_start3A_213 = arith.constant 2320 : i32
    %dma_start3A_214 = tpu.memref_slice %arg5[%dma_start3A_213] : memref<10240xi32, #tpu.memory_space<vmem>> -> memref<80xi32, #tpu.memory_space<vmem>>
    %dma_start3A_215 = arith.constant 0 : i32
    %dma_start3A_216 = arith.constant 0 : i32
    %dma_start3A_217 = tpu.memref_slice %arg3[%dma_start3A_215, %dma_start3A_216] : memref<10000x128xf32, #tpu.memory_space<hbm>> -> memref<10000x128xf32, #tpu.memory_space<hbm>>
    tpu.enqueue_indirect_dma source(%dma_start3A_217 : memref<10000x128xf32, #tpu.memory_space<hbm>>) target(%arg7 : memref<80x128xf32, #tpu.memory_space<vmem>>) offsets(%dma_start3A_214 : memref<80xi32, #tpu.memory_space<vmem>>) semaphore(%arg9 : memref<!tpu.dma_semaphore, #tpu.memory_space<semaphore_mem>>) {add = true}
    %dma_start3A_218 = arith.constant 2640 : i32
    %dma_start3A_219 = tpu.memref_slice %arg5[%dma_start3A_218] : memref<10240xi32, #tpu.memory_space<vmem>> -> memref<80xi32, #tpu.memory_space<vmem>>
    %dma_start3A_220 = arith.constant 0 : i32
    %dma_start3A_221 = arith.constant 0 : i32
    %dma_start3A_222 = tpu.memref_slice %arg3[%dma_start3A_220, %dma_start3A_221] : memref<10000x128xf32, #tpu.memory_space<hbm>> -> memref<10000x128xf32, #tpu.memory_space<hbm>>
    tpu.enqueue_indirect_dma source(%dma_start3A_222 : memref<10000x128xf32, #tpu.memory_space<hbm>>) target(%arg7 : memref<80x128xf32, #tpu.memory_space<vmem>>) offsets(%dma_start3A_219 : memref<80xi32, #tpu.memory_space<vmem>>) semaphore(%arg9 : memref<!tpu.dma_semaphore, #tpu.memory_space<semaphore_mem>>) {add = true}
    %dma_start3A_223 = arith.constant 2960 : i32
    %dma_start3A_224 = tpu.memref_slice %arg5[%dma_start3A_223] : memref<10240xi32, #tpu.memory_space<vmem>> -> memref<80xi32, #tpu.memory_space<vmem>>
    %dma_start3A_225 = arith.constant 0 : i32
    %dma_start3A_226 = arith.constant 0 : i32
    %dma_start3A_227 = tpu.memref_slice %arg3[%dma_start3A_225, %dma_start3A_226] : memref<10000x128xf32, #tpu.memory_space<hbm>> -> memref<10000x128xf32, #tpu.memory_space<hbm>>
    tpu.enqueue_indirect_dma source(%dma_start3A_227 : memref<10000x128xf32, #tpu.memory_space<hbm>>) target(%arg7 : memref<80x128xf32, #tpu.memory_space<vmem>>) offsets(%dma_start3A_224 : memref<80xi32, #tpu.memory_space<vmem>>) semaphore(%arg9 : memref<!tpu.dma_semaphore, #tpu.memory_space<semaphore_mem>>) {add = true}
    %dma_start3A_228 = arith.constant 3280 : i32
    %dma_start3A_229 = tpu.memref_slice %arg5[%dma_start3A_228] : memref<10240xi32, #tpu.memory_space<vmem>> -> memref<80xi32, #tpu.memory_space<vmem>>
    %dma_start3A_230 = arith.constant 0 : i32
    %dma_start3A_231 = arith.constant 0 : i32
    %dma_start3A_232 = tpu.memref_slice %arg3[%dma_start3A_230, %dma_start3A_231] : memref<10000x128xf32, #tpu.memory_space<hbm>> -> memref<10000x128xf32, #tpu.memory_space<hbm>>
    tpu.enqueue_indirect_dma source(%dma_start3A_232 : memref<10000x128xf32, #tpu.memory_space<hbm>>) target(%arg7 : memref<80x128xf32, #tpu.memory_space<vmem>>) offsets(%dma_start3A_229 : memref<80xi32, #tpu.memory_space<vmem>>) semaphore(%arg9 : memref<!tpu.dma_semaphore, #tpu.memory_space<semaphore_mem>>) {add = true}
    %dma_start3A_233 = arith.constant 3600 : i32
    %dma_start3A_234 = tpu.memref_slice %arg5[%dma_start3A_233] : memref<10240xi32, #tpu.memory_space<vmem>> -> memref<80xi32, #tpu.memory_space<vmem>>
    %dma_start3A_235 = arith.constant 0 : i32
    %dma_start3A_236 = arith.constant 0 : i32
    %dma_start3A_237 = tpu.memref_slice %arg3[%dma_start3A_235, %dma_start3A_236] : memref<10000x128xf32, #tpu.memory_space<hbm>> -> memref<10000x128xf32, #tpu.memory_space<hbm>>
    tpu.enqueue_indirect_dma source(%dma_start3A_237 : memref<10000x128xf32, #tpu.memory_space<hbm>>) target(%arg7 : memref<80x128xf32, #tpu.memory_space<vmem>>) offsets(%dma_start3A_234 : memref<80xi32, #tpu.memory_space<vmem>>) semaphore(%arg9 : memref<!tpu.dma_semaphore, #tpu.memory_space<semaphore_mem>>) {add = true}
    %dma_start3A_238 = arith.constant 3920 : i32
    %dma_start3A_239 = tpu.memref_slice %arg5[%dma_start3A_238] : memref<10240xi32, #tpu.memory_space<vmem>> -> memref<80xi32, #tpu.memory_space<vmem>>
    %dma_start3A_240 = arith.constant 0 : i32
    %dma_start3A_241 = arith.constant 0 : i32
    %dma_start3A_242 = tpu.memref_slice %arg3[%dma_start3A_240, %dma_start3A_241] : memref<10000x128xf32, #tpu.memory_space<hbm>> -> memref<10000x128xf32, #tpu.memory_space<hbm>>
    tpu.enqueue_indirect_dma source(%dma_start3A_242 : memref<10000x128xf32, #tpu.memory_space<hbm>>) target(%arg7 : memref<80x128xf32, #tpu.memory_space<vmem>>) offsets(%dma_start3A_239 : memref<80xi32, #tpu.memory_space<vmem>>) semaphore(%arg9 : memref<!tpu.dma_semaphore, #tpu.memory_space<semaphore_mem>>) {add = true}
    %dma_start3A_243 = arith.constant 4240 : i32
    %dma_start3A_244 = tpu.memref_slice %arg5[%dma_start3A_243] : memref<10240xi32, #tpu.memory_space<vmem>> -> memref<80xi32, #tpu.memory_space<vmem>>
    %dma_start3A_245 = arith.constant 0 : i32
    %dma_start3A_246 = arith.constant 0 : i32
    %dma_start3A_247 = tpu.memref_slice %arg3[%dma_start3A_245, %dma_start3A_246] : memref<10000x128xf32, #tpu.memory_space<hbm>> -> memref<10000x128xf32, #tpu.memory_space<hbm>>
    tpu.enqueue_indirect_dma source(%dma_start3A_247 : memref<10000x128xf32, #tpu.memory_space<hbm>>) target(%arg7 : memref<80x128xf32, #tpu.memory_space<vmem>>) offsets(%dma_start3A_244 : memref<80xi32, #tpu.memory_space<vmem>>) semaphore(%arg9 : memref<!tpu.dma_semaphore, #tpu.memory_space<semaphore_mem>>) {add = true}
    %dma_start3A_248 = arith.constant 4560 : i32
    %dma_start3A_249 = tpu.memref_slice %arg5[%dma_start3A_248] : memref<10240xi32, #tpu.memory_space<vmem>> -> memref<80xi32, #tpu.memory_space<vmem>>
    %dma_start3A_250 = arith.constant 0 : i32
    %dma_start3A_251 = arith.constant 0 : i32
    %dma_start3A_252 = tpu.memref_slice %arg3[%dma_start3A_250, %dma_start3A_251] : memref<10000x128xf32, #tpu.memory_space<hbm>> -> memref<10000x128xf32, #tpu.memory_space<hbm>>
    tpu.enqueue_indirect_dma source(%dma_start3A_252 : memref<10000x128xf32, #tpu.memory_space<hbm>>) target(%arg7 : memref<80x128xf32, #tpu.memory_space<vmem>>) offsets(%dma_start3A_249 : memref<80xi32, #tpu.memory_space<vmem>>) semaphore(%arg9 : memref<!tpu.dma_semaphore, #tpu.memory_space<semaphore_mem>>) {add = true}
    %dma_start3A_253 = arith.constant 4880 : i32
    %dma_start3A_254 = tpu.memref_slice %arg5[%dma_start3A_253] : memref<10240xi32, #tpu.memory_space<vmem>> -> memref<80xi32, #tpu.memory_space<vmem>>
    %dma_start3A_255 = arith.constant 0 : i32
    %dma_start3A_256 = arith.constant 0 : i32
    %dma_start3A_257 = tpu.memref_slice %arg3[%dma_start3A_255, %dma_start3A_256] : memref<10000x128xf32, #tpu.memory_space<hbm>> -> memref<10000x128xf32, #tpu.memory_space<hbm>>
    tpu.enqueue_indirect_dma source(%dma_start3A_257 : memref<10000x128xf32, #tpu.memory_space<hbm>>) target(%arg7 : memref<80x128xf32, #tpu.memory_space<vmem>>) offsets(%dma_start3A_254 : memref<80xi32, #tpu.memory_space<vmem>>) semaphore(%arg9 : memref<!tpu.dma_semaphore, #tpu.memory_space<semaphore_mem>>) {add = true}
    %dma_start3A_258 = arith.constant 5200 : i32
    %dma_start3A_259 = tpu.memref_slice %arg5[%dma_start3A_258] : memref<10240xi32, #tpu.memory_space<vmem>> -> memref<80xi32, #tpu.memory_space<vmem>>
    %dma_start3A_260 = arith.constant 0 : i32
    %dma_start3A_261 = arith.constant 0 : i32
    %dma_start3A_262 = tpu.memref_slice %arg3[%dma_start3A_260, %dma_start3A_261] : memref<10000x128xf32, #tpu.memory_space<hbm>> -> memref<10000x128xf32, #tpu.memory_space<hbm>>
    tpu.enqueue_indirect_dma source(%dma_start3A_262 : memref<10000x128xf32, #tpu.memory_space<hbm>>) target(%arg7 : memref<80x128xf32, #tpu.memory_space<vmem>>) offsets(%dma_start3A_259 : memref<80xi32, #tpu.memory_space<vmem>>) semaphore(%arg9 : memref<!tpu.dma_semaphore, #tpu.memory_space<semaphore_mem>>) {add = true}
    %dma_start3A_263 = arith.constant 5520 : i32
    %dma_start3A_264 = tpu.memref_slice %arg5[%dma_start3A_263] : memref<10240xi32, #tpu.memory_space<vmem>> -> memref<80xi32, #tpu.memory_space<vmem>>
    %dma_start3A_265 = arith.constant 0 : i32
    %dma_start3A_266 = arith.constant 0 : i32
    %dma_start3A_267 = tpu.memref_slice %arg3[%dma_start3A_265, %dma_start3A_266] : memref<10000x128xf32, #tpu.memory_space<hbm>> -> memref<10000x128xf32, #tpu.memory_space<hbm>>
    tpu.enqueue_indirect_dma source(%dma_start3A_267 : memref<10000x128xf32, #tpu.memory_space<hbm>>) target(%arg7 : memref<80x128xf32, #tpu.memory_space<vmem>>) offsets(%dma_start3A_264 : memref<80xi32, #tpu.memory_space<vmem>>) semaphore(%arg9 : memref<!tpu.dma_semaphore, #tpu.memory_space<semaphore_mem>>) {add = true}
    %dma_start3A_268 = arith.constant 5840 : i32
    %dma_start3A_269 = tpu.memref_slice %arg5[%dma_start3A_268] : memref<10240xi32, #tpu.memory_space<vmem>> -> memref<80xi32, #tpu.memory_space<vmem>>
    %dma_start3A_270 = arith.constant 0 : i32
    %dma_start3A_271 = arith.constant 0 : i32
    %dma_start3A_272 = tpu.memref_slice %arg3[%dma_start3A_270, %dma_start3A_271] : memref<10000x128xf32, #tpu.memory_space<hbm>> -> memref<10000x128xf32, #tpu.memory_space<hbm>>
    tpu.enqueue_indirect_dma source(%dma_start3A_272 : memref<10000x128xf32, #tpu.memory_space<hbm>>) target(%arg7 : memref<80x128xf32, #tpu.memory_space<vmem>>) offsets(%dma_start3A_269 : memref<80xi32, #tpu.memory_space<vmem>>) semaphore(%arg9 : memref<!tpu.dma_semaphore, #tpu.memory_space<semaphore_mem>>) {add = true}
    %dma_start3A_273 = arith.constant 6160 : i32
    %dma_start3A_274 = tpu.memref_slice %arg5[%dma_start3A_273] : memref<10240xi32, #tpu.memory_space<vmem>> -> memref<80xi32, #tpu.memory_space<vmem>>
    %dma_start3A_275 = arith.constant 0 : i32
    %dma_start3A_276 = arith.constant 0 : i32
    %dma_start3A_277 = tpu.memref_slice %arg3[%dma_start3A_275, %dma_start3A_276] : memref<10000x128xf32, #tpu.memory_space<hbm>> -> memref<10000x128xf32, #tpu.memory_space<hbm>>
    tpu.enqueue_indirect_dma source(%dma_start3A_277 : memref<10000x128xf32, #tpu.memory_space<hbm>>) target(%arg7 : memref<80x128xf32, #tpu.memory_space<vmem>>) offsets(%dma_start3A_274 : memref<80xi32, #tpu.memory_space<vmem>>) semaphore(%arg9 : memref<!tpu.dma_semaphore, #tpu.memory_space<semaphore_mem>>) {add = true}
    %dma_start3A_278 = arith.constant 6480 : i32
    %dma_start3A_279 = tpu.memref_slice %arg5[%dma_start3A_278] : memref<10240xi32, #tpu.memory_space<vmem>> -> memref<80xi32, #tpu.memory_space<vmem>>
    %dma_start3A_280 = arith.constant 0 : i32
    %dma_start3A_281 = arith.constant 0 : i32
    %dma_start3A_282 = tpu.memref_slice %arg3[%dma_start3A_280, %dma_start3A_281] : memref<10000x128xf32, #tpu.memory_space<hbm>> -> memref<10000x128xf32, #tpu.memory_space<hbm>>
    tpu.enqueue_indirect_dma source(%dma_start3A_282 : memref<10000x128xf32, #tpu.memory_space<hbm>>) target(%arg7 : memref<80x128xf32, #tpu.memory_space<vmem>>) offsets(%dma_start3A_279 : memref<80xi32, #tpu.memory_space<vmem>>) semaphore(%arg9 : memref<!tpu.dma_semaphore, #tpu.memory_space<semaphore_mem>>) {add = true}
    %dma_start3A_283 = arith.constant 6800 : i32
    %dma_start3A_284 = tpu.memref_slice %arg5[%dma_start3A_283] : memref<10240xi32, #tpu.memory_space<vmem>> -> memref<80xi32, #tpu.memory_space<vmem>>
    %dma_start3A_285 = arith.constant 0 : i32
    %dma_start3A_286 = arith.constant 0 : i32
    %dma_start3A_287 = tpu.memref_slice %arg3[%dma_start3A_285, %dma_start3A_286] : memref<10000x128xf32, #tpu.memory_space<hbm>> -> memref<10000x128xf32, #tpu.memory_space<hbm>>
    tpu.enqueue_indirect_dma source(%dma_start3A_287 : memref<10000x128xf32, #tpu.memory_space<hbm>>) target(%arg7 : memref<80x128xf32, #tpu.memory_space<vmem>>) offsets(%dma_start3A_284 : memref<80xi32, #tpu.memory_space<vmem>>) semaphore(%arg9 : memref<!tpu.dma_semaphore, #tpu.memory_space<semaphore_mem>>) {add = true}
    %dma_start3A_288 = arith.constant 7120 : i32
    %dma_start3A_289 = tpu.memref_slice %arg5[%dma_start3A_288] : memref<10240xi32, #tpu.memory_space<vmem>> -> memref<80xi32, #tpu.memory_space<vmem>>
    %dma_start3A_290 = arith.constant 0 : i32
    %dma_start3A_291 = arith.constant 0 : i32
    %dma_start3A_292 = tpu.memref_slice %arg3[%dma_start3A_290, %dma_start3A_291] : memref<10000x128xf32, #tpu.memory_space<hbm>> -> memref<10000x128xf32, #tpu.memory_space<hbm>>
    tpu.enqueue_indirect_dma source(%dma_start3A_292 : memref<10000x128xf32, #tpu.memory_space<hbm>>) target(%arg7 : memref<80x128xf32, #tpu.memory_space<vmem>>) offsets(%dma_start3A_289 : memref<80xi32, #tpu.memory_space<vmem>>) semaphore(%arg9 : memref<!tpu.dma_semaphore, #tpu.memory_space<semaphore_mem>>) {add = true}
    %dma_start3A_293 = arith.constant 7440 : i32
    %dma_start3A_294 = tpu.memref_slice %arg5[%dma_start3A_293] : memref<10240xi32, #tpu.memory_space<vmem>> -> memref<80xi32, #tpu.memory_space<vmem>>
    %dma_start3A_295 = arith.constant 0 : i32
    %dma_start3A_296 = arith.constant 0 : i32
    %dma_start3A_297 = tpu.memref_slice %arg3[%dma_start3A_295, %dma_start3A_296] : memref<10000x128xf32, #tpu.memory_space<hbm>> -> memref<10000x128xf32, #tpu.memory_space<hbm>>
    tpu.enqueue_indirect_dma source(%dma_start3A_297 : memref<10000x128xf32, #tpu.memory_space<hbm>>) target(%arg7 : memref<80x128xf32, #tpu.memory_space<vmem>>) offsets(%dma_start3A_294 : memref<80xi32, #tpu.memory_space<vmem>>) semaphore(%arg9 : memref<!tpu.dma_semaphore, #tpu.memory_space<semaphore_mem>>) {add = true}
    %dma_start3A_298 = arith.constant 7760 : i32
    %dma_start3A_299 = tpu.memref_slice %arg5[%dma_start3A_298] : memref<10240xi32, #tpu.memory_space<vmem>> -> memref<80xi32, #tpu.memory_space<vmem>>
    %dma_start3A_300 = arith.constant 0 : i32
    %dma_start3A_301 = arith.constant 0 : i32
    %dma_start3A_302 = tpu.memref_slice %arg3[%dma_start3A_300, %dma_start3A_301] : memref<10000x128xf32, #tpu.memory_space<hbm>> -> memref<10000x128xf32, #tpu.memory_space<hbm>>
    tpu.enqueue_indirect_dma source(%dma_start3A_302 : memref<10000x128xf32, #tpu.memory_space<hbm>>) target(%arg7 : memref<80x128xf32, #tpu.memory_space<vmem>>) offsets(%dma_start3A_299 : memref<80xi32, #tpu.memory_space<vmem>>) semaphore(%arg9 : memref<!tpu.dma_semaphore, #tpu.memory_space<semaphore_mem>>) {add = true}
    %dma_start3A_303 = arith.constant 8080 : i32
    %dma_start3A_304 = tpu.memref_slice %arg5[%dma_start3A_303] : memref<10240xi32, #tpu.memory_space<vmem>> -> memref<80xi32, #tpu.memory_space<vmem>>
    %dma_start3A_305 = arith.constant 0 : i32
    %dma_start3A_306 = arith.constant 0 : i32
    %dma_start3A_307 = tpu.memref_slice %arg3[%dma_start3A_305, %dma_start3A_306] : memref<10000x128xf32, #tpu.memory_space<hbm>> -> memref<10000x128xf32, #tpu.memory_space<hbm>>
    tpu.enqueue_indirect_dma source(%dma_start3A_307 : memref<10000x128xf32, #tpu.memory_space<hbm>>) target(%arg7 : memref<80x128xf32, #tpu.memory_space<vmem>>) offsets(%dma_start3A_304 : memref<80xi32, #tpu.memory_space<vmem>>) semaphore(%arg9 : memref<!tpu.dma_semaphore, #tpu.memory_space<semaphore_mem>>) {add = true}
    %dma_start3A_308 = arith.constant 8400 : i32
    %dma_start3A_309 = tpu.memref_slice %arg5[%dma_start3A_308] : memref<10240xi32, #tpu.memory_space<vmem>> -> memref<80xi32, #tpu.memory_space<vmem>>
    %dma_start3A_310 = arith.constant 0 : i32
    %dma_start3A_311 = arith.constant 0 : i32
    %dma_start3A_312 = tpu.memref_slice %arg3[%dma_start3A_310, %dma_start3A_311] : memref<10000x128xf32, #tpu.memory_space<hbm>> -> memref<10000x128xf32, #tpu.memory_space<hbm>>
    tpu.enqueue_indirect_dma source(%dma_start3A_312 : memref<10000x128xf32, #tpu.memory_space<hbm>>) target(%arg7 : memref<80x128xf32, #tpu.memory_space<vmem>>) offsets(%dma_start3A_309 : memref<80xi32, #tpu.memory_space<vmem>>) semaphore(%arg9 : memref<!tpu.dma_semaphore, #tpu.memory_space<semaphore_mem>>) {add = true}
    %dma_start3A_313 = arith.constant 8720 : i32
    %dma_start3A_314 = tpu.memref_slice %arg5[%dma_start3A_313] : memref<10240xi32, #tpu.memory_space<vmem>> -> memref<80xi32, #tpu.memory_space<vmem>>
    %dma_start3A_315 = arith.constant 0 : i32
    %dma_start3A_316 = arith.constant 0 : i32
    %dma_start3A_317 = tpu.memref_slice %arg3[%dma_start3A_315, %dma_start3A_316] : memref<10000x128xf32, #tpu.memory_space<hbm>> -> memref<10000x128xf32, #tpu.memory_space<hbm>>
    tpu.enqueue_indirect_dma source(%dma_start3A_317 : memref<10000x128xf32, #tpu.memory_space<hbm>>) target(%arg7 : memref<80x128xf32, #tpu.memory_space<vmem>>) offsets(%dma_start3A_314 : memref<80xi32, #tpu.memory_space<vmem>>) semaphore(%arg9 : memref<!tpu.dma_semaphore, #tpu.memory_space<semaphore_mem>>) {add = true}
    %dma_start3A_318 = arith.constant 9040 : i32
    %dma_start3A_319 = tpu.memref_slice %arg5[%dma_start3A_318] : memref<10240xi32, #tpu.memory_space<vmem>> -> memref<80xi32, #tpu.memory_space<vmem>>
    %dma_start3A_320 = arith.constant 0 : i32
    %dma_start3A_321 = arith.constant 0 : i32
    %dma_start3A_322 = tpu.memref_slice %arg3[%dma_start3A_320, %dma_start3A_321] : memref<10000x128xf32, #tpu.memory_space<hbm>> -> memref<10000x128xf32, #tpu.memory_space<hbm>>
    tpu.enqueue_indirect_dma source(%dma_start3A_322 : memref<10000x128xf32, #tpu.memory_space<hbm>>) target(%arg7 : memref<80x128xf32, #tpu.memory_space<vmem>>) offsets(%dma_start3A_319 : memref<80xi32, #tpu.memory_space<vmem>>) semaphore(%arg9 : memref<!tpu.dma_semaphore, #tpu.memory_space<semaphore_mem>>) {add = true}
    %dma_start3A_323 = arith.constant 9360 : i32
    %dma_start3A_324 = tpu.memref_slice %arg5[%dma_start3A_323] : memref<10240xi32, #tpu.memory_space<vmem>> -> memref<80xi32, #tpu.memory_space<vmem>>
    %dma_start3A_325 = arith.constant 0 : i32
    %dma_start3A_326 = arith.constant 0 : i32
    %dma_start3A_327 = tpu.memref_slice %arg3[%dma_start3A_325, %dma_start3A_326] : memref<10000x128xf32, #tpu.memory_space<hbm>> -> memref<10000x128xf32, #tpu.memory_space<hbm>>
    tpu.enqueue_indirect_dma source(%dma_start3A_327 : memref<10000x128xf32, #tpu.memory_space<hbm>>) target(%arg7 : memref<80x128xf32, #tpu.memory_space<vmem>>) offsets(%dma_start3A_324 : memref<80xi32, #tpu.memory_space<vmem>>) semaphore(%arg9 : memref<!tpu.dma_semaphore, #tpu.memory_space<semaphore_mem>>) {add = true}
    %dma_start3A_328 = arith.constant 9680 : i32
    %dma_start3A_329 = tpu.memref_slice %arg5[%dma_start3A_328] : memref<10240xi32, #tpu.memory_space<vmem>> -> memref<80xi32, #tpu.memory_space<vmem>>
    %dma_start3A_330 = arith.constant 0 : i32
    %dma_start3A_331 = arith.constant 0 : i32
    %dma_start3A_332 = tpu.memref_slice %arg3[%dma_start3A_330, %dma_start3A_331] : memref<10000x128xf32, #tpu.memory_space<hbm>> -> memref<10000x128xf32, #tpu.memory_space<hbm>>
    tpu.enqueue_indirect_dma source(%dma_start3A_332 : memref<10000x128xf32, #tpu.memory_space<hbm>>) target(%arg7 : memref<80x128xf32, #tpu.memory_space<vmem>>) offsets(%dma_start3A_329 : memref<80xi32, #tpu.memory_space<vmem>>) semaphore(%arg9 : memref<!tpu.dma_semaphore, #tpu.memory_space<semaphore_mem>>) {add = true}
    %dma_start3A_333 = arith.constant 10000 : i32
    %dma_start3A_334 = tpu.memref_slice %arg5[%dma_start3A_333] : memref<10240xi32, #tpu.memory_space<vmem>> -> memref<80xi32, #tpu.memory_space<vmem>>
    %dma_start3A_335 = arith.constant 0 : i32
    %dma_start3A_336 = arith.constant 0 : i32
    %dma_start3A_337 = tpu.memref_slice %arg3[%dma_start3A_335, %dma_start3A_336] : memref<10000x128xf32, #tpu.memory_space<hbm>> -> memref<10000x128xf32, #tpu.memory_space<hbm>>
    tpu.enqueue_indirect_dma source(%dma_start3A_337 : memref<10000x128xf32, #tpu.memory_space<hbm>>) target(%arg7 : memref<80x128xf32, #tpu.memory_space<vmem>>) offsets(%dma_start3A_334 : memref<80xi32, #tpu.memory_space<vmem>>) semaphore(%arg9 : memref<!tpu.dma_semaphore, #tpu.memory_space<semaphore_mem>>) {add = true}
    %dma_wait3A_338 = arith.constant 0 : i32
    %dma_wait3A_339 = tpu.memref_slice %arg5[%dma_wait3A_338] : memref<10240xi32, #tpu.memory_space<vmem>> -> memref<80xi32, #tpu.memory_space<vmem>>
    %dma_wait3A_340 = arith.constant 0 : i32
    %dma_wait3A_341 = arith.constant 0 : i32
    %dma_wait3A_342 = tpu.memref_slice %arg3[%dma_wait3A_340, %dma_wait3A_341] : memref<10000x128xf32, #tpu.memory_space<hbm>> -> memref<10000x128xf32, #tpu.memory_space<hbm>>
    tpu.wait_indirect_dma semaphore(%arg8 : memref<!tpu.dma_semaphore, #tpu.memory_space<semaphore_mem>>) src(%dma_wait3A_342 : memref<10000x128xf32, #tpu.memory_space<hbm>>) dst(%arg6 : memref<80x128xf32, #tpu.memory_space<vmem>>)
    %dma_wait3A_343 = arith.constant 320 : i32
    %dma_wait3A_344 = tpu.memref_slice %arg5[%dma_wait3A_343] : memref<10240xi32, #tpu.memory_space<vmem>> -> memref<80xi32, #tpu.memory_space<vmem>>
    %dma_wait3A_345 = arith.constant 0 : i32
    %dma_wait3A_346 = arith.constant 0 : i32
    %dma_wait3A_347 = tpu.memref_slice %arg3[%dma_wait3A_345, %dma_wait3A_346] : memref<10000x128xf32, #tpu.memory_space<hbm>> -> memref<10000x128xf32, #tpu.memory_space<hbm>>
    tpu.wait_indirect_dma semaphore(%arg8 : memref<!tpu.dma_semaphore, #tpu.memory_space<semaphore_mem>>) src(%dma_wait3A_347 : memref<10000x128xf32, #tpu.memory_space<hbm>>) dst(%arg6 : memref<80x128xf32, #tpu.memory_space<vmem>>)
    %dma_wait3A_348 = arith.constant 640 : i32
    %dma_wait3A_349 = tpu.memref_slice %arg5[%dma_wait3A_348] : memref<10240xi32, #tpu.memory_space<vmem>> -> memref<80xi32, #tpu.memory_space<vmem>>
    %dma_wait3A_350 = arith.constant 0 : i32
    %dma_wait3A_351 = arith.constant 0 : i32
    %dma_wait3A_352 = tpu.memref_slice %arg3[%dma_wait3A_350, %dma_wait3A_351] : memref<10000x128xf32, #tpu.memory_space<hbm>> -> memref<10000x128xf32, #tpu.memory_space<hbm>>
    tpu.wait_indirect_dma semaphore(%arg8 : memref<!tpu.dma_semaphore, #tpu.memory_space<semaphore_mem>>) src(%dma_wait3A_352 : memref<10000x128xf32, #tpu.memory_space<hbm>>) dst(%arg6 : memref<80x128xf32, #tpu.memory_space<vmem>>)
    %dma_wait3A_353 = arith.constant 960 : i32
    %dma_wait3A_354 = tpu.memref_slice %arg5[%dma_wait3A_353] : memref<10240xi32, #tpu.memory_space<vmem>> -> memref<80xi32, #tpu.memory_space<vmem>>
    %dma_wait3A_355 = arith.constant 0 : i32
    %dma_wait3A_356 = arith.constant 0 : i32
    %dma_wait3A_357 = tpu.memref_slice %arg3[%dma_wait3A_355, %dma_wait3A_356] : memref<10000x128xf32, #tpu.memory_space<hbm>> -> memref<10000x128xf32, #tpu.memory_space<hbm>>
    tpu.wait_indirect_dma semaphore(%arg8 : memref<!tpu.dma_semaphore, #tpu.memory_space<semaphore_mem>>) src(%dma_wait3A_357 : memref<10000x128xf32, #tpu.memory_space<hbm>>) dst(%arg6 : memref<80x128xf32, #tpu.memory_space<vmem>>)
    %dma_wait3A_358 = arith.constant 1280 : i32
    %dma_wait3A_359 = tpu.memref_slice %arg5[%dma_wait3A_358] : memref<10240xi32, #tpu.memory_space<vmem>> -> memref<80xi32, #tpu.memory_space<vmem>>
    %dma_wait3A_360 = arith.constant 0 : i32
    %dma_wait3A_361 = arith.constant 0 : i32
    %dma_wait3A_362 = tpu.memref_slice %arg3[%dma_wait3A_360, %dma_wait3A_361] : memref<10000x128xf32, #tpu.memory_space<hbm>> -> memref<10000x128xf32, #tpu.memory_space<hbm>>
    tpu.wait_indirect_dma semaphore(%arg8 : memref<!tpu.dma_semaphore, #tpu.memory_space<semaphore_mem>>) src(%dma_wait3A_362 : memref<10000x128xf32, #tpu.memory_space<hbm>>) dst(%arg6 : memref<80x128xf32, #tpu.memory_space<vmem>>)
    %dma_wait3A_363 = arith.constant 1600 : i32
    %dma_wait3A_364 = tpu.memref_slice %arg5[%dma_wait3A_363] : memref<10240xi32, #tpu.memory_space<vmem>> -> memref<80xi32, #tpu.memory_space<vmem>>
    %dma_wait3A_365 = arith.constant 0 : i32
    %dma_wait3A_366 = arith.constant 0 : i32
    %dma_wait3A_367 = tpu.memref_slice %arg3[%dma_wait3A_365, %dma_wait3A_366] : memref<10000x128xf32, #tpu.memory_space<hbm>> -> memref<10000x128xf32, #tpu.memory_space<hbm>>
    tpu.wait_indirect_dma semaphore(%arg8 : memref<!tpu.dma_semaphore, #tpu.memory_space<semaphore_mem>>) src(%dma_wait3A_367 : memref<10000x128xf32, #tpu.memory_space<hbm>>) dst(%arg6 : memref<80x128xf32, #tpu.memory_space<vmem>>)
    %dma_wait3A_368 = arith.constant 1920 : i32
    %dma_wait3A_369 = tpu.memref_slice %arg5[%dma_wait3A_368] : memref<10240xi32, #tpu.memory_space<vmem>> -> memref<80xi32, #tpu.memory_space<vmem>>
    %dma_wait3A_370 = arith.constant 0 : i32
    %dma_wait3A_371 = arith.constant 0 : i32
    %dma_wait3A_372 = tpu.memref_slice %arg3[%dma_wait3A_370, %dma_wait3A_371] : memref<10000x128xf32, #tpu.memory_space<hbm>> -> memref<10000x128xf32, #tpu.memory_space<hbm>>
    tpu.wait_indirect_dma semaphore(%arg8 : memref<!tpu.dma_semaphore, #tpu.memory_space<semaphore_mem>>) src(%dma_wait3A_372 : memref<10000x128xf32, #tpu.memory_space<hbm>>) dst(%arg6 : memref<80x128xf32, #tpu.memory_space<vmem>>)
    %dma_wait3A_373 = arith.constant 2240 : i32
    %dma_wait3A_374 = tpu.memref_slice %arg5[%dma_wait3A_373] : memref<10240xi32, #tpu.memory_space<vmem>> -> memref<80xi32, #tpu.memory_space<vmem>>
    %dma_wait3A_375 = arith.constant 0 : i32
    %dma_wait3A_376 = arith.constant 0 : i32
    %dma_wait3A_377 = tpu.memref_slice %arg3[%dma_wait3A_375, %dma_wait3A_376] : memref<10000x128xf32, #tpu.memory_space<hbm>> -> memref<10000x128xf32, #tpu.memory_space<hbm>>
    tpu.wait_indirect_dma semaphore(%arg8 : memref<!tpu.dma_semaphore, #tpu.memory_space<semaphore_mem>>) src(%dma_wait3A_377 : memref<10000x128xf32, #tpu.memory_space<hbm>>) dst(%arg6 : memref<80x128xf32, #tpu.memory_space<vmem>>)
    %dma_wait3A_378 = arith.constant 2560 : i32
    %dma_wait3A_379 = tpu.memref_slice %arg5[%dma_wait3A_378] : memref<10240xi32, #tpu.memory_space<vmem>> -> memref<80xi32, #tpu.memory_space<vmem>>
    %dma_wait3A_380 = arith.constant 0 : i32
    %dma_wait3A_381 = arith.constant 0 : i32
    %dma_wait3A_382 = tpu.memref_slice %arg3[%dma_wait3A_380, %dma_wait3A_381] : memref<10000x128xf32, #tpu.memory_space<hbm>> -> memref<10000x128xf32, #tpu.memory_space<hbm>>
    tpu.wait_indirect_dma semaphore(%arg8 : memref<!tpu.dma_semaphore, #tpu.memory_space<semaphore_mem>>) src(%dma_wait3A_382 : memref<10000x128xf32, #tpu.memory_space<hbm>>) dst(%arg6 : memref<80x128xf32, #tpu.memory_space<vmem>>)
    %dma_wait3A_383 = arith.constant 2880 : i32
    %dma_wait3A_384 = tpu.memref_slice %arg5[%dma_wait3A_383] : memref<10240xi32, #tpu.memory_space<vmem>> -> memref<80xi32, #tpu.memory_space<vmem>>
    %dma_wait3A_385 = arith.constant 0 : i32
    %dma_wait3A_386 = arith.constant 0 : i32
    %dma_wait3A_387 = tpu.memref_slice %arg3[%dma_wait3A_385, %dma_wait3A_386] : memref<10000x128xf32, #tpu.memory_space<hbm>> -> memref<10000x128xf32, #tpu.memory_space<hbm>>
    tpu.wait_indirect_dma semaphore(%arg8 : memref<!tpu.dma_semaphore, #tpu.memory_space<semaphore_mem>>) src(%dma_wait3A_387 : memref<10000x128xf32, #tpu.memory_space<hbm>>) dst(%arg6 : memref<80x128xf32, #tpu.memory_space<vmem>>)
    %dma_wait3A_388 = arith.constant 3200 : i32
    %dma_wait3A_389 = tpu.memref_slice %arg5[%dma_wait3A_388] : memref<10240xi32, #tpu.memory_space<vmem>> -> memref<80xi32, #tpu.memory_space<vmem>>
    %dma_wait3A_390 = arith.constant 0 : i32
    %dma_wait3A_391 = arith.constant 0 : i32
    %dma_wait3A_392 = tpu.memref_slice %arg3[%dma_wait3A_390, %dma_wait3A_391] : memref<10000x128xf32, #tpu.memory_space<hbm>> -> memref<10000x128xf32, #tpu.memory_space<hbm>>
    tpu.wait_indirect_dma semaphore(%arg8 : memref<!tpu.dma_semaphore, #tpu.memory_space<semaphore_mem>>) src(%dma_wait3A_392 : memref<10000x128xf32, #tpu.memory_space<hbm>>) dst(%arg6 : memref<80x128xf32, #tpu.memory_space<vmem>>)
    %dma_wait3A_393 = arith.constant 3520 : i32
    %dma_wait3A_394 = tpu.memref_slice %arg5[%dma_wait3A_393] : memref<10240xi32, #tpu.memory_space<vmem>> -> memref<80xi32, #tpu.memory_space<vmem>>
    %dma_wait3A_395 = arith.constant 0 : i32
    %dma_wait3A_396 = arith.constant 0 : i32
    %dma_wait3A_397 = tpu.memref_slice %arg3[%dma_wait3A_395, %dma_wait3A_396] : memref<10000x128xf32, #tpu.memory_space<hbm>> -> memref<10000x128xf32, #tpu.memory_space<hbm>>
    tpu.wait_indirect_dma semaphore(%arg8 : memref<!tpu.dma_semaphore, #tpu.memory_space<semaphore_mem>>) src(%dma_wait3A_397 : memref<10000x128xf32, #tpu.memory_space<hbm>>) dst(%arg6 : memref<80x128xf32, #tpu.memory_space<vmem>>)
    %dma_wait3A_398 = arith.constant 3840 : i32
    %dma_wait3A_399 = tpu.memref_slice %arg5[%dma_wait3A_398] : memref<10240xi32, #tpu.memory_space<vmem>> -> memref<80xi32, #tpu.memory_space<vmem>>
    %dma_wait3A_400 = arith.constant 0 : i32
    %dma_wait3A_401 = arith.constant 0 : i32
    %dma_wait3A_402 = tpu.memref_slice %arg3[%dma_wait3A_400, %dma_wait3A_401] : memref<10000x128xf32, #tpu.memory_space<hbm>> -> memref<10000x128xf32, #tpu.memory_space<hbm>>
    tpu.wait_indirect_dma semaphore(%arg8 : memref<!tpu.dma_semaphore, #tpu.memory_space<semaphore_mem>>) src(%dma_wait3A_402 : memref<10000x128xf32, #tpu.memory_space<hbm>>) dst(%arg6 : memref<80x128xf32, #tpu.memory_space<vmem>>)
    %dma_wait3A_403 = arith.constant 4160 : i32
    %dma_wait3A_404 = tpu.memref_slice %arg5[%dma_wait3A_403] : memref<10240xi32, #tpu.memory_space<vmem>> -> memref<80xi32, #tpu.memory_space<vmem>>
    %dma_wait3A_405 = arith.constant 0 : i32
    %dma_wait3A_406 = arith.constant 0 : i32
    %dma_wait3A_407 = tpu.memref_slice %arg3[%dma_wait3A_405, %dma_wait3A_406] : memref<10000x128xf32, #tpu.memory_space<hbm>> -> memref<10000x128xf32, #tpu.memory_space<hbm>>
    tpu.wait_indirect_dma semaphore(%arg8 : memref<!tpu.dma_semaphore, #tpu.memory_space<semaphore_mem>>) src(%dma_wait3A_407 : memref<10000x128xf32, #tpu.memory_space<hbm>>) dst(%arg6 : memref<80x128xf32, #tpu.memory_space<vmem>>)
    %dma_wait3A_408 = arith.constant 4480 : i32
    %dma_wait3A_409 = tpu.memref_slice %arg5[%dma_wait3A_408] : memref<10240xi32, #tpu.memory_space<vmem>> -> memref<80xi32, #tpu.memory_space<vmem>>
    %dma_wait3A_410 = arith.constant 0 : i32
    %dma_wait3A_411 = arith.constant 0 : i32
    %dma_wait3A_412 = tpu.memref_slice %arg3[%dma_wait3A_410, %dma_wait3A_411] : memref<10000x128xf32, #tpu.memory_space<hbm>> -> memref<10000x128xf32, #tpu.memory_space<hbm>>
    tpu.wait_indirect_dma semaphore(%arg8 : memref<!tpu.dma_semaphore, #tpu.memory_space<semaphore_mem>>) src(%dma_wait3A_412 : memref<10000x128xf32, #tpu.memory_space<hbm>>) dst(%arg6 : memref<80x128xf32, #tpu.memory_space<vmem>>)
    %dma_wait3A_413 = arith.constant 4800 : i32
    %dma_wait3A_414 = tpu.memref_slice %arg5[%dma_wait3A_413] : memref<10240xi32, #tpu.memory_space<vmem>> -> memref<80xi32, #tpu.memory_space<vmem>>
    %dma_wait3A_415 = arith.constant 0 : i32
    %dma_wait3A_416 = arith.constant 0 : i32
    %dma_wait3A_417 = tpu.memref_slice %arg3[%dma_wait3A_415, %dma_wait3A_416] : memref<10000x128xf32, #tpu.memory_space<hbm>> -> memref<10000x128xf32, #tpu.memory_space<hbm>>
    tpu.wait_indirect_dma semaphore(%arg8 : memref<!tpu.dma_semaphore, #tpu.memory_space<semaphore_mem>>) src(%dma_wait3A_417 : memref<10000x128xf32, #tpu.memory_space<hbm>>) dst(%arg6 : memref<80x128xf32, #tpu.memory_space<vmem>>)
    %dma_wait3A_418 = arith.constant 5120 : i32
    %dma_wait3A_419 = tpu.memref_slice %arg5[%dma_wait3A_418] : memref<10240xi32, #tpu.memory_space<vmem>> -> memref<80xi32, #tpu.memory_space<vmem>>
    %dma_wait3A_420 = arith.constant 0 : i32
    %dma_wait3A_421 = arith.constant 0 : i32
    %dma_wait3A_422 = tpu.memref_slice %arg3[%dma_wait3A_420, %dma_wait3A_421] : memref<10000x128xf32, #tpu.memory_space<hbm>> -> memref<10000x128xf32, #tpu.memory_space<hbm>>
    tpu.wait_indirect_dma semaphore(%arg8 : memref<!tpu.dma_semaphore, #tpu.memory_space<semaphore_mem>>) src(%dma_wait3A_422 : memref<10000x128xf32, #tpu.memory_space<hbm>>) dst(%arg6 : memref<80x128xf32, #tpu.memory_space<vmem>>)
    %dma_wait3A_423 = arith.constant 5440 : i32
    %dma_wait3A_424 = tpu.memref_slice %arg5[%dma_wait3A_423] : memref<10240xi32, #tpu.memory_space<vmem>> -> memref<80xi32, #tpu.memory_space<vmem>>
    %dma_wait3A_425 = arith.constant 0 : i32
    %dma_wait3A_426 = arith.constant 0 : i32
    %dma_wait3A_427 = tpu.memref_slice %arg3[%dma_wait3A_425, %dma_wait3A_426] : memref<10000x128xf32, #tpu.memory_space<hbm>> -> memref<10000x128xf32, #tpu.memory_space<hbm>>
    tpu.wait_indirect_dma semaphore(%arg8 : memref<!tpu.dma_semaphore, #tpu.memory_space<semaphore_mem>>) src(%dma_wait3A_427 : memref<10000x128xf32, #tpu.memory_space<hbm>>) dst(%arg6 : memref<80x128xf32, #tpu.memory_space<vmem>>)
    %dma_wait3A_428 = arith.constant 5760 : i32
    %dma_wait3A_429 = tpu.memref_slice %arg5[%dma_wait3A_428] : memref<10240xi32, #tpu.memory_space<vmem>> -> memref<80xi32, #tpu.memory_space<vmem>>
    %dma_wait3A_430 = arith.constant 0 : i32
    %dma_wait3A_431 = arith.constant 0 : i32
    %dma_wait3A_432 = tpu.memref_slice %arg3[%dma_wait3A_430, %dma_wait3A_431] : memref<10000x128xf32, #tpu.memory_space<hbm>> -> memref<10000x128xf32, #tpu.memory_space<hbm>>
    tpu.wait_indirect_dma semaphore(%arg8 : memref<!tpu.dma_semaphore, #tpu.memory_space<semaphore_mem>>) src(%dma_wait3A_432 : memref<10000x128xf32, #tpu.memory_space<hbm>>) dst(%arg6 : memref<80x128xf32, #tpu.memory_space<vmem>>)
    %dma_wait3A_433 = arith.constant 6080 : i32
    %dma_wait3A_434 = tpu.memref_slice %arg5[%dma_wait3A_433] : memref<10240xi32, #tpu.memory_space<vmem>> -> memref<80xi32, #tpu.memory_space<vmem>>
    %dma_wait3A_435 = arith.constant 0 : i32
    %dma_wait3A_436 = arith.constant 0 : i32
    %dma_wait3A_437 = tpu.memref_slice %arg3[%dma_wait3A_435, %dma_wait3A_436] : memref<10000x128xf32, #tpu.memory_space<hbm>> -> memref<10000x128xf32, #tpu.memory_space<hbm>>
    tpu.wait_indirect_dma semaphore(%arg8 : memref<!tpu.dma_semaphore, #tpu.memory_space<semaphore_mem>>) src(%dma_wait3A_437 : memref<10000x128xf32, #tpu.memory_space<hbm>>) dst(%arg6 : memref<80x128xf32, #tpu.memory_space<vmem>>)
    %dma_wait3A_438 = arith.constant 6400 : i32
    %dma_wait3A_439 = tpu.memref_slice %arg5[%dma_wait3A_438] : memref<10240xi32, #tpu.memory_space<vmem>> -> memref<80xi32, #tpu.memory_space<vmem>>
    %dma_wait3A_440 = arith.constant 0 : i32
    %dma_wait3A_441 = arith.constant 0 : i32
    %dma_wait3A_442 = tpu.memref_slice %arg3[%dma_wait3A_440, %dma_wait3A_441] : memref<10000x128xf32, #tpu.memory_space<hbm>> -> memref<10000x128xf32, #tpu.memory_space<hbm>>
    tpu.wait_indirect_dma semaphore(%arg8 : memref<!tpu.dma_semaphore, #tpu.memory_space<semaphore_mem>>) src(%dma_wait3A_442 : memref<10000x128xf32, #tpu.memory_space<hbm>>) dst(%arg6 : memref<80x128xf32, #tpu.memory_space<vmem>>)
    %dma_wait3A_443 = arith.constant 6720 : i32
    %dma_wait3A_444 = tpu.memref_slice %arg5[%dma_wait3A_443] : memref<10240xi32, #tpu.memory_space<vmem>> -> memref<80xi32, #tpu.memory_space<vmem>>
    %dma_wait3A_445 = arith.constant 0 : i32
    %dma_wait3A_446 = arith.constant 0 : i32
    %dma_wait3A_447 = tpu.memref_slice %arg3[%dma_wait3A_445, %dma_wait3A_446] : memref<10000x128xf32, #tpu.memory_space<hbm>> -> memref<10000x128xf32, #tpu.memory_space<hbm>>
    tpu.wait_indirect_dma semaphore(%arg8 : memref<!tpu.dma_semaphore, #tpu.memory_space<semaphore_mem>>) src(%dma_wait3A_447 : memref<10000x128xf32, #tpu.memory_space<hbm>>) dst(%arg6 : memref<80x128xf32, #tpu.memory_space<vmem>>)
    %dma_wait3A_448 = arith.constant 7040 : i32
    %dma_wait3A_449 = tpu.memref_slice %arg5[%dma_wait3A_448] : memref<10240xi32, #tpu.memory_space<vmem>> -> memref<80xi32, #tpu.memory_space<vmem>>
    %dma_wait3A_450 = arith.constant 0 : i32
    %dma_wait3A_451 = arith.constant 0 : i32
    %dma_wait3A_452 = tpu.memref_slice %arg3[%dma_wait3A_450, %dma_wait3A_451] : memref<10000x128xf32, #tpu.memory_space<hbm>> -> memref<10000x128xf32, #tpu.memory_space<hbm>>
    tpu.wait_indirect_dma semaphore(%arg8 : memref<!tpu.dma_semaphore, #tpu.memory_space<semaphore_mem>>) src(%dma_wait3A_452 : memref<10000x128xf32, #tpu.memory_space<hbm>>) dst(%arg6 : memref<80x128xf32, #tpu.memory_space<vmem>>)
    %dma_wait3A_453 = arith.constant 7360 : i32
    %dma_wait3A_454 = tpu.memref_slice %arg5[%dma_wait3A_453] : memref<10240xi32, #tpu.memory_space<vmem>> -> memref<80xi32, #tpu.memory_space<vmem>>
    %dma_wait3A_455 = arith.constant 0 : i32
    %dma_wait3A_456 = arith.constant 0 : i32
    %dma_wait3A_457 = tpu.memref_slice %arg3[%dma_wait3A_455, %dma_wait3A_456] : memref<10000x128xf32, #tpu.memory_space<hbm>> -> memref<10000x128xf32, #tpu.memory_space<hbm>>
    tpu.wait_indirect_dma semaphore(%arg8 : memref<!tpu.dma_semaphore, #tpu.memory_space<semaphore_mem>>) src(%dma_wait3A_457 : memref<10000x128xf32, #tpu.memory_space<hbm>>) dst(%arg6 : memref<80x128xf32, #tpu.memory_space<vmem>>)
    %dma_wait3A_458 = arith.constant 7680 : i32
    %dma_wait3A_459 = tpu.memref_slice %arg5[%dma_wait3A_458] : memref<10240xi32, #tpu.memory_space<vmem>> -> memref<80xi32, #tpu.memory_space<vmem>>
    %dma_wait3A_460 = arith.constant 0 : i32
    %dma_wait3A_461 = arith.constant 0 : i32
    %dma_wait3A_462 = tpu.memref_slice %arg3[%dma_wait3A_460, %dma_wait3A_461] : memref<10000x128xf32, #tpu.memory_space<hbm>> -> memref<10000x128xf32, #tpu.memory_space<hbm>>
    tpu.wait_indirect_dma semaphore(%arg8 : memref<!tpu.dma_semaphore, #tpu.memory_space<semaphore_mem>>) src(%dma_wait3A_462 : memref<10000x128xf32, #tpu.memory_space<hbm>>) dst(%arg6 : memref<80x128xf32, #tpu.memory_space<vmem>>)
    %dma_wait3A_463 = arith.constant 8000 : i32
    %dma_wait3A_464 = tpu.memref_slice %arg5[%dma_wait3A_463] : memref<10240xi32, #tpu.memory_space<vmem>> -> memref<80xi32, #tpu.memory_space<vmem>>
    %dma_wait3A_465 = arith.constant 0 : i32
    %dma_wait3A_466 = arith.constant 0 : i32
    %dma_wait3A_467 = tpu.memref_slice %arg3[%dma_wait3A_465, %dma_wait3A_466] : memref<10000x128xf32, #tpu.memory_space<hbm>> -> memref<10000x128xf32, #tpu.memory_space<hbm>>
    tpu.wait_indirect_dma semaphore(%arg8 : memref<!tpu.dma_semaphore, #tpu.memory_space<semaphore_mem>>) src(%dma_wait3A_467 : memref<10000x128xf32, #tpu.memory_space<hbm>>) dst(%arg6 : memref<80x128xf32, #tpu.memory_space<vmem>>)
    %dma_wait3A_468 = arith.constant 8320 : i32
    %dma_wait3A_469 = tpu.memref_slice %arg5[%dma_wait3A_468] : memref<10240xi32, #tpu.memory_space<vmem>> -> memref<80xi32, #tpu.memory_space<vmem>>
    %dma_wait3A_470 = arith.constant 0 : i32
    %dma_wait3A_471 = arith.constant 0 : i32
    %dma_wait3A_472 = tpu.memref_slice %arg3[%dma_wait3A_470, %dma_wait3A_471] : memref<10000x128xf32, #tpu.memory_space<hbm>> -> memref<10000x128xf32, #tpu.memory_space<hbm>>
    tpu.wait_indirect_dma semaphore(%arg8 : memref<!tpu.dma_semaphore, #tpu.memory_space<semaphore_mem>>) src(%dma_wait3A_472 : memref<10000x128xf32, #tpu.memory_space<hbm>>) dst(%arg6 : memref<80x128xf32, #tpu.memory_space<vmem>>)
    %dma_wait3A_473 = arith.constant 8640 : i32
    %dma_wait3A_474 = tpu.memref_slice %arg5[%dma_wait3A_473] : memref<10240xi32, #tpu.memory_space<vmem>> -> memref<80xi32, #tpu.memory_space<vmem>>
    %dma_wait3A_475 = arith.constant 0 : i32
    %dma_wait3A_476 = arith.constant 0 : i32
    %dma_wait3A_477 = tpu.memref_slice %arg3[%dma_wait3A_475, %dma_wait3A_476] : memref<10000x128xf32, #tpu.memory_space<hbm>> -> memref<10000x128xf32, #tpu.memory_space<hbm>>
    tpu.wait_indirect_dma semaphore(%arg8 : memref<!tpu.dma_semaphore, #tpu.memory_space<semaphore_mem>>) src(%dma_wait3A_477 : memref<10000x128xf32, #tpu.memory_space<hbm>>) dst(%arg6 : memref<80x128xf32, #tpu.memory_space<vmem>>)
    %dma_wait3A_478 = arith.constant 8960 : i32
    %dma_wait3A_479 = tpu.memref_slice %arg5[%dma_wait3A_478] : memref<10240xi32, #tpu.memory_space<vmem>> -> memref<80xi32, #tpu.memory_space<vmem>>
    %dma_wait3A_480 = arith.constant 0 : i32
    %dma_wait3A_481 = arith.constant 0 : i32
    %dma_wait3A_482 = tpu.memref_slice %arg3[%dma_wait3A_480, %dma_wait3A_481] : memref<10000x128xf32, #tpu.memory_space<hbm>> -> memref<10000x128xf32, #tpu.memory_space<hbm>>
    tpu.wait_indirect_dma semaphore(%arg8 : memref<!tpu.dma_semaphore, #tpu.memory_space<semaphore_mem>>) src(%dma_wait3A_482 : memref<10000x128xf32, #tpu.memory_space<hbm>>) dst(%arg6 : memref<80x128xf32, #tpu.memory_space<vmem>>)
    %dma_wait3A_483 = arith.constant 9280 : i32
    %dma_wait3A_484 = tpu.memref_slice %arg5[%dma_wait3A_483] : memref<10240xi32, #tpu.memory_space<vmem>> -> memref<80xi32, #tpu.memory_space<vmem>>
    %dma_wait3A_485 = arith.constant 0 : i32
    %dma_wait3A_486 = arith.constant 0 : i32
    %dma_wait3A_487 = tpu.memref_slice %arg3[%dma_wait3A_485, %dma_wait3A_486] : memref<10000x128xf32, #tpu.memory_space<hbm>> -> memref<10000x128xf32, #tpu.memory_space<hbm>>
    tpu.wait_indirect_dma semaphore(%arg8 : memref<!tpu.dma_semaphore, #tpu.memory_space<semaphore_mem>>) src(%dma_wait3A_487 : memref<10000x128xf32, #tpu.memory_space<hbm>>) dst(%arg6 : memref<80x128xf32, #tpu.memory_space<vmem>>)
    %dma_wait3A_488 = arith.constant 9600 : i32
    %dma_wait3A_489 = tpu.memref_slice %arg5[%dma_wait3A_488] : memref<10240xi32, #tpu.memory_space<vmem>> -> memref<80xi32, #tpu.memory_space<vmem>>
    %dma_wait3A_490 = arith.constant 0 : i32
    %dma_wait3A_491 = arith.constant 0 : i32
    %dma_wait3A_492 = tpu.memref_slice %arg3[%dma_wait3A_490, %dma_wait3A_491] : memref<10000x128xf32, #tpu.memory_space<hbm>> -> memref<10000x128xf32, #tpu.memory_space<hbm>>
    tpu.wait_indirect_dma semaphore(%arg8 : memref<!tpu.dma_semaphore, #tpu.memory_space<semaphore_mem>>) src(%dma_wait3A_492 : memref<10000x128xf32, #tpu.memory_space<hbm>>) dst(%arg6 : memref<80x128xf32, #tpu.memory_space<vmem>>)
    %dma_wait3A_493 = arith.constant 9920 : i32
    %dma_wait3A_494 = tpu.memref_slice %arg5[%dma_wait3A_493] : memref<10240xi32, #tpu.memory_space<vmem>> -> memref<80xi32, #tpu.memory_space<vmem>>
    %dma_wait3A_495 = arith.constant 0 : i32
    %dma_wait3A_496 = arith.constant 0 : i32
    %dma_wait3A_497 = tpu.memref_slice %arg3[%dma_wait3A_495, %dma_wait3A_496] : memref<10000x128xf32, #tpu.memory_space<hbm>> -> memref<10000x128xf32, #tpu.memory_space<hbm>>
    tpu.wait_indirect_dma semaphore(%arg8 : memref<!tpu.dma_semaphore, #tpu.memory_space<semaphore_mem>>) src(%dma_wait3A_497 : memref<10000x128xf32, #tpu.memory_space<hbm>>) dst(%arg6 : memref<80x128xf32, #tpu.memory_space<vmem>>)
    %add3A_498 = arith.constant 0 : i32
    %add3A_499 = arith.addi %mul3A_2, %add3A_498 : i32
    %dma_start3A_500 = arith.constant 0 : i32
    %dma_start3A_501 = tpu.memref_slice %arg4[%add3A_499, %dma_start3A_500] : memref<10240x128xf32, #tpu.memory_space<hbm>> -> memref<80x128xf32, #tpu.memory_space<hbm>>
    %dma_start3A_502 = arith.constant 0 : i32
    %dma_start3A_503 = tpu.memref_slice %arg4[%add3A_499, %dma_start3A_502] : memref<10240x128xf32, #tpu.memory_space<hbm>> -> memref<80x128xf32, #tpu.memory_space<hbm>>
    tpu.enqueue_dma source(%arg6 : memref<80x128xf32, #tpu.memory_space<vmem>>) target(%dma_start3A_503 : memref<80x128xf32, #tpu.memory_space<hbm>>) target_semaphore(%arg10 : memref<!tpu.dma_semaphore, #tpu.memory_space<semaphore_mem>>)
    %add3A_504 = arith.constant 0 : i32
    %add3A_505 = arith.addi %mul3A_2, %add3A_504 : i32
    %dma_wait3A_506 = arith.constant 0 : i32
    %dma_wait3A_507 = tpu.memref_slice %arg4[%add3A_505, %dma_wait3A_506] : memref<10240x128xf32, #tpu.memory_space<hbm>> -> memref<80x128xf32, #tpu.memory_space<hbm>>
    %dma_wait3A_508 = arith.constant 0 : i32
    %dma_wait3A_509 = tpu.memref_slice %arg4[%add3A_505, %dma_wait3A_508] : memref<10240x128xf32, #tpu.memory_space<hbm>> -> memref<80x128xf32, #tpu.memory_space<hbm>>
    tpu.wait_dma2 semaphore(%arg10 : memref<!tpu.dma_semaphore, #tpu.memory_space<semaphore_mem>>) src(%arg6 : memref<80x128xf32, #tpu.memory_space<vmem>>) dst(%dma_wait3A_509 : memref<80x128xf32, #tpu.memory_space<hbm>>)
    %scan3A_510 = arith.constant 0 : i32
    %scan3A_511 = arith.constant 80 : i32
    %scan3A_512 = arith.addi %scan3A_510, %scan3A_511 : i32
    %scan3A_513 = arith.constant 1 : i32
    scf.for %scan3A_1356 = %scan3A_510 to %scan3A_512 step %scan3A_513  : i32 {
      %mul3A_1357 = arith.constant 1 : i32
      %mul3A_1358 = arith.muli %scan3A_1356, %mul3A_1357 : i32
      %add3A_1359 = arith.constant 0 : i32
      %add3A_1360 = arith.addi %add3A_1359, %mul3A_1358 : i32
      %scan3A_1361 = arith.constant 0 : i32
      %scan3A_1362 = arith.constant 8 : i32
      %scan3A_1363 = arith.addi %scan3A_1361, %scan3A_1362 : i32
      %scan3A_1364 = arith.constant 1 : i32
      scf.for %scan3A_1366 = %scan3A_1361 to %scan3A_1363 step %scan3A_1364  : i32 {
        %mul3A_1367 = arith.constant 16 : i32
        %mul3A_1368 = arith.muli %scan3A_1366, %mul3A_1367 : i32
        %add3A_1369 = arith.constant 0 : i32
        %add3A_1370 = arith.addi %add3A_1369, %mul3A_1368 : i32
        %broadcast_in_dim3A = arith.constant 0.000000e+00 : f32
        %broadcast_in_dim3A_1371 = vector.broadcast %broadcast_in_dim3A : f32 to vector<16xf32>
        %swap3A = arith.index_cast %add3A_1360 : i32 to index
        %swap3A_1372 = arith.index_cast %add3A_1370 : i32 to index
        %swap3A_1373 = tpu.vector_load %arg6[%swap3A, %swap3A_1372] {strides = array<i32>} : memref<80x128xf32, #tpu.memory_space<vmem>>, vector<1x16xf32>,
        %swap3A_1374 = vector.shape_cast %swap3A_1373 : vector<1x16xf32> to vector<16xf32>
        %swap3A_1375 = vector.shape_cast %broadcast_in_dim3A_1371 : vector<16xf32> to vector<1x16xf32>
        tpu.vector_store %arg6[%swap3A, %swap3A_1372], %swap3A_1375 {strides = array<i32>} : memref<80x128xf32, #tpu.memory_space<vmem>>, vector<1x16xf32>,
      }
      %scan3A_1365 = arith.constant 8 : i32
    }
    %scan3A_514 = arith.constant 80 : i32
    %dma_start3A_515 = arith.constant 160 : i32
    %dma_start3A_516 = tpu.memref_slice %arg5[%dma_start3A_515] : memref<10240xi32, #tpu.memory_space<vmem>> -> memref<80xi32, #tpu.memory_space<vmem>>
    %dma_start3A_517 = arith.constant 0 : i32
    %dma_start3A_518 = arith.constant 0 : i32
    %dma_start3A_519 = tpu.memref_slice %arg3[%dma_start3A_517, %dma_start3A_518] : memref<10000x128xf32, #tpu.memory_space<hbm>> -> memref<10000x128xf32, #tpu.memory_space<hbm>>
    tpu.enqueue_indirect_dma source(%dma_start3A_519 : memref<10000x128xf32, #tpu.memory_space<hbm>>) target(%arg6 : memref<80x128xf32, #tpu.memory_space<vmem>>) offsets(%dma_start3A_516 : memref<80xi32, #tpu.memory_space<vmem>>) semaphore(%arg8 : memref<!tpu.dma_semaphore, #tpu.memory_space<semaphore_mem>>) {add = true}
    %dma_start3A_520 = arith.constant 480 : i32
    %dma_start3A_521 = tpu.memref_slice %arg5[%dma_start3A_520] : memref<10240xi32, #tpu.memory_space<vmem>> -> memref<80xi32, #tpu.memory_space<vmem>>
    %dma_start3A_522 = arith.constant 0 : i32
    %dma_start3A_523 = arith.constant 0 : i32
    %dma_start3A_524 = tpu.memref_slice %arg3[%dma_start3A_522, %dma_start3A_523] : memref<10000x128xf32, #tpu.memory_space<hbm>> -> memref<10000x128xf32, #tpu.memory_space<hbm>>
    tpu.enqueue_indirect_dma source(%dma_start3A_524 : memref<10000x128xf32, #tpu.memory_space<hbm>>) target(%arg6 : memref<80x128xf32, #tpu.memory_space<vmem>>) offsets(%dma_start3A_521 : memref<80xi32, #tpu.memory_space<vmem>>) semaphore(%arg8 : memref<!tpu.dma_semaphore, #tpu.memory_space<semaphore_mem>>) {add = true}
    %dma_start3A_525 = arith.constant 800 : i32
    %dma_start3A_526 = tpu.memref_slice %arg5[%dma_start3A_525] : memref<10240xi32, #tpu.memory_space<vmem>> -> memref<80xi32, #tpu.memory_space<vmem>>
    %dma_start3A_527 = arith.constant 0 : i32
    %dma_start3A_528 = arith.constant 0 : i32
    %dma_start3A_529 = tpu.memref_slice %arg3[%dma_start3A_527, %dma_start3A_528] : memref<10000x128xf32, #tpu.memory_space<hbm>> -> memref<10000x128xf32, #tpu.memory_space<hbm>>
    tpu.enqueue_indirect_dma source(%dma_start3A_529 : memref<10000x128xf32, #tpu.memory_space<hbm>>) target(%arg6 : memref<80x128xf32, #tpu.memory_space<vmem>>) offsets(%dma_start3A_526 : memref<80xi32, #tpu.memory_space<vmem>>) semaphore(%arg8 : memref<!tpu.dma_semaphore, #tpu.memory_space<semaphore_mem>>) {add = true}
    %dma_start3A_530 = arith.constant 1120 : i32
    %dma_start3A_531 = tpu.memref_slice %arg5[%dma_start3A_530] : memref<10240xi32, #tpu.memory_space<vmem>> -> memref<80xi32, #tpu.memory_space<vmem>>
    %dma_start3A_532 = arith.constant 0 : i32
    %dma_start3A_533 = arith.constant 0 : i32
    %dma_start3A_534 = tpu.memref_slice %arg3[%dma_start3A_532, %dma_start3A_533] : memref<10000x128xf32, #tpu.memory_space<hbm>> -> memref<10000x128xf32, #tpu.memory_space<hbm>>
    tpu.enqueue_indirect_dma source(%dma_start3A_534 : memref<10000x128xf32, #tpu.memory_space<hbm>>) target(%arg6 : memref<80x128xf32, #tpu.memory_space<vmem>>) offsets(%dma_start3A_531 : memref<80xi32, #tpu.memory_space<vmem>>) semaphore(%arg8 : memref<!tpu.dma_semaphore, #tpu.memory_space<semaphore_mem>>) {add = true}
    %dma_start3A_535 = arith.constant 1440 : i32
    %dma_start3A_536 = tpu.memref_slice %arg5[%dma_start3A_535] : memref<10240xi32, #tpu.memory_space<vmem>> -> memref<80xi32, #tpu.memory_space<vmem>>
    %dma_start3A_537 = arith.constant 0 : i32
    %dma_start3A_538 = arith.constant 0 : i32
    %dma_start3A_539 = tpu.memref_slice %arg3[%dma_start3A_537, %dma_start3A_538] : memref<10000x128xf32, #tpu.memory_space<hbm>> -> memref<10000x128xf32, #tpu.memory_space<hbm>>
    tpu.enqueue_indirect_dma source(%dma_start3A_539 : memref<10000x128xf32, #tpu.memory_space<hbm>>) target(%arg6 : memref<80x128xf32, #tpu.memory_space<vmem>>) offsets(%dma_start3A_536 : memref<80xi32, #tpu.memory_space<vmem>>) semaphore(%arg8 : memref<!tpu.dma_semaphore, #tpu.memory_space<semaphore_mem>>) {add = true}
    %dma_start3A_540 = arith.constant 1760 : i32
    %dma_start3A_541 = tpu.memref_slice %arg5[%dma_start3A_540] : memref<10240xi32, #tpu.memory_space<vmem>> -> memref<80xi32, #tpu.memory_space<vmem>>
    %dma_start3A_542 = arith.constant 0 : i32
    %dma_start3A_543 = arith.constant 0 : i32
    %dma_start3A_544 = tpu.memref_slice %arg3[%dma_start3A_542, %dma_start3A_543] : memref<10000x128xf32, #tpu.memory_space<hbm>> -> memref<10000x128xf32, #tpu.memory_space<hbm>>
    tpu.enqueue_indirect_dma source(%dma_start3A_544 : memref<10000x128xf32, #tpu.memory_space<hbm>>) target(%arg6 : memref<80x128xf32, #tpu.memory_space<vmem>>) offsets(%dma_start3A_541 : memref<80xi32, #tpu.memory_space<vmem>>) semaphore(%arg8 : memref<!tpu.dma_semaphore, #tpu.memory_space<semaphore_mem>>) {add = true}
    %dma_start3A_545 = arith.constant 2080 : i32
    %dma_start3A_546 = tpu.memref_slice %arg5[%dma_start3A_545] : memref<10240xi32, #tpu.memory_space<vmem>> -> memref<80xi32, #tpu.memory_space<vmem>>
    %dma_start3A_547 = arith.constant 0 : i32
    %dma_start3A_548 = arith.constant 0 : i32
    %dma_start3A_549 = tpu.memref_slice %arg3[%dma_start3A_547, %dma_start3A_548] : memref<10000x128xf32, #tpu.memory_space<hbm>> -> memref<10000x128xf32, #tpu.memory_space<hbm>>
    tpu.enqueue_indirect_dma source(%dma_start3A_549 : memref<10000x128xf32, #tpu.memory_space<hbm>>) target(%arg6 : memref<80x128xf32, #tpu.memory_space<vmem>>) offsets(%dma_start3A_546 : memref<80xi32, #tpu.memory_space<vmem>>) semaphore(%arg8 : memref<!tpu.dma_semaphore, #tpu.memory_space<semaphore_mem>>) {add = true}
    %dma_start3A_550 = arith.constant 2400 : i32
    %dma_start3A_551 = tpu.memref_slice %arg5[%dma_start3A_550] : memref<10240xi32, #tpu.memory_space<vmem>> -> memref<80xi32, #tpu.memory_space<vmem>>
    %dma_start3A_552 = arith.constant 0 : i32
    %dma_start3A_553 = arith.constant 0 : i32
    %dma_start3A_554 = tpu.memref_slice %arg3[%dma_start3A_552, %dma_start3A_553] : memref<10000x128xf32, #tpu.memory_space<hbm>> -> memref<10000x128xf32, #tpu.memory_space<hbm>>
    tpu.enqueue_indirect_dma source(%dma_start3A_554 : memref<10000x128xf32, #tpu.memory_space<hbm>>) target(%arg6 : memref<80x128xf32, #tpu.memory_space<vmem>>) offsets(%dma_start3A_551 : memref<80xi32, #tpu.memory_space<vmem>>) semaphore(%arg8 : memref<!tpu.dma_semaphore, #tpu.memory_space<semaphore_mem>>) {add = true}
    %dma_start3A_555 = arith.constant 2720 : i32
    %dma_start3A_556 = tpu.memref_slice %arg5[%dma_start3A_555] : memref<10240xi32, #tpu.memory_space<vmem>> -> memref<80xi32, #tpu.memory_space<vmem>>
    %dma_start3A_557 = arith.constant 0 : i32
    %dma_start3A_558 = arith.constant 0 : i32
    %dma_start3A_559 = tpu.memref_slice %arg3[%dma_start3A_557, %dma_start3A_558] : memref<10000x128xf32, #tpu.memory_space<hbm>> -> memref<10000x128xf32, #tpu.memory_space<hbm>>
    tpu.enqueue_indirect_dma source(%dma_start3A_559 : memref<10000x128xf32, #tpu.memory_space<hbm>>) target(%arg6 : memref<80x128xf32, #tpu.memory_space<vmem>>) offsets(%dma_start3A_556 : memref<80xi32, #tpu.memory_space<vmem>>) semaphore(%arg8 : memref<!tpu.dma_semaphore, #tpu.memory_space<semaphore_mem>>) {add = true}
    %dma_start3A_560 = arith.constant 3040 : i32
    %dma_start3A_561 = tpu.memref_slice %arg5[%dma_start3A_560] : memref<10240xi32, #tpu.memory_space<vmem>> -> memref<80xi32, #tpu.memory_space<vmem>>
    %dma_start3A_562 = arith.constant 0 : i32
    %dma_start3A_563 = arith.constant 0 : i32
    %dma_start3A_564 = tpu.memref_slice %arg3[%dma_start3A_562, %dma_start3A_563] : memref<10000x128xf32, #tpu.memory_space<hbm>> -> memref<10000x128xf32, #tpu.memory_space<hbm>>
    tpu.enqueue_indirect_dma source(%dma_start3A_564 : memref<10000x128xf32, #tpu.memory_space<hbm>>) target(%arg6 : memref<80x128xf32, #tpu.memory_space<vmem>>) offsets(%dma_start3A_561 : memref<80xi32, #tpu.memory_space<vmem>>) semaphore(%arg8 : memref<!tpu.dma_semaphore, #tpu.memory_space<semaphore_mem>>) {add = true}
    %dma_start3A_565 = arith.constant 3360 : i32
    %dma_start3A_566 = tpu.memref_slice %arg5[%dma_start3A_565] : memref<10240xi32, #tpu.memory_space<vmem>> -> memref<80xi32, #tpu.memory_space<vmem>>
    %dma_start3A_567 = arith.constant 0 : i32
    %dma_start3A_568 = arith.constant 0 : i32
    %dma_start3A_569 = tpu.memref_slice %arg3[%dma_start3A_567, %dma_start3A_568] : memref<10000x128xf32, #tpu.memory_space<hbm>> -> memref<10000x128xf32, #tpu.memory_space<hbm>>
    tpu.enqueue_indirect_dma source(%dma_start3A_569 : memref<10000x128xf32, #tpu.memory_space<hbm>>) target(%arg6 : memref<80x128xf32, #tpu.memory_space<vmem>>) offsets(%dma_start3A_566 : memref<80xi32, #tpu.memory_space<vmem>>) semaphore(%arg8 : memref<!tpu.dma_semaphore, #tpu.memory_space<semaphore_mem>>) {add = true}
    %dma_start3A_570 = arith.constant 3680 : i32
    %dma_start3A_571 = tpu.memref_slice %arg5[%dma_start3A_570] : memref<10240xi32, #tpu.memory_space<vmem>> -> memref<80xi32, #tpu.memory_space<vmem>>
    %dma_start3A_572 = arith.constant 0 : i32
    %dma_start3A_573 = arith.constant 0 : i32
    %dma_start3A_574 = tpu.memref_slice %arg3[%dma_start3A_572, %dma_start3A_573] : memref<10000x128xf32, #tpu.memory_space<hbm>> -> memref<10000x128xf32, #tpu.memory_space<hbm>>
    tpu.enqueue_indirect_dma source(%dma_start3A_574 : memref<10000x128xf32, #tpu.memory_space<hbm>>) target(%arg6 : memref<80x128xf32, #tpu.memory_space<vmem>>) offsets(%dma_start3A_571 : memref<80xi32, #tpu.memory_space<vmem>>) semaphore(%arg8 : memref<!tpu.dma_semaphore, #tpu.memory_space<semaphore_mem>>) {add = true}
    %dma_start3A_575 = arith.constant 4000 : i32
    %dma_start3A_576 = tpu.memref_slice %arg5[%dma_start3A_575] : memref<10240xi32, #tpu.memory_space<vmem>> -> memref<80xi32, #tpu.memory_space<vmem>>
    %dma_start3A_577 = arith.constant 0 : i32
    %dma_start3A_578 = arith.constant 0 : i32
    %dma_start3A_579 = tpu.memref_slice %arg3[%dma_start3A_577, %dma_start3A_578] : memref<10000x128xf32, #tpu.memory_space<hbm>> -> memref<10000x128xf32, #tpu.memory_space<hbm>>
    tpu.enqueue_indirect_dma source(%dma_start3A_579 : memref<10000x128xf32, #tpu.memory_space<hbm>>) target(%arg6 : memref<80x128xf32, #tpu.memory_space<vmem>>) offsets(%dma_start3A_576 : memref<80xi32, #tpu.memory_space<vmem>>) semaphore(%arg8 : memref<!tpu.dma_semaphore, #tpu.memory_space<semaphore_mem>>) {add = true}
    %dma_start3A_580 = arith.constant 4320 : i32
    %dma_start3A_581 = tpu.memref_slice %arg5[%dma_start3A_580] : memref<10240xi32, #tpu.memory_space<vmem>> -> memref<80xi32, #tpu.memory_space<vmem>>
    %dma_start3A_582 = arith.constant 0 : i32
    %dma_start3A_583 = arith.constant 0 : i32
    %dma_start3A_584 = tpu.memref_slice %arg3[%dma_start3A_582, %dma_start3A_583] : memref<10000x128xf32, #tpu.memory_space<hbm>> -> memref<10000x128xf32, #tpu.memory_space<hbm>>
    tpu.enqueue_indirect_dma source(%dma_start3A_584 : memref<10000x128xf32, #tpu.memory_space<hbm>>) target(%arg6 : memref<80x128xf32, #tpu.memory_space<vmem>>) offsets(%dma_start3A_581 : memref<80xi32, #tpu.memory_space<vmem>>) semaphore(%arg8 : memref<!tpu.dma_semaphore, #tpu.memory_space<semaphore_mem>>) {add = true}
    %dma_start3A_585 = arith.constant 4640 : i32
    %dma_start3A_586 = tpu.memref_slice %arg5[%dma_start3A_585] : memref<10240xi32, #tpu.memory_space<vmem>> -> memref<80xi32, #tpu.memory_space<vmem>>
    %dma_start3A_587 = arith.constant 0 : i32
    %dma_start3A_588 = arith.constant 0 : i32
    %dma_start3A_589 = tpu.memref_slice %arg3[%dma_start3A_587, %dma_start3A_588] : memref<10000x128xf32, #tpu.memory_space<hbm>> -> memref<10000x128xf32, #tpu.memory_space<hbm>>
    tpu.enqueue_indirect_dma source(%dma_start3A_589 : memref<10000x128xf32, #tpu.memory_space<hbm>>) target(%arg6 : memref<80x128xf32, #tpu.memory_space<vmem>>) offsets(%dma_start3A_586 : memref<80xi32, #tpu.memory_space<vmem>>) semaphore(%arg8 : memref<!tpu.dma_semaphore, #tpu.memory_space<semaphore_mem>>) {add = true}
    %dma_start3A_590 = arith.constant 4960 : i32
    %dma_start3A_591 = tpu.memref_slice %arg5[%dma_start3A_590] : memref<10240xi32, #tpu.memory_space<vmem>> -> memref<80xi32, #tpu.memory_space<vmem>>
    %dma_start3A_592 = arith.constant 0 : i32
    %dma_start3A_593 = arith.constant 0 : i32
    %dma_start3A_594 = tpu.memref_slice %arg3[%dma_start3A_592, %dma_start3A_593] : memref<10000x128xf32, #tpu.memory_space<hbm>> -> memref<10000x128xf32, #tpu.memory_space<hbm>>
    tpu.enqueue_indirect_dma source(%dma_start3A_594 : memref<10000x128xf32, #tpu.memory_space<hbm>>) target(%arg6 : memref<80x128xf32, #tpu.memory_space<vmem>>) offsets(%dma_start3A_591 : memref<80xi32, #tpu.memory_space<vmem>>) semaphore(%arg8 : memref<!tpu.dma_semaphore, #tpu.memory_space<semaphore_mem>>) {add = true}
    %dma_start3A_595 = arith.constant 5280 : i32
    %dma_start3A_596 = tpu.memref_slice %arg5[%dma_start3A_595] : memref<10240xi32, #tpu.memory_space<vmem>> -> memref<80xi32, #tpu.memory_space<vmem>>
    %dma_start3A_597 = arith.constant 0 : i32
    %dma_start3A_598 = arith.constant 0 : i32
    %dma_start3A_599 = tpu.memref_slice %arg3[%dma_start3A_597, %dma_start3A_598] : memref<10000x128xf32, #tpu.memory_space<hbm>> -> memref<10000x128xf32, #tpu.memory_space<hbm>>
    tpu.enqueue_indirect_dma source(%dma_start3A_599 : memref<10000x128xf32, #tpu.memory_space<hbm>>) target(%arg6 : memref<80x128xf32, #tpu.memory_space<vmem>>) offsets(%dma_start3A_596 : memref<80xi32, #tpu.memory_space<vmem>>) semaphore(%arg8 : memref<!tpu.dma_semaphore, #tpu.memory_space<semaphore_mem>>) {add = true}
    %dma_start3A_600 = arith.constant 5600 : i32
    %dma_start3A_601 = tpu.memref_slice %arg5[%dma_start3A_600] : memref<10240xi32, #tpu.memory_space<vmem>> -> memref<80xi32, #tpu.memory_space<vmem>>
    %dma_start3A_602 = arith.constant 0 : i32
    %dma_start3A_603 = arith.constant 0 : i32
    %dma_start3A_604 = tpu.memref_slice %arg3[%dma_start3A_602, %dma_start3A_603] : memref<10000x128xf32, #tpu.memory_space<hbm>> -> memref<10000x128xf32, #tpu.memory_space<hbm>>
    tpu.enqueue_indirect_dma source(%dma_start3A_604 : memref<10000x128xf32, #tpu.memory_space<hbm>>) target(%arg6 : memref<80x128xf32, #tpu.memory_space<vmem>>) offsets(%dma_start3A_601 : memref<80xi32, #tpu.memory_space<vmem>>) semaphore(%arg8 : memref<!tpu.dma_semaphore, #tpu.memory_space<semaphore_mem>>) {add = true}
    %dma_start3A_605 = arith.constant 5920 : i32
    %dma_start3A_606 = tpu.memref_slice %arg5[%dma_start3A_605] : memref<10240xi32, #tpu.memory_space<vmem>> -> memref<80xi32, #tpu.memory_space<vmem>>
    %dma_start3A_607 = arith.constant 0 : i32
    %dma_start3A_608 = arith.constant 0 : i32
    %dma_start3A_609 = tpu.memref_slice %arg3[%dma_start3A_607, %dma_start3A_608] : memref<10000x128xf32, #tpu.memory_space<hbm>> -> memref<10000x128xf32, #tpu.memory_space<hbm>>
    tpu.enqueue_indirect_dma source(%dma_start3A_609 : memref<10000x128xf32, #tpu.memory_space<hbm>>) target(%arg6 : memref<80x128xf32, #tpu.memory_space<vmem>>) offsets(%dma_start3A_606 : memref<80xi32, #tpu.memory_space<vmem>>) semaphore(%arg8 : memref<!tpu.dma_semaphore, #tpu.memory_space<semaphore_mem>>) {add = true}
    %dma_start3A_610 = arith.constant 6240 : i32
    %dma_start3A_611 = tpu.memref_slice %arg5[%dma_start3A_610] : memref<10240xi32, #tpu.memory_space<vmem>> -> memref<80xi32, #tpu.memory_space<vmem>>
    %dma_start3A_612 = arith.constant 0 : i32
    %dma_start3A_613 = arith.constant 0 : i32
    %dma_start3A_614 = tpu.memref_slice %arg3[%dma_start3A_612, %dma_start3A_613] : memref<10000x128xf32, #tpu.memory_space<hbm>> -> memref<10000x128xf32, #tpu.memory_space<hbm>>
    tpu.enqueue_indirect_dma source(%dma_start3A_614 : memref<10000x128xf32, #tpu.memory_space<hbm>>) target(%arg6 : memref<80x128xf32, #tpu.memory_space<vmem>>) offsets(%dma_start3A_611 : memref<80xi32, #tpu.memory_space<vmem>>) semaphore(%arg8 : memref<!tpu.dma_semaphore, #tpu.memory_space<semaphore_mem>>) {add = true}
    %dma_start3A_615 = arith.constant 6560 : i32
    %dma_start3A_616 = tpu.memref_slice %arg5[%dma_start3A_615] : memref<10240xi32, #tpu.memory_space<vmem>> -> memref<80xi32, #tpu.memory_space<vmem>>
    %dma_start3A_617 = arith.constant 0 : i32
    %dma_start3A_618 = arith.constant 0 : i32
    %dma_start3A_619 = tpu.memref_slice %arg3[%dma_start3A_617, %dma_start3A_618] : memref<10000x128xf32, #tpu.memory_space<hbm>> -> memref<10000x128xf32, #tpu.memory_space<hbm>>
    tpu.enqueue_indirect_dma source(%dma_start3A_619 : memref<10000x128xf32, #tpu.memory_space<hbm>>) target(%arg6 : memref<80x128xf32, #tpu.memory_space<vmem>>) offsets(%dma_start3A_616 : memref<80xi32, #tpu.memory_space<vmem>>) semaphore(%arg8 : memref<!tpu.dma_semaphore, #tpu.memory_space<semaphore_mem>>) {add = true}
    %dma_start3A_620 = arith.constant 6880 : i32
    %dma_start3A_621 = tpu.memref_slice %arg5[%dma_start3A_620] : memref<10240xi32, #tpu.memory_space<vmem>> -> memref<80xi32, #tpu.memory_space<vmem>>
    %dma_start3A_622 = arith.constant 0 : i32
    %dma_start3A_623 = arith.constant 0 : i32
    %dma_start3A_624 = tpu.memref_slice %arg3[%dma_start3A_622, %dma_start3A_623] : memref<10000x128xf32, #tpu.memory_space<hbm>> -> memref<10000x128xf32, #tpu.memory_space<hbm>>
    tpu.enqueue_indirect_dma source(%dma_start3A_624 : memref<10000x128xf32, #tpu.memory_space<hbm>>) target(%arg6 : memref<80x128xf32, #tpu.memory_space<vmem>>) offsets(%dma_start3A_621 : memref<80xi32, #tpu.memory_space<vmem>>) semaphore(%arg8 : memref<!tpu.dma_semaphore, #tpu.memory_space<semaphore_mem>>) {add = true}
    %dma_start3A_625 = arith.constant 7200 : i32
    %dma_start3A_626 = tpu.memref_slice %arg5[%dma_start3A_625] : memref<10240xi32, #tpu.memory_space<vmem>> -> memref<80xi32, #tpu.memory_space<vmem>>
    %dma_start3A_627 = arith.constant 0 : i32
    %dma_start3A_628 = arith.constant 0 : i32
    %dma_start3A_629 = tpu.memref_slice %arg3[%dma_start3A_627, %dma_start3A_628] : memref<10000x128xf32, #tpu.memory_space<hbm>> -> memref<10000x128xf32, #tpu.memory_space<hbm>>
    tpu.enqueue_indirect_dma source(%dma_start3A_629 : memref<10000x128xf32, #tpu.memory_space<hbm>>) target(%arg6 : memref<80x128xf32, #tpu.memory_space<vmem>>) offsets(%dma_start3A_626 : memref<80xi32, #tpu.memory_space<vmem>>) semaphore(%arg8 : memref<!tpu.dma_semaphore, #tpu.memory_space<semaphore_mem>>) {add = true}
    %dma_start3A_630 = arith.constant 7520 : i32
    %dma_start3A_631 = tpu.memref_slice %arg5[%dma_start3A_630] : memref<10240xi32, #tpu.memory_space<vmem>> -> memref<80xi32, #tpu.memory_space<vmem>>
    %dma_start3A_632 = arith.constant 0 : i32
    %dma_start3A_633 = arith.constant 0 : i32
    %dma_start3A_634 = tpu.memref_slice %arg3[%dma_start3A_632, %dma_start3A_633] : memref<10000x128xf32, #tpu.memory_space<hbm>> -> memref<10000x128xf32, #tpu.memory_space<hbm>>
    tpu.enqueue_indirect_dma source(%dma_start3A_634 : memref<10000x128xf32, #tpu.memory_space<hbm>>) target(%arg6 : memref<80x128xf32, #tpu.memory_space<vmem>>) offsets(%dma_start3A_631 : memref<80xi32, #tpu.memory_space<vmem>>) semaphore(%arg8 : memref<!tpu.dma_semaphore, #tpu.memory_space<semaphore_mem>>) {add = true}
    %dma_start3A_635 = arith.constant 7840 : i32
    %dma_start3A_636 = tpu.memref_slice %arg5[%dma_start3A_635] : memref<10240xi32, #tpu.memory_space<vmem>> -> memref<80xi32, #tpu.memory_space<vmem>>
    %dma_start3A_637 = arith.constant 0 : i32
    %dma_start3A_638 = arith.constant 0 : i32
    %dma_start3A_639 = tpu.memref_slice %arg3[%dma_start3A_637, %dma_start3A_638] : memref<10000x128xf32, #tpu.memory_space<hbm>> -> memref<10000x128xf32, #tpu.memory_space<hbm>>
    tpu.enqueue_indirect_dma source(%dma_start3A_639 : memref<10000x128xf32, #tpu.memory_space<hbm>>) target(%arg6 : memref<80x128xf32, #tpu.memory_space<vmem>>) offsets(%dma_start3A_636 : memref<80xi32, #tpu.memory_space<vmem>>) semaphore(%arg8 : memref<!tpu.dma_semaphore, #tpu.memory_space<semaphore_mem>>) {add = true}
    %dma_start3A_640 = arith.constant 8160 : i32
    %dma_start3A_641 = tpu.memref_slice %arg5[%dma_start3A_640] : memref<10240xi32, #tpu.memory_space<vmem>> -> memref<80xi32, #tpu.memory_space<vmem>>
    %dma_start3A_642 = arith.constant 0 : i32
    %dma_start3A_643 = arith.constant 0 : i32
    %dma_start3A_644 = tpu.memref_slice %arg3[%dma_start3A_642, %dma_start3A_643] : memref<10000x128xf32, #tpu.memory_space<hbm>> -> memref<10000x128xf32, #tpu.memory_space<hbm>>
    tpu.enqueue_indirect_dma source(%dma_start3A_644 : memref<10000x128xf32, #tpu.memory_space<hbm>>) target(%arg6 : memref<80x128xf32, #tpu.memory_space<vmem>>) offsets(%dma_start3A_641 : memref<80xi32, #tpu.memory_space<vmem>>) semaphore(%arg8 : memref<!tpu.dma_semaphore, #tpu.memory_space<semaphore_mem>>) {add = true}
    %dma_start3A_645 = arith.constant 8480 : i32
    %dma_start3A_646 = tpu.memref_slice %arg5[%dma_start3A_645] : memref<10240xi32, #tpu.memory_space<vmem>> -> memref<80xi32, #tpu.memory_space<vmem>>
    %dma_start3A_647 = arith.constant 0 : i32
    %dma_start3A_648 = arith.constant 0 : i32
    %dma_start3A_649 = tpu.memref_slice %arg3[%dma_start3A_647, %dma_start3A_648] : memref<10000x128xf32, #tpu.memory_space<hbm>> -> memref<10000x128xf32, #tpu.memory_space<hbm>>
    tpu.enqueue_indirect_dma source(%dma_start3A_649 : memref<10000x128xf32, #tpu.memory_space<hbm>>) target(%arg6 : memref<80x128xf32, #tpu.memory_space<vmem>>) offsets(%dma_start3A_646 : memref<80xi32, #tpu.memory_space<vmem>>) semaphore(%arg8 : memref<!tpu.dma_semaphore, #tpu.memory_space<semaphore_mem>>) {add = true}
    %dma_start3A_650 = arith.constant 8800 : i32
    %dma_start3A_651 = tpu.memref_slice %arg5[%dma_start3A_650] : memref<10240xi32, #tpu.memory_space<vmem>> -> memref<80xi32, #tpu.memory_space<vmem>>
    %dma_start3A_652 = arith.constant 0 : i32
    %dma_start3A_653 = arith.constant 0 : i32
    %dma_start3A_654 = tpu.memref_slice %arg3[%dma_start3A_652, %dma_start3A_653] : memref<10000x128xf32, #tpu.memory_space<hbm>> -> memref<10000x128xf32, #tpu.memory_space<hbm>>
    tpu.enqueue_indirect_dma source(%dma_start3A_654 : memref<10000x128xf32, #tpu.memory_space<hbm>>) target(%arg6 : memref<80x128xf32, #tpu.memory_space<vmem>>) offsets(%dma_start3A_651 : memref<80xi32, #tpu.memory_space<vmem>>) semaphore(%arg8 : memref<!tpu.dma_semaphore, #tpu.memory_space<semaphore_mem>>) {add = true}
    %dma_start3A_655 = arith.constant 9120 : i32
    %dma_start3A_656 = tpu.memref_slice %arg5[%dma_start3A_655] : memref<10240xi32, #tpu.memory_space<vmem>> -> memref<80xi32, #tpu.memory_space<vmem>>
    %dma_start3A_657 = arith.constant 0 : i32
    %dma_start3A_658 = arith.constant 0 : i32
    %dma_start3A_659 = tpu.memref_slice %arg3[%dma_start3A_657, %dma_start3A_658] : memref<10000x128xf32, #tpu.memory_space<hbm>> -> memref<10000x128xf32, #tpu.memory_space<hbm>>
    tpu.enqueue_indirect_dma source(%dma_start3A_659 : memref<10000x128xf32, #tpu.memory_space<hbm>>) target(%arg6 : memref<80x128xf32, #tpu.memory_space<vmem>>) offsets(%dma_start3A_656 : memref<80xi32, #tpu.memory_space<vmem>>) semaphore(%arg8 : memref<!tpu.dma_semaphore, #tpu.memory_space<semaphore_mem>>) {add = true}
    %dma_start3A_660 = arith.constant 9440 : i32
    %dma_start3A_661 = tpu.memref_slice %arg5[%dma_start3A_660] : memref<10240xi32, #tpu.memory_space<vmem>> -> memref<80xi32, #tpu.memory_space<vmem>>
    %dma_start3A_662 = arith.constant 0 : i32
    %dma_start3A_663 = arith.constant 0 : i32
    %dma_start3A_664 = tpu.memref_slice %arg3[%dma_start3A_662, %dma_start3A_663] : memref<10000x128xf32, #tpu.memory_space<hbm>> -> memref<10000x128xf32, #tpu.memory_space<hbm>>
    tpu.enqueue_indirect_dma source(%dma_start3A_664 : memref<10000x128xf32, #tpu.memory_space<hbm>>) target(%arg6 : memref<80x128xf32, #tpu.memory_space<vmem>>) offsets(%dma_start3A_661 : memref<80xi32, #tpu.memory_space<vmem>>) semaphore(%arg8 : memref<!tpu.dma_semaphore, #tpu.memory_space<semaphore_mem>>) {add = true}
    %dma_start3A_665 = arith.constant 9760 : i32
    %dma_start3A_666 = tpu.memref_slice %arg5[%dma_start3A_665] : memref<10240xi32, #tpu.memory_space<vmem>> -> memref<80xi32, #tpu.memory_space<vmem>>
    %dma_start3A_667 = arith.constant 0 : i32
    %dma_start3A_668 = arith.constant 0 : i32
    %dma_start3A_669 = tpu.memref_slice %arg3[%dma_start3A_667, %dma_start3A_668] : memref<10000x128xf32, #tpu.memory_space<hbm>> -> memref<10000x128xf32, #tpu.memory_space<hbm>>
    tpu.enqueue_indirect_dma source(%dma_start3A_669 : memref<10000x128xf32, #tpu.memory_space<hbm>>) target(%arg6 : memref<80x128xf32, #tpu.memory_space<vmem>>) offsets(%dma_start3A_666 : memref<80xi32, #tpu.memory_space<vmem>>) semaphore(%arg8 : memref<!tpu.dma_semaphore, #tpu.memory_space<semaphore_mem>>) {add = true}
    %dma_start3A_670 = arith.constant 10080 : i32
    %dma_start3A_671 = tpu.memref_slice %arg5[%dma_start3A_670] : memref<10240xi32, #tpu.memory_space<vmem>> -> memref<80xi32, #tpu.memory_space<vmem>>
    %dma_start3A_672 = arith.constant 0 : i32
    %dma_start3A_673 = arith.constant 0 : i32
    %dma_start3A_674 = tpu.memref_slice %arg3[%dma_start3A_672, %dma_start3A_673] : memref<10000x128xf32, #tpu.memory_space<hbm>> -> memref<10000x128xf32, #tpu.memory_space<hbm>>
    tpu.enqueue_indirect_dma source(%dma_start3A_674 : memref<10000x128xf32, #tpu.memory_space<hbm>>) target(%arg6 : memref<80x128xf32, #tpu.memory_space<vmem>>) offsets(%dma_start3A_671 : memref<80xi32, #tpu.memory_space<vmem>>) semaphore(%arg8 : memref<!tpu.dma_semaphore, #tpu.memory_space<semaphore_mem>>) {add = true}
    %dma_wait3A_675 = arith.constant 80 : i32
    %dma_wait3A_676 = tpu.memref_slice %arg5[%dma_wait3A_675] : memref<10240xi32, #tpu.memory_space<vmem>> -> memref<80xi32, #tpu.memory_space<vmem>>
    %dma_wait3A_677 = arith.constant 0 : i32
    %dma_wait3A_678 = arith.constant 0 : i32
    %dma_wait3A_679 = tpu.memref_slice %arg3[%dma_wait3A_677, %dma_wait3A_678] : memref<10000x128xf32, #tpu.memory_space<hbm>> -> memref<10000x128xf32, #tpu.memory_space<hbm>>
    tpu.wait_indirect_dma semaphore(%arg9 : memref<!tpu.dma_semaphore, #tpu.memory_space<semaphore_mem>>) src(%dma_wait3A_679 : memref<10000x128xf32, #tpu.memory_space<hbm>>) dst(%arg7 : memref<80x128xf32, #tpu.memory_space<vmem>>)
    %dma_wait3A_680 = arith.constant 400 : i32
    %dma_wait3A_681 = tpu.memref_slice %arg5[%dma_wait3A_680] : memref<10240xi32, #tpu.memory_space<vmem>> -> memref<80xi32, #tpu.memory_space<vmem>>
    %dma_wait3A_682 = arith.constant 0 : i32
    %dma_wait3A_683 = arith.constant 0 : i32
    %dma_wait3A_684 = tpu.memref_slice %arg3[%dma_wait3A_682, %dma_wait3A_683] : memref<10000x128xf32, #tpu.memory_space<hbm>> -> memref<10000x128xf32, #tpu.memory_space<hbm>>
    tpu.wait_indirect_dma semaphore(%arg9 : memref<!tpu.dma_semaphore, #tpu.memory_space<semaphore_mem>>) src(%dma_wait3A_684 : memref<10000x128xf32, #tpu.memory_space<hbm>>) dst(%arg7 : memref<80x128xf32, #tpu.memory_space<vmem>>)
    %dma_wait3A_685 = arith.constant 720 : i32
    %dma_wait3A_686 = tpu.memref_slice %arg5[%dma_wait3A_685] : memref<10240xi32, #tpu.memory_space<vmem>> -> memref<80xi32, #tpu.memory_space<vmem>>
    %dma_wait3A_687 = arith.constant 0 : i32
    %dma_wait3A_688 = arith.constant 0 : i32
    %dma_wait3A_689 = tpu.memref_slice %arg3[%dma_wait3A_687, %dma_wait3A_688] : memref<10000x128xf32, #tpu.memory_space<hbm>> -> memref<10000x128xf32, #tpu.memory_space<hbm>>
    tpu.wait_indirect_dma semaphore(%arg9 : memref<!tpu.dma_semaphore, #tpu.memory_space<semaphore_mem>>) src(%dma_wait3A_689 : memref<10000x128xf32, #tpu.memory_space<hbm>>) dst(%arg7 : memref<80x128xf32, #tpu.memory_space<vmem>>)
    %dma_wait3A_690 = arith.constant 1040 : i32
    %dma_wait3A_691 = tpu.memref_slice %arg5[%dma_wait3A_690] : memref<10240xi32, #tpu.memory_space<vmem>> -> memref<80xi32, #tpu.memory_space<vmem>>
    %dma_wait3A_692 = arith.constant 0 : i32
    %dma_wait3A_693 = arith.constant 0 : i32
    %dma_wait3A_694 = tpu.memref_slice %arg3[%dma_wait3A_692, %dma_wait3A_693] : memref<10000x128xf32, #tpu.memory_space<hbm>> -> memref<10000x128xf32, #tpu.memory_space<hbm>>
    tpu.wait_indirect_dma semaphore(%arg9 : memref<!tpu.dma_semaphore, #tpu.memory_space<semaphore_mem>>) src(%dma_wait3A_694 : memref<10000x128xf32, #tpu.memory_space<hbm>>) dst(%arg7 : memref<80x128xf32, #tpu.memory_space<vmem>>)
    %dma_wait3A_695 = arith.constant 1360 : i32
    %dma_wait3A_696 = tpu.memref_slice %arg5[%dma_wait3A_695] : memref<10240xi32, #tpu.memory_space<vmem>> -> memref<80xi32, #tpu.memory_space<vmem>>
    %dma_wait3A_697 = arith.constant 0 : i32
    %dma_wait3A_698 = arith.constant 0 : i32
    %dma_wait3A_699 = tpu.memref_slice %arg3[%dma_wait3A_697, %dma_wait3A_698] : memref<10000x128xf32, #tpu.memory_space<hbm>> -> memref<10000x128xf32, #tpu.memory_space<hbm>>
    tpu.wait_indirect_dma semaphore(%arg9 : memref<!tpu.dma_semaphore, #tpu.memory_space<semaphore_mem>>) src(%dma_wait3A_699 : memref<10000x128xf32, #tpu.memory_space<hbm>>) dst(%arg7 : memref<80x128xf32, #tpu.memory_space<vmem>>)
    %dma_wait3A_700 = arith.constant 1680 : i32
    %dma_wait3A_701 = tpu.memref_slice %arg5[%dma_wait3A_700] : memref<10240xi32, #tpu.memory_space<vmem>> -> memref<80xi32, #tpu.memory_space<vmem>>
    %dma_wait3A_702 = arith.constant 0 : i32
    %dma_wait3A_703 = arith.constant 0 : i32
    %dma_wait3A_704 = tpu.memref_slice %arg3[%dma_wait3A_702, %dma_wait3A_703] : memref<10000x128xf32, #tpu.memory_space<hbm>> -> memref<10000x128xf32, #tpu.memory_space<hbm>>
    tpu.wait_indirect_dma semaphore(%arg9 : memref<!tpu.dma_semaphore, #tpu.memory_space<semaphore_mem>>) src(%dma_wait3A_704 : memref<10000x128xf32, #tpu.memory_space<hbm>>) dst(%arg7 : memref<80x128xf32, #tpu.memory_space<vmem>>)
    %dma_wait3A_705 = arith.constant 2000 : i32
    %dma_wait3A_706 = tpu.memref_slice %arg5[%dma_wait3A_705] : memref<10240xi32, #tpu.memory_space<vmem>> -> memref<80xi32, #tpu.memory_space<vmem>>
    %dma_wait3A_707 = arith.constant 0 : i32
    %dma_wait3A_708 = arith.constant 0 : i32
    %dma_wait3A_709 = tpu.memref_slice %arg3[%dma_wait3A_707, %dma_wait3A_708] : memref<10000x128xf32, #tpu.memory_space<hbm>> -> memref<10000x128xf32, #tpu.memory_space<hbm>>
    tpu.wait_indirect_dma semaphore(%arg9 : memref<!tpu.dma_semaphore, #tpu.memory_space<semaphore_mem>>) src(%dma_wait3A_709 : memref<10000x128xf32, #tpu.memory_space<hbm>>) dst(%arg7 : memref<80x128xf32, #tpu.memory_space<vmem>>)
    %dma_wait3A_710 = arith.constant 2320 : i32
    %dma_wait3A_711 = tpu.memref_slice %arg5[%dma_wait3A_710] : memref<10240xi32, #tpu.memory_space<vmem>> -> memref<80xi32, #tpu.memory_space<vmem>>
    %dma_wait3A_712 = arith.constant 0 : i32
    %dma_wait3A_713 = arith.constant 0 : i32
    %dma_wait3A_714 = tpu.memref_slice %arg3[%dma_wait3A_712, %dma_wait3A_713] : memref<10000x128xf32, #tpu.memory_space<hbm>> -> memref<10000x128xf32, #tpu.memory_space<hbm>>
    tpu.wait_indirect_dma semaphore(%arg9 : memref<!tpu.dma_semaphore, #tpu.memory_space<semaphore_mem>>) src(%dma_wait3A_714 : memref<10000x128xf32, #tpu.memory_space<hbm>>) dst(%arg7 : memref<80x128xf32, #tpu.memory_space<vmem>>)
    %dma_wait3A_715 = arith.constant 2640 : i32
    %dma_wait3A_716 = tpu.memref_slice %arg5[%dma_wait3A_715] : memref<10240xi32, #tpu.memory_space<vmem>> -> memref<80xi32, #tpu.memory_space<vmem>>
    %dma_wait3A_717 = arith.constant 0 : i32
    %dma_wait3A_718 = arith.constant 0 : i32
    %dma_wait3A_719 = tpu.memref_slice %arg3[%dma_wait3A_717, %dma_wait3A_718] : memref<10000x128xf32, #tpu.memory_space<hbm>> -> memref<10000x128xf32, #tpu.memory_space<hbm>>
    tpu.wait_indirect_dma semaphore(%arg9 : memref<!tpu.dma_semaphore, #tpu.memory_space<semaphore_mem>>) src(%dma_wait3A_719 : memref<10000x128xf32, #tpu.memory_space<hbm>>) dst(%arg7 : memref<80x128xf32, #tpu.memory_space<vmem>>)
    %dma_wait3A_720 = arith.constant 2960 : i32
    %dma_wait3A_721 = tpu.memref_slice %arg5[%dma_wait3A_720] : memref<10240xi32, #tpu.memory_space<vmem>> -> memref<80xi32, #tpu.memory_space<vmem>>
    %dma_wait3A_722 = arith.constant 0 : i32
    %dma_wait3A_723 = arith.constant 0 : i32
    %dma_wait3A_724 = tpu.memref_slice %arg3[%dma_wait3A_722, %dma_wait3A_723] : memref<10000x128xf32, #tpu.memory_space<hbm>> -> memref<10000x128xf32, #tpu.memory_space<hbm>>
    tpu.wait_indirect_dma semaphore(%arg9 : memref<!tpu.dma_semaphore, #tpu.memory_space<semaphore_mem>>) src(%dma_wait3A_724 : memref<10000x128xf32, #tpu.memory_space<hbm>>) dst(%arg7 : memref<80x128xf32, #tpu.memory_space<vmem>>)
    %dma_wait3A_725 = arith.constant 3280 : i32
    %dma_wait3A_726 = tpu.memref_slice %arg5[%dma_wait3A_725] : memref<10240xi32, #tpu.memory_space<vmem>> -> memref<80xi32, #tpu.memory_space<vmem>>
    %dma_wait3A_727 = arith.constant 0 : i32
    %dma_wait3A_728 = arith.constant 0 : i32
    %dma_wait3A_729 = tpu.memref_slice %arg3[%dma_wait3A_727, %dma_wait3A_728] : memref<10000x128xf32, #tpu.memory_space<hbm>> -> memref<10000x128xf32, #tpu.memory_space<hbm>>
    tpu.wait_indirect_dma semaphore(%arg9 : memref<!tpu.dma_semaphore, #tpu.memory_space<semaphore_mem>>) src(%dma_wait3A_729 : memref<10000x128xf32, #tpu.memory_space<hbm>>) dst(%arg7 : memref<80x128xf32, #tpu.memory_space<vmem>>)
    %dma_wait3A_730 = arith.constant 3600 : i32
    %dma_wait3A_731 = tpu.memref_slice %arg5[%dma_wait3A_730] : memref<10240xi32, #tpu.memory_space<vmem>> -> memref<80xi32, #tpu.memory_space<vmem>>
    %dma_wait3A_732 = arith.constant 0 : i32
    %dma_wait3A_733 = arith.constant 0 : i32
    %dma_wait3A_734 = tpu.memref_slice %arg3[%dma_wait3A_732, %dma_wait3A_733] : memref<10000x128xf32, #tpu.memory_space<hbm>> -> memref<10000x128xf32, #tpu.memory_space<hbm>>
    tpu.wait_indirect_dma semaphore(%arg9 : memref<!tpu.dma_semaphore, #tpu.memory_space<semaphore_mem>>) src(%dma_wait3A_734 : memref<10000x128xf32, #tpu.memory_space<hbm>>) dst(%arg7 : memref<80x128xf32, #tpu.memory_space<vmem>>)
    %dma_wait3A_735 = arith.constant 3920 : i32
    %dma_wait3A_736 = tpu.memref_slice %arg5[%dma_wait3A_735] : memref<10240xi32, #tpu.memory_space<vmem>> -> memref<80xi32, #tpu.memory_space<vmem>>
    %dma_wait3A_737 = arith.constant 0 : i32
    %dma_wait3A_738 = arith.constant 0 : i32
    %dma_wait3A_739 = tpu.memref_slice %arg3[%dma_wait3A_737, %dma_wait3A_738] : memref<10000x128xf32, #tpu.memory_space<hbm>> -> memref<10000x128xf32, #tpu.memory_space<hbm>>
    tpu.wait_indirect_dma semaphore(%arg9 : memref<!tpu.dma_semaphore, #tpu.memory_space<semaphore_mem>>) src(%dma_wait3A_739 : memref<10000x128xf32, #tpu.memory_space<hbm>>) dst(%arg7 : memref<80x128xf32, #tpu.memory_space<vmem>>)
    %dma_wait3A_740 = arith.constant 4240 : i32
    %dma_wait3A_741 = tpu.memref_slice %arg5[%dma_wait3A_740] : memref<10240xi32, #tpu.memory_space<vmem>> -> memref<80xi32, #tpu.memory_space<vmem>>
    %dma_wait3A_742 = arith.constant 0 : i32
    %dma_wait3A_743 = arith.constant 0 : i32
    %dma_wait3A_744 = tpu.memref_slice %arg3[%dma_wait3A_742, %dma_wait3A_743] : memref<10000x128xf32, #tpu.memory_space<hbm>> -> memref<10000x128xf32, #tpu.memory_space<hbm>>
    tpu.wait_indirect_dma semaphore(%arg9 : memref<!tpu.dma_semaphore, #tpu.memory_space<semaphore_mem>>) src(%dma_wait3A_744 : memref<10000x128xf32, #tpu.memory_space<hbm>>) dst(%arg7 : memref<80x128xf32, #tpu.memory_space<vmem>>)
    %dma_wait3A_745 = arith.constant 4560 : i32
    %dma_wait3A_746 = tpu.memref_slice %arg5[%dma_wait3A_745] : memref<10240xi32, #tpu.memory_space<vmem>> -> memref<80xi32, #tpu.memory_space<vmem>>
    %dma_wait3A_747 = arith.constant 0 : i32
    %dma_wait3A_748 = arith.constant 0 : i32
    %dma_wait3A_749 = tpu.memref_slice %arg3[%dma_wait3A_747, %dma_wait3A_748] : memref<10000x128xf32, #tpu.memory_space<hbm>> -> memref<10000x128xf32, #tpu.memory_space<hbm>>
    tpu.wait_indirect_dma semaphore(%arg9 : memref<!tpu.dma_semaphore, #tpu.memory_space<semaphore_mem>>) src(%dma_wait3A_749 : memref<10000x128xf32, #tpu.memory_space<hbm>>) dst(%arg7 : memref<80x128xf32, #tpu.memory_space<vmem>>)
    %dma_wait3A_750 = arith.constant 4880 : i32
    %dma_wait3A_751 = tpu.memref_slice %arg5[%dma_wait3A_750] : memref<10240xi32, #tpu.memory_space<vmem>> -> memref<80xi32, #tpu.memory_space<vmem>>
    %dma_wait3A_752 = arith.constant 0 : i32
    %dma_wait3A_753 = arith.constant 0 : i32
    %dma_wait3A_754 = tpu.memref_slice %arg3[%dma_wait3A_752, %dma_wait3A_753] : memref<10000x128xf32, #tpu.memory_space<hbm>> -> memref<10000x128xf32, #tpu.memory_space<hbm>>
    tpu.wait_indirect_dma semaphore(%arg9 : memref<!tpu.dma_semaphore, #tpu.memory_space<semaphore_mem>>) src(%dma_wait3A_754 : memref<10000x128xf32, #tpu.memory_space<hbm>>) dst(%arg7 : memref<80x128xf32, #tpu.memory_space<vmem>>)
    %dma_wait3A_755 = arith.constant 5200 : i32
    %dma_wait3A_756 = tpu.memref_slice %arg5[%dma_wait3A_755] : memref<10240xi32, #tpu.memory_space<vmem>> -> memref<80xi32, #tpu.memory_space<vmem>>
    %dma_wait3A_757 = arith.constant 0 : i32
    %dma_wait3A_758 = arith.constant 0 : i32
    %dma_wait3A_759 = tpu.memref_slice %arg3[%dma_wait3A_757, %dma_wait3A_758] : memref<10000x128xf32, #tpu.memory_space<hbm>> -> memref<10000x128xf32, #tpu.memory_space<hbm>>
    tpu.wait_indirect_dma semaphore(%arg9 : memref<!tpu.dma_semaphore, #tpu.memory_space<semaphore_mem>>) src(%dma_wait3A_759 : memref<10000x128xf32, #tpu.memory_space<hbm>>) dst(%arg7 : memref<80x128xf32, #tpu.memory_space<vmem>>)
    %dma_wait3A_760 = arith.constant 5520 : i32
    %dma_wait3A_761 = tpu.memref_slice %arg5[%dma_wait3A_760] : memref<10240xi32, #tpu.memory_space<vmem>> -> memref<80xi32, #tpu.memory_space<vmem>>
    %dma_wait3A_762 = arith.constant 0 : i32
    %dma_wait3A_763 = arith.constant 0 : i32
    %dma_wait3A_764 = tpu.memref_slice %arg3[%dma_wait3A_762, %dma_wait3A_763] : memref<10000x128xf32, #tpu.memory_space<hbm>> -> memref<10000x128xf32, #tpu.memory_space<hbm>>
    tpu.wait_indirect_dma semaphore(%arg9 : memref<!tpu.dma_semaphore, #tpu.memory_space<semaphore_mem>>) src(%dma_wait3A_764 : memref<10000x128xf32, #tpu.memory_space<hbm>>) dst(%arg7 : memref<80x128xf32, #tpu.memory_space<vmem>>)
    %dma_wait3A_765 = arith.constant 5840 : i32
    %dma_wait3A_766 = tpu.memref_slice %arg5[%dma_wait3A_765] : memref<10240xi32, #tpu.memory_space<vmem>> -> memref<80xi32, #tpu.memory_space<vmem>>
    %dma_wait3A_767 = arith.constant 0 : i32
    %dma_wait3A_768 = arith.constant 0 : i32
    %dma_wait3A_769 = tpu.memref_slice %arg3[%dma_wait3A_767, %dma_wait3A_768] : memref<10000x128xf32, #tpu.memory_space<hbm>> -> memref<10000x128xf32, #tpu.memory_space<hbm>>
    tpu.wait_indirect_dma semaphore(%arg9 : memref<!tpu.dma_semaphore, #tpu.memory_space<semaphore_mem>>) src(%dma_wait3A_769 : memref<10000x128xf32, #tpu.memory_space<hbm>>) dst(%arg7 : memref<80x128xf32, #tpu.memory_space<vmem>>)
    %dma_wait3A_770 = arith.constant 6160 : i32
    %dma_wait3A_771 = tpu.memref_slice %arg5[%dma_wait3A_770] : memref<10240xi32, #tpu.memory_space<vmem>> -> memref<80xi32, #tpu.memory_space<vmem>>
    %dma_wait3A_772 = arith.constant 0 : i32
    %dma_wait3A_773 = arith.constant 0 : i32
    %dma_wait3A_774 = tpu.memref_slice %arg3[%dma_wait3A_772, %dma_wait3A_773] : memref<10000x128xf32, #tpu.memory_space<hbm>> -> memref<10000x128xf32, #tpu.memory_space<hbm>>
    tpu.wait_indirect_dma semaphore(%arg9 : memref<!tpu.dma_semaphore, #tpu.memory_space<semaphore_mem>>) src(%dma_wait3A_774 : memref<10000x128xf32, #tpu.memory_space<hbm>>) dst(%arg7 : memref<80x128xf32, #tpu.memory_space<vmem>>)
    %dma_wait3A_775 = arith.constant 6480 : i32
    %dma_wait3A_776 = tpu.memref_slice %arg5[%dma_wait3A_775] : memref<10240xi32, #tpu.memory_space<vmem>> -> memref<80xi32, #tpu.memory_space<vmem>>
    %dma_wait3A_777 = arith.constant 0 : i32
    %dma_wait3A_778 = arith.constant 0 : i32
    %dma_wait3A_779 = tpu.memref_slice %arg3[%dma_wait3A_777, %dma_wait3A_778] : memref<10000x128xf32, #tpu.memory_space<hbm>> -> memref<10000x128xf32, #tpu.memory_space<hbm>>
    tpu.wait_indirect_dma semaphore(%arg9 : memref<!tpu.dma_semaphore, #tpu.memory_space<semaphore_mem>>) src(%dma_wait3A_779 : memref<10000x128xf32, #tpu.memory_space<hbm>>) dst(%arg7 : memref<80x128xf32, #tpu.memory_space<vmem>>)
    %dma_wait3A_780 = arith.constant 6800 : i32
    %dma_wait3A_781 = tpu.memref_slice %arg5[%dma_wait3A_780] : memref<10240xi32, #tpu.memory_space<vmem>> -> memref<80xi32, #tpu.memory_space<vmem>>
    %dma_wait3A_782 = arith.constant 0 : i32
    %dma_wait3A_783 = arith.constant 0 : i32
    %dma_wait3A_784 = tpu.memref_slice %arg3[%dma_wait3A_782, %dma_wait3A_783] : memref<10000x128xf32, #tpu.memory_space<hbm>> -> memref<10000x128xf32, #tpu.memory_space<hbm>>
    tpu.wait_indirect_dma semaphore(%arg9 : memref<!tpu.dma_semaphore, #tpu.memory_space<semaphore_mem>>) src(%dma_wait3A_784 : memref<10000x128xf32, #tpu.memory_space<hbm>>) dst(%arg7 : memref<80x128xf32, #tpu.memory_space<vmem>>)
    %dma_wait3A_785 = arith.constant 7120 : i32
    %dma_wait3A_786 = tpu.memref_slice %arg5[%dma_wait3A_785] : memref<10240xi32, #tpu.memory_space<vmem>> -> memref<80xi32, #tpu.memory_space<vmem>>
    %dma_wait3A_787 = arith.constant 0 : i32
    %dma_wait3A_788 = arith.constant 0 : i32
    %dma_wait3A_789 = tpu.memref_slice %arg3[%dma_wait3A_787, %dma_wait3A_788] : memref<10000x128xf32, #tpu.memory_space<hbm>> -> memref<10000x128xf32, #tpu.memory_space<hbm>>
    tpu.wait_indirect_dma semaphore(%arg9 : memref<!tpu.dma_semaphore, #tpu.memory_space<semaphore_mem>>) src(%dma_wait3A_789 : memref<10000x128xf32, #tpu.memory_space<hbm>>) dst(%arg7 : memref<80x128xf32, #tpu.memory_space<vmem>>)
    %dma_wait3A_790 = arith.constant 7440 : i32
    %dma_wait3A_791 = tpu.memref_slice %arg5[%dma_wait3A_790] : memref<10240xi32, #tpu.memory_space<vmem>> -> memref<80xi32, #tpu.memory_space<vmem>>
    %dma_wait3A_792 = arith.constant 0 : i32
    %dma_wait3A_793 = arith.constant 0 : i32
    %dma_wait3A_794 = tpu.memref_slice %arg3[%dma_wait3A_792, %dma_wait3A_793] : memref<10000x128xf32, #tpu.memory_space<hbm>> -> memref<10000x128xf32, #tpu.memory_space<hbm>>
    tpu.wait_indirect_dma semaphore(%arg9 : memref<!tpu.dma_semaphore, #tpu.memory_space<semaphore_mem>>) src(%dma_wait3A_794 : memref<10000x128xf32, #tpu.memory_space<hbm>>) dst(%arg7 : memref<80x128xf32, #tpu.memory_space<vmem>>)
    %dma_wait3A_795 = arith.constant 7760 : i32
    %dma_wait3A_796 = tpu.memref_slice %arg5[%dma_wait3A_795] : memref<10240xi32, #tpu.memory_space<vmem>> -> memref<80xi32, #tpu.memory_space<vmem>>
    %dma_wait3A_797 = arith.constant 0 : i32
    %dma_wait3A_798 = arith.constant 0 : i32
    %dma_wait3A_799 = tpu.memref_slice %arg3[%dma_wait3A_797, %dma_wait3A_798] : memref<10000x128xf32, #tpu.memory_space<hbm>> -> memref<10000x128xf32, #tpu.memory_space<hbm>>
    tpu.wait_indirect_dma semaphore(%arg9 : memref<!tpu.dma_semaphore, #tpu.memory_space<semaphore_mem>>) src(%dma_wait3A_799 : memref<10000x128xf32, #tpu.memory_space<hbm>>) dst(%arg7 : memref<80x128xf32, #tpu.memory_space<vmem>>)
    %dma_wait3A_800 = arith.constant 8080 : i32
    %dma_wait3A_801 = tpu.memref_slice %arg5[%dma_wait3A_800] : memref<10240xi32, #tpu.memory_space<vmem>> -> memref<80xi32, #tpu.memory_space<vmem>>
    %dma_wait3A_802 = arith.constant 0 : i32
    %dma_wait3A_803 = arith.constant 0 : i32
    %dma_wait3A_804 = tpu.memref_slice %arg3[%dma_wait3A_802, %dma_wait3A_803] : memref<10000x128xf32, #tpu.memory_space<hbm>> -> memref<10000x128xf32, #tpu.memory_space<hbm>>
    tpu.wait_indirect_dma semaphore(%arg9 : memref<!tpu.dma_semaphore, #tpu.memory_space<semaphore_mem>>) src(%dma_wait3A_804 : memref<10000x128xf32, #tpu.memory_space<hbm>>) dst(%arg7 : memref<80x128xf32, #tpu.memory_space<vmem>>)
    %dma_wait3A_805 = arith.constant 8400 : i32
    %dma_wait3A_806 = tpu.memref_slice %arg5[%dma_wait3A_805] : memref<10240xi32, #tpu.memory_space<vmem>> -> memref<80xi32, #tpu.memory_space<vmem>>
    %dma_wait3A_807 = arith.constant 0 : i32
    %dma_wait3A_808 = arith.constant 0 : i32
    %dma_wait3A_809 = tpu.memref_slice %arg3[%dma_wait3A_807, %dma_wait3A_808] : memref<10000x128xf32, #tpu.memory_space<hbm>> -> memref<10000x128xf32, #tpu.memory_space<hbm>>
    tpu.wait_indirect_dma semaphore(%arg9 : memref<!tpu.dma_semaphore, #tpu.memory_space<semaphore_mem>>) src(%dma_wait3A_809 : memref<10000x128xf32, #tpu.memory_space<hbm>>) dst(%arg7 : memref<80x128xf32, #tpu.memory_space<vmem>>)
    %dma_wait3A_810 = arith.constant 8720 : i32
    %dma_wait3A_811 = tpu.memref_slice %arg5[%dma_wait3A_810] : memref<10240xi32, #tpu.memory_space<vmem>> -> memref<80xi32, #tpu.memory_space<vmem>>
    %dma_wait3A_812 = arith.constant 0 : i32
    %dma_wait3A_813 = arith.constant 0 : i32
    %dma_wait3A_814 = tpu.memref_slice %arg3[%dma_wait3A_812, %dma_wait3A_813] : memref<10000x128xf32, #tpu.memory_space<hbm>> -> memref<10000x128xf32, #tpu.memory_space<hbm>>
    tpu.wait_indirect_dma semaphore(%arg9 : memref<!tpu.dma_semaphore, #tpu.memory_space<semaphore_mem>>) src(%dma_wait3A_814 : memref<10000x128xf32, #tpu.memory_space<hbm>>) dst(%arg7 : memref<80x128xf32, #tpu.memory_space<vmem>>)
    %dma_wait3A_815 = arith.constant 9040 : i32
    %dma_wait3A_816 = tpu.memref_slice %arg5[%dma_wait3A_815] : memref<10240xi32, #tpu.memory_space<vmem>> -> memref<80xi32, #tpu.memory_space<vmem>>
    %dma_wait3A_817 = arith.constant 0 : i32
    %dma_wait3A_818 = arith.constant 0 : i32
    %dma_wait3A_819 = tpu.memref_slice %arg3[%dma_wait3A_817, %dma_wait3A_818] : memref<10000x128xf32, #tpu.memory_space<hbm>> -> memref<10000x128xf32, #tpu.memory_space<hbm>>
    tpu.wait_indirect_dma semaphore(%arg9 : memref<!tpu.dma_semaphore, #tpu.memory_space<semaphore_mem>>) src(%dma_wait3A_819 : memref<10000x128xf32, #tpu.memory_space<hbm>>) dst(%arg7 : memref<80x128xf32, #tpu.memory_space<vmem>>)
    %dma_wait3A_820 = arith.constant 9360 : i32
    %dma_wait3A_821 = tpu.memref_slice %arg5[%dma_wait3A_820] : memref<10240xi32, #tpu.memory_space<vmem>> -> memref<80xi32, #tpu.memory_space<vmem>>
    %dma_wait3A_822 = arith.constant 0 : i32
    %dma_wait3A_823 = arith.constant 0 : i32
    %dma_wait3A_824 = tpu.memref_slice %arg3[%dma_wait3A_822, %dma_wait3A_823] : memref<10000x128xf32, #tpu.memory_space<hbm>> -> memref<10000x128xf32, #tpu.memory_space<hbm>>
    tpu.wait_indirect_dma semaphore(%arg9 : memref<!tpu.dma_semaphore, #tpu.memory_space<semaphore_mem>>) src(%dma_wait3A_824 : memref<10000x128xf32, #tpu.memory_space<hbm>>) dst(%arg7 : memref<80x128xf32, #tpu.memory_space<vmem>>)
    %dma_wait3A_825 = arith.constant 9680 : i32
    %dma_wait3A_826 = tpu.memref_slice %arg5[%dma_wait3A_825] : memref<10240xi32, #tpu.memory_space<vmem>> -> memref<80xi32, #tpu.memory_space<vmem>>
    %dma_wait3A_827 = arith.constant 0 : i32
    %dma_wait3A_828 = arith.constant 0 : i32
    %dma_wait3A_829 = tpu.memref_slice %arg3[%dma_wait3A_827, %dma_wait3A_828] : memref<10000x128xf32, #tpu.memory_space<hbm>> -> memref<10000x128xf32, #tpu.memory_space<hbm>>
    tpu.wait_indirect_dma semaphore(%arg9 : memref<!tpu.dma_semaphore, #tpu.memory_space<semaphore_mem>>) src(%dma_wait3A_829 : memref<10000x128xf32, #tpu.memory_space<hbm>>) dst(%arg7 : memref<80x128xf32, #tpu.memory_space<vmem>>)
    %dma_wait3A_830 = arith.constant 10000 : i32
    %dma_wait3A_831 = tpu.memref_slice %arg5[%dma_wait3A_830] : memref<10240xi32, #tpu.memory_space<vmem>> -> memref<80xi32, #tpu.memory_space<vmem>>
    %dma_wait3A_832 = arith.constant 0 : i32
    %dma_wait3A_833 = arith.constant 0 : i32
    %dma_wait3A_834 = tpu.memref_slice %arg3[%dma_wait3A_832, %dma_wait3A_833] : memref<10000x128xf32, #tpu.memory_space<hbm>> -> memref<10000x128xf32, #tpu.memory_space<hbm>>
    tpu.wait_indirect_dma semaphore(%arg9 : memref<!tpu.dma_semaphore, #tpu.memory_space<semaphore_mem>>) src(%dma_wait3A_834 : memref<10000x128xf32, #tpu.memory_space<hbm>>) dst(%arg7 : memref<80x128xf32, #tpu.memory_space<vmem>>)
    %add3A_835 = arith.constant 80 : i32
    %add3A_836 = arith.addi %mul3A_2, %add3A_835 : i32
    %dma_start3A_837 = arith.constant 0 : i32
    %dma_start3A_838 = tpu.memref_slice %arg4[%add3A_836, %dma_start3A_837] : memref<10240x128xf32, #tpu.memory_space<hbm>> -> memref<80x128xf32, #tpu.memory_space<hbm>>
    %dma_start3A_839 = arith.constant 0 : i32
    %dma_start3A_840 = tpu.memref_slice %arg4[%add3A_836, %dma_start3A_839] : memref<10240x128xf32, #tpu.memory_space<hbm>> -> memref<80x128xf32, #tpu.memory_space<hbm>>
    tpu.enqueue_dma source(%arg7 : memref<80x128xf32, #tpu.memory_space<vmem>>) target(%dma_start3A_840 : memref<80x128xf32, #tpu.memory_space<hbm>>) target_semaphore(%arg11 : memref<!tpu.dma_semaphore, #tpu.memory_space<semaphore_mem>>)
    %add3A_841 = arith.constant 80 : i32
    %add3A_842 = arith.addi %mul3A_2, %add3A_841 : i32
    %dma_wait3A_843 = arith.constant 0 : i32
    %dma_wait3A_844 = tpu.memref_slice %arg4[%add3A_842, %dma_wait3A_843] : memref<10240x128xf32, #tpu.memory_space<hbm>> -> memref<80x128xf32, #tpu.memory_space<hbm>>
    %dma_wait3A_845 = arith.constant 0 : i32
    %dma_wait3A_846 = tpu.memref_slice %arg4[%add3A_842, %dma_wait3A_845] : memref<10240x128xf32, #tpu.memory_space<hbm>> -> memref<80x128xf32, #tpu.memory_space<hbm>>
    tpu.wait_dma2 semaphore(%arg11 : memref<!tpu.dma_semaphore, #tpu.memory_space<semaphore_mem>>) src(%arg7 : memref<80x128xf32, #tpu.memory_space<vmem>>) dst(%dma_wait3A_846 : memref<80x128xf32, #tpu.memory_space<hbm>>)
    %scan3A_847 = arith.constant 0 : i32
    %scan3A_848 = arith.constant 80 : i32
    %scan3A_849 = arith.addi %scan3A_847, %scan3A_848 : i32
    %scan3A_850 = arith.constant 1 : i32
    scf.for %scan3A_1356 = %scan3A_847 to %scan3A_849 step %scan3A_850  : i32 {
      %mul3A_1357 = arith.constant 1 : i32
      %mul3A_1358 = arith.muli %scan3A_1356, %mul3A_1357 : i32
      %add3A_1359 = arith.constant 0 : i32
      %add3A_1360 = arith.addi %add3A_1359, %mul3A_1358 : i32
      %scan3A_1361 = arith.constant 0 : i32
      %scan3A_1362 = arith.constant 8 : i32
      %scan3A_1363 = arith.addi %scan3A_1361, %scan3A_1362 : i32
      %scan3A_1364 = arith.constant 1 : i32
      scf.for %scan3A_1366 = %scan3A_1361 to %scan3A_1363 step %scan3A_1364  : i32 {
        %mul3A_1367 = arith.constant 16 : i32
        %mul3A_1368 = arith.muli %scan3A_1366, %mul3A_1367 : i32
        %add3A_1369 = arith.constant 0 : i32
        %add3A_1370 = arith.addi %add3A_1369, %mul3A_1368 : i32
        %broadcast_in_dim3A = arith.constant 0.000000e+00 : f32
        %broadcast_in_dim3A_1371 = vector.broadcast %broadcast_in_dim3A : f32 to vector<16xf32>
        %swap3A = arith.index_cast %add3A_1360 : i32 to index
        %swap3A_1372 = arith.index_cast %add3A_1370 : i32 to index
        %swap3A_1373 = tpu.vector_load %arg7[%swap3A, %swap3A_1372] {strides = array<i32>} : memref<80x128xf32, #tpu.memory_space<vmem>>, vector<1x16xf32>,
        %swap3A_1374 = vector.shape_cast %swap3A_1373 : vector<1x16xf32> to vector<16xf32>
        %swap3A_1375 = vector.shape_cast %broadcast_in_dim3A_1371 : vector<16xf32> to vector<1x16xf32>
        tpu.vector_store %arg7[%swap3A, %swap3A_1372], %swap3A_1375 {strides = array<i32>} : memref<80x128xf32, #tpu.memory_space<vmem>>, vector<1x16xf32>,
      }
      %scan3A_1365 = arith.constant 8 : i32
    }
    %scan3A_851 = arith.constant 80 : i32
    %dma_start3A_852 = arith.constant 240 : i32
    %dma_start3A_853 = tpu.memref_slice %arg5[%dma_start3A_852] : memref<10240xi32, #tpu.memory_space<vmem>> -> memref<80xi32, #tpu.memory_space<vmem>>
    %dma_start3A_854 = arith.constant 0 : i32
    %dma_start3A_855 = arith.constant 0 : i32
    %dma_start3A_856 = tpu.memref_slice %arg3[%dma_start3A_854, %dma_start3A_855] : memref<10000x128xf32, #tpu.memory_space<hbm>> -> memref<10000x128xf32, #tpu.memory_space<hbm>>
    tpu.enqueue_indirect_dma source(%dma_start3A_856 : memref<10000x128xf32, #tpu.memory_space<hbm>>) target(%arg7 : memref<80x128xf32, #tpu.memory_space<vmem>>) offsets(%dma_start3A_853 : memref<80xi32, #tpu.memory_space<vmem>>) semaphore(%arg9 : memref<!tpu.dma_semaphore, #tpu.memory_space<semaphore_mem>>) {add = true}
    %dma_start3A_857 = arith.constant 560 : i32
    %dma_start3A_858 = tpu.memref_slice %arg5[%dma_start3A_857] : memref<10240xi32, #tpu.memory_space<vmem>> -> memref<80xi32, #tpu.memory_space<vmem>>
    %dma_start3A_859 = arith.constant 0 : i32
    %dma_start3A_860 = arith.constant 0 : i32
    %dma_start3A_861 = tpu.memref_slice %arg3[%dma_start3A_859, %dma_start3A_860] : memref<10000x128xf32, #tpu.memory_space<hbm>> -> memref<10000x128xf32, #tpu.memory_space<hbm>>
    tpu.enqueue_indirect_dma source(%dma_start3A_861 : memref<10000x128xf32, #tpu.memory_space<hbm>>) target(%arg7 : memref<80x128xf32, #tpu.memory_space<vmem>>) offsets(%dma_start3A_858 : memref<80xi32, #tpu.memory_space<vmem>>) semaphore(%arg9 : memref<!tpu.dma_semaphore, #tpu.memory_space<semaphore_mem>>) {add = true}
    %dma_start3A_862 = arith.constant 880 : i32
    %dma_start3A_863 = tpu.memref_slice %arg5[%dma_start3A_862] : memref<10240xi32, #tpu.memory_space<vmem>> -> memref<80xi32, #tpu.memory_space<vmem>>
    %dma_start3A_864 = arith.constant 0 : i32
    %dma_start3A_865 = arith.constant 0 : i32
    %dma_start3A_866 = tpu.memref_slice %arg3[%dma_start3A_864, %dma_start3A_865] : memref<10000x128xf32, #tpu.memory_space<hbm>> -> memref<10000x128xf32, #tpu.memory_space<hbm>>
    tpu.enqueue_indirect_dma source(%dma_start3A_866 : memref<10000x128xf32, #tpu.memory_space<hbm>>) target(%arg7 : memref<80x128xf32, #tpu.memory_space<vmem>>) offsets(%dma_start3A_863 : memref<80xi32, #tpu.memory_space<vmem>>) semaphore(%arg9 : memref<!tpu.dma_semaphore, #tpu.memory_space<semaphore_mem>>) {add = true}
    %dma_start3A_867 = arith.constant 1200 : i32
    %dma_start3A_868 = tpu.memref_slice %arg5[%dma_start3A_867] : memref<10240xi32, #tpu.memory_space<vmem>> -> memref<80xi32, #tpu.memory_space<vmem>>
    %dma_start3A_869 = arith.constant 0 : i32
    %dma_start3A_870 = arith.constant 0 : i32
    %dma_start3A_871 = tpu.memref_slice %arg3[%dma_start3A_869, %dma_start3A_870] : memref<10000x128xf32, #tpu.memory_space<hbm>> -> memref<10000x128xf32, #tpu.memory_space<hbm>>
    tpu.enqueue_indirect_dma source(%dma_start3A_871 : memref<10000x128xf32, #tpu.memory_space<hbm>>) target(%arg7 : memref<80x128xf32, #tpu.memory_space<vmem>>) offsets(%dma_start3A_868 : memref<80xi32, #tpu.memory_space<vmem>>) semaphore(%arg9 : memref<!tpu.dma_semaphore, #tpu.memory_space<semaphore_mem>>) {add = true}
    %dma_start3A_872 = arith.constant 1520 : i32
    %dma_start3A_873 = tpu.memref_slice %arg5[%dma_start3A_872] : memref<10240xi32, #tpu.memory_space<vmem>> -> memref<80xi32, #tpu.memory_space<vmem>>
    %dma_start3A_874 = arith.constant 0 : i32
    %dma_start3A_875 = arith.constant 0 : i32
    %dma_start3A_876 = tpu.memref_slice %arg3[%dma_start3A_874, %dma_start3A_875] : memref<10000x128xf32, #tpu.memory_space<hbm>> -> memref<10000x128xf32, #tpu.memory_space<hbm>>
    tpu.enqueue_indirect_dma source(%dma_start3A_876 : memref<10000x128xf32, #tpu.memory_space<hbm>>) target(%arg7 : memref<80x128xf32, #tpu.memory_space<vmem>>) offsets(%dma_start3A_873 : memref<80xi32, #tpu.memory_space<vmem>>) semaphore(%arg9 : memref<!tpu.dma_semaphore, #tpu.memory_space<semaphore_mem>>) {add = true}
    %dma_start3A_877 = arith.constant 1840 : i32
    %dma_start3A_878 = tpu.memref_slice %arg5[%dma_start3A_877] : memref<10240xi32, #tpu.memory_space<vmem>> -> memref<80xi32, #tpu.memory_space<vmem>>
    %dma_start3A_879 = arith.constant 0 : i32
    %dma_start3A_880 = arith.constant 0 : i32
    %dma_start3A_881 = tpu.memref_slice %arg3[%dma_start3A_879, %dma_start3A_880] : memref<10000x128xf32, #tpu.memory_space<hbm>> -> memref<10000x128xf32, #tpu.memory_space<hbm>>
    tpu.enqueue_indirect_dma source(%dma_start3A_881 : memref<10000x128xf32, #tpu.memory_space<hbm>>) target(%arg7 : memref<80x128xf32, #tpu.memory_space<vmem>>) offsets(%dma_start3A_878 : memref<80xi32, #tpu.memory_space<vmem>>) semaphore(%arg9 : memref<!tpu.dma_semaphore, #tpu.memory_space<semaphore_mem>>) {add = true}
    %dma_start3A_882 = arith.constant 2160 : i32
    %dma_start3A_883 = tpu.memref_slice %arg5[%dma_start3A_882] : memref<10240xi32, #tpu.memory_space<vmem>> -> memref<80xi32, #tpu.memory_space<vmem>>
    %dma_start3A_884 = arith.constant 0 : i32
    %dma_start3A_885 = arith.constant 0 : i32
    %dma_start3A_886 = tpu.memref_slice %arg3[%dma_start3A_884, %dma_start3A_885] : memref<10000x128xf32, #tpu.memory_space<hbm>> -> memref<10000x128xf32, #tpu.memory_space<hbm>>
    tpu.enqueue_indirect_dma source(%dma_start3A_886 : memref<10000x128xf32, #tpu.memory_space<hbm>>) target(%arg7 : memref<80x128xf32, #tpu.memory_space<vmem>>) offsets(%dma_start3A_883 : memref<80xi32, #tpu.memory_space<vmem>>) semaphore(%arg9 : memref<!tpu.dma_semaphore, #tpu.memory_space<semaphore_mem>>) {add = true}
    %dma_start3A_887 = arith.constant 2480 : i32
    %dma_start3A_888 = tpu.memref_slice %arg5[%dma_start3A_887] : memref<10240xi32, #tpu.memory_space<vmem>> -> memref<80xi32, #tpu.memory_space<vmem>>
    %dma_start3A_889 = arith.constant 0 : i32
    %dma_start3A_890 = arith.constant 0 : i32
    %dma_start3A_891 = tpu.memref_slice %arg3[%dma_start3A_889, %dma_start3A_890] : memref<10000x128xf32, #tpu.memory_space<hbm>> -> memref<10000x128xf32, #tpu.memory_space<hbm>>
    tpu.enqueue_indirect_dma source(%dma_start3A_891 : memref<10000x128xf32, #tpu.memory_space<hbm>>) target(%arg7 : memref<80x128xf32, #tpu.memory_space<vmem>>) offsets(%dma_start3A_888 : memref<80xi32, #tpu.memory_space<vmem>>) semaphore(%arg9 : memref<!tpu.dma_semaphore, #tpu.memory_space<semaphore_mem>>) {add = true}
    %dma_start3A_892 = arith.constant 2800 : i32
    %dma_start3A_893 = tpu.memref_slice %arg5[%dma_start3A_892] : memref<10240xi32, #tpu.memory_space<vmem>> -> memref<80xi32, #tpu.memory_space<vmem>>
    %dma_start3A_894 = arith.constant 0 : i32
    %dma_start3A_895 = arith.constant 0 : i32
    %dma_start3A_896 = tpu.memref_slice %arg3[%dma_start3A_894, %dma_start3A_895] : memref<10000x128xf32, #tpu.memory_space<hbm>> -> memref<10000x128xf32, #tpu.memory_space<hbm>>
    tpu.enqueue_indirect_dma source(%dma_start3A_896 : memref<10000x128xf32, #tpu.memory_space<hbm>>) target(%arg7 : memref<80x128xf32, #tpu.memory_space<vmem>>) offsets(%dma_start3A_893 : memref<80xi32, #tpu.memory_space<vmem>>) semaphore(%arg9 : memref<!tpu.dma_semaphore, #tpu.memory_space<semaphore_mem>>) {add = true}
    %dma_start3A_897 = arith.constant 3120 : i32
    %dma_start3A_898 = tpu.memref_slice %arg5[%dma_start3A_897] : memref<10240xi32, #tpu.memory_space<vmem>> -> memref<80xi32, #tpu.memory_space<vmem>>
    %dma_start3A_899 = arith.constant 0 : i32
    %dma_start3A_900 = arith.constant 0 : i32
    %dma_start3A_901 = tpu.memref_slice %arg3[%dma_start3A_899, %dma_start3A_900] : memref<10000x128xf32, #tpu.memory_space<hbm>> -> memref<10000x128xf32, #tpu.memory_space<hbm>>
    tpu.enqueue_indirect_dma source(%dma_start3A_901 : memref<10000x128xf32, #tpu.memory_space<hbm>>) target(%arg7 : memref<80x128xf32, #tpu.memory_space<vmem>>) offsets(%dma_start3A_898 : memref<80xi32, #tpu.memory_space<vmem>>) semaphore(%arg9 : memref<!tpu.dma_semaphore, #tpu.memory_space<semaphore_mem>>) {add = true}
    %dma_start3A_902 = arith.constant 3440 : i32
    %dma_start3A_903 = tpu.memref_slice %arg5[%dma_start3A_902] : memref<10240xi32, #tpu.memory_space<vmem>> -> memref<80xi32, #tpu.memory_space<vmem>>
    %dma_start3A_904 = arith.constant 0 : i32
    %dma_start3A_905 = arith.constant 0 : i32
    %dma_start3A_906 = tpu.memref_slice %arg3[%dma_start3A_904, %dma_start3A_905] : memref<10000x128xf32, #tpu.memory_space<hbm>> -> memref<10000x128xf32, #tpu.memory_space<hbm>>
    tpu.enqueue_indirect_dma source(%dma_start3A_906 : memref<10000x128xf32, #tpu.memory_space<hbm>>) target(%arg7 : memref<80x128xf32, #tpu.memory_space<vmem>>) offsets(%dma_start3A_903 : memref<80xi32, #tpu.memory_space<vmem>>) semaphore(%arg9 : memref<!tpu.dma_semaphore, #tpu.memory_space<semaphore_mem>>) {add = true}
    %dma_start3A_907 = arith.constant 3760 : i32
    %dma_start3A_908 = tpu.memref_slice %arg5[%dma_start3A_907] : memref<10240xi32, #tpu.memory_space<vmem>> -> memref<80xi32, #tpu.memory_space<vmem>>
    %dma_start3A_909 = arith.constant 0 : i32
    %dma_start3A_910 = arith.constant 0 : i32
    %dma_start3A_911 = tpu.memref_slice %arg3[%dma_start3A_909, %dma_start3A_910] : memref<10000x128xf32, #tpu.memory_space<hbm>> -> memref<10000x128xf32, #tpu.memory_space<hbm>>
    tpu.enqueue_indirect_dma source(%dma_start3A_911 : memref<10000x128xf32, #tpu.memory_space<hbm>>) target(%arg7 : memref<80x128xf32, #tpu.memory_space<vmem>>) offsets(%dma_start3A_908 : memref<80xi32, #tpu.memory_space<vmem>>) semaphore(%arg9 : memref<!tpu.dma_semaphore, #tpu.memory_space<semaphore_mem>>) {add = true}
    %dma_start3A_912 = arith.constant 4080 : i32
    %dma_start3A_913 = tpu.memref_slice %arg5[%dma_start3A_912] : memref<10240xi32, #tpu.memory_space<vmem>> -> memref<80xi32, #tpu.memory_space<vmem>>
    %dma_start3A_914 = arith.constant 0 : i32
    %dma_start3A_915 = arith.constant 0 : i32
    %dma_start3A_916 = tpu.memref_slice %arg3[%dma_start3A_914, %dma_start3A_915] : memref<10000x128xf32, #tpu.memory_space<hbm>> -> memref<10000x128xf32, #tpu.memory_space<hbm>>
    tpu.enqueue_indirect_dma source(%dma_start3A_916 : memref<10000x128xf32, #tpu.memory_space<hbm>>) target(%arg7 : memref<80x128xf32, #tpu.memory_space<vmem>>) offsets(%dma_start3A_913 : memref<80xi32, #tpu.memory_space<vmem>>) semaphore(%arg9 : memref<!tpu.dma_semaphore, #tpu.memory_space<semaphore_mem>>) {add = true}
    %dma_start3A_917 = arith.constant 4400 : i32
    %dma_start3A_918 = tpu.memref_slice %arg5[%dma_start3A_917] : memref<10240xi32, #tpu.memory_space<vmem>> -> memref<80xi32, #tpu.memory_space<vmem>>
    %dma_start3A_919 = arith.constant 0 : i32
    %dma_start3A_920 = arith.constant 0 : i32
    %dma_start3A_921 = tpu.memref_slice %arg3[%dma_start3A_919, %dma_start3A_920] : memref<10000x128xf32, #tpu.memory_space<hbm>> -> memref<10000x128xf32, #tpu.memory_space<hbm>>
    tpu.enqueue_indirect_dma source(%dma_start3A_921 : memref<10000x128xf32, #tpu.memory_space<hbm>>) target(%arg7 : memref<80x128xf32, #tpu.memory_space<vmem>>) offsets(%dma_start3A_918 : memref<80xi32, #tpu.memory_space<vmem>>) semaphore(%arg9 : memref<!tpu.dma_semaphore, #tpu.memory_space<semaphore_mem>>) {add = true}
    %dma_start3A_922 = arith.constant 4720 : i32
    %dma_start3A_923 = tpu.memref_slice %arg5[%dma_start3A_922] : memref<10240xi32, #tpu.memory_space<vmem>> -> memref<80xi32, #tpu.memory_space<vmem>>
    %dma_start3A_924 = arith.constant 0 : i32
    %dma_start3A_925 = arith.constant 0 : i32
    %dma_start3A_926 = tpu.memref_slice %arg3[%dma_start3A_924, %dma_start3A_925] : memref<10000x128xf32, #tpu.memory_space<hbm>> -> memref<10000x128xf32, #tpu.memory_space<hbm>>
    tpu.enqueue_indirect_dma source(%dma_start3A_926 : memref<10000x128xf32, #tpu.memory_space<hbm>>) target(%arg7 : memref<80x128xf32, #tpu.memory_space<vmem>>) offsets(%dma_start3A_923 : memref<80xi32, #tpu.memory_space<vmem>>) semaphore(%arg9 : memref<!tpu.dma_semaphore, #tpu.memory_space<semaphore_mem>>) {add = true}
    %dma_start3A_927 = arith.constant 5040 : i32
    %dma_start3A_928 = tpu.memref_slice %arg5[%dma_start3A_927] : memref<10240xi32, #tpu.memory_space<vmem>> -> memref<80xi32, #tpu.memory_space<vmem>>
    %dma_start3A_929 = arith.constant 0 : i32
    %dma_start3A_930 = arith.constant 0 : i32
    %dma_start3A_931 = tpu.memref_slice %arg3[%dma_start3A_929, %dma_start3A_930] : memref<10000x128xf32, #tpu.memory_space<hbm>> -> memref<10000x128xf32, #tpu.memory_space<hbm>>
    tpu.enqueue_indirect_dma source(%dma_start3A_931 : memref<10000x128xf32, #tpu.memory_space<hbm>>) target(%arg7 : memref<80x128xf32, #tpu.memory_space<vmem>>) offsets(%dma_start3A_928 : memref<80xi32, #tpu.memory_space<vmem>>) semaphore(%arg9 : memref<!tpu.dma_semaphore, #tpu.memory_space<semaphore_mem>>) {add = true}
    %dma_start3A_932 = arith.constant 5360 : i32
    %dma_start3A_933 = tpu.memref_slice %arg5[%dma_start3A_932] : memref<10240xi32, #tpu.memory_space<vmem>> -> memref<80xi32, #tpu.memory_space<vmem>>
    %dma_start3A_934 = arith.constant 0 : i32
    %dma_start3A_935 = arith.constant 0 : i32
    %dma_start3A_936 = tpu.memref_slice %arg3[%dma_start3A_934, %dma_start3A_935] : memref<10000x128xf32, #tpu.memory_space<hbm>> -> memref<10000x128xf32, #tpu.memory_space<hbm>>
    tpu.enqueue_indirect_dma source(%dma_start3A_936 : memref<10000x128xf32, #tpu.memory_space<hbm>>) target(%arg7 : memref<80x128xf32, #tpu.memory_space<vmem>>) offsets(%dma_start3A_933 : memref<80xi32, #tpu.memory_space<vmem>>) semaphore(%arg9 : memref<!tpu.dma_semaphore, #tpu.memory_space<semaphore_mem>>) {add = true}
    %dma_start3A_937 = arith.constant 5680 : i32
    %dma_start3A_938 = tpu.memref_slice %arg5[%dma_start3A_937] : memref<10240xi32, #tpu.memory_space<vmem>> -> memref<80xi32, #tpu.memory_space<vmem>>
    %dma_start3A_939 = arith.constant 0 : i32
    %dma_start3A_940 = arith.constant 0 : i32
    %dma_start3A_941 = tpu.memref_slice %arg3[%dma_start3A_939, %dma_start3A_940] : memref<10000x128xf32, #tpu.memory_space<hbm>> -> memref<10000x128xf32, #tpu.memory_space<hbm>>
    tpu.enqueue_indirect_dma source(%dma_start3A_941 : memref<10000x128xf32, #tpu.memory_space<hbm>>) target(%arg7 : memref<80x128xf32, #tpu.memory_space<vmem>>) offsets(%dma_start3A_938 : memref<80xi32, #tpu.memory_space<vmem>>) semaphore(%arg9 : memref<!tpu.dma_semaphore, #tpu.memory_space<semaphore_mem>>) {add = true}
    %dma_start3A_942 = arith.constant 6000 : i32
    %dma_start3A_943 = tpu.memref_slice %arg5[%dma_start3A_942] : memref<10240xi32, #tpu.memory_space<vmem>> -> memref<80xi32, #tpu.memory_space<vmem>>
    %dma_start3A_944 = arith.constant 0 : i32
    %dma_start3A_945 = arith.constant 0 : i32
    %dma_start3A_946 = tpu.memref_slice %arg3[%dma_start3A_944, %dma_start3A_945] : memref<10000x128xf32, #tpu.memory_space<hbm>> -> memref<10000x128xf32, #tpu.memory_space<hbm>>
    tpu.enqueue_indirect_dma source(%dma_start3A_946 : memref<10000x128xf32, #tpu.memory_space<hbm>>) target(%arg7 : memref<80x128xf32, #tpu.memory_space<vmem>>) offsets(%dma_start3A_943 : memref<80xi32, #tpu.memory_space<vmem>>) semaphore(%arg9 : memref<!tpu.dma_semaphore, #tpu.memory_space<semaphore_mem>>) {add = true}
    %dma_start3A_947 = arith.constant 6320 : i32
    %dma_start3A_948 = tpu.memref_slice %arg5[%dma_start3A_947] : memref<10240xi32, #tpu.memory_space<vmem>> -> memref<80xi32, #tpu.memory_space<vmem>>
    %dma_start3A_949 = arith.constant 0 : i32
    %dma_start3A_950 = arith.constant 0 : i32
    %dma_start3A_951 = tpu.memref_slice %arg3[%dma_start3A_949, %dma_start3A_950] : memref<10000x128xf32, #tpu.memory_space<hbm>> -> memref<10000x128xf32, #tpu.memory_space<hbm>>
    tpu.enqueue_indirect_dma source(%dma_start3A_951 : memref<10000x128xf32, #tpu.memory_space<hbm>>) target(%arg7 : memref<80x128xf32, #tpu.memory_space<vmem>>) offsets(%dma_start3A_948 : memref<80xi32, #tpu.memory_space<vmem>>) semaphore(%arg9 : memref<!tpu.dma_semaphore, #tpu.memory_space<semaphore_mem>>) {add = true}
    %dma_start3A_952 = arith.constant 6640 : i32
    %dma_start3A_953 = tpu.memref_slice %arg5[%dma_start3A_952] : memref<10240xi32, #tpu.memory_space<vmem>> -> memref<80xi32, #tpu.memory_space<vmem>>
    %dma_start3A_954 = arith.constant 0 : i32
    %dma_start3A_955 = arith.constant 0 : i32
    %dma_start3A_956 = tpu.memref_slice %arg3[%dma_start3A_954, %dma_start3A_955] : memref<10000x128xf32, #tpu.memory_space<hbm>> -> memref<10000x128xf32, #tpu.memory_space<hbm>>
    tpu.enqueue_indirect_dma source(%dma_start3A_956 : memref<10000x128xf32, #tpu.memory_space<hbm>>) target(%arg7 : memref<80x128xf32, #tpu.memory_space<vmem>>) offsets(%dma_start3A_953 : memref<80xi32, #tpu.memory_space<vmem>>) semaphore(%arg9 : memref<!tpu.dma_semaphore, #tpu.memory_space<semaphore_mem>>) {add = true}
    %dma_start3A_957 = arith.constant 6960 : i32
    %dma_start3A_958 = tpu.memref_slice %arg5[%dma_start3A_957] : memref<10240xi32, #tpu.memory_space<vmem>> -> memref<80xi32, #tpu.memory_space<vmem>>
    %dma_start3A_959 = arith.constant 0 : i32
    %dma_start3A_960 = arith.constant 0 : i32
    %dma_start3A_961 = tpu.memref_slice %arg3[%dma_start3A_959, %dma_start3A_960] : memref<10000x128xf32, #tpu.memory_space<hbm>> -> memref<10000x128xf32, #tpu.memory_space<hbm>>
    tpu.enqueue_indirect_dma source(%dma_start3A_961 : memref<10000x128xf32, #tpu.memory_space<hbm>>) target(%arg7 : memref<80x128xf32, #tpu.memory_space<vmem>>) offsets(%dma_start3A_958 : memref<80xi32, #tpu.memory_space<vmem>>) semaphore(%arg9 : memref<!tpu.dma_semaphore, #tpu.memory_space<semaphore_mem>>) {add = true}
    %dma_start3A_962 = arith.constant 7280 : i32
    %dma_start3A_963 = tpu.memref_slice %arg5[%dma_start3A_962] : memref<10240xi32, #tpu.memory_space<vmem>> -> memref<80xi32, #tpu.memory_space<vmem>>
    %dma_start3A_964 = arith.constant 0 : i32
    %dma_start3A_965 = arith.constant 0 : i32
    %dma_start3A_966 = tpu.memref_slice %arg3[%dma_start3A_964, %dma_start3A_965] : memref<10000x128xf32, #tpu.memory_space<hbm>> -> memref<10000x128xf32, #tpu.memory_space<hbm>>
    tpu.enqueue_indirect_dma source(%dma_start3A_966 : memref<10000x128xf32, #tpu.memory_space<hbm>>) target(%arg7 : memref<80x128xf32, #tpu.memory_space<vmem>>) offsets(%dma_start3A_963 : memref<80xi32, #tpu.memory_space<vmem>>) semaphore(%arg9 : memref<!tpu.dma_semaphore, #tpu.memory_space<semaphore_mem>>) {add = true}
    %dma_start3A_967 = arith.constant 7600 : i32
    %dma_start3A_968 = tpu.memref_slice %arg5[%dma_start3A_967] : memref<10240xi32, #tpu.memory_space<vmem>> -> memref<80xi32, #tpu.memory_space<vmem>>
    %dma_start3A_969 = arith.constant 0 : i32
    %dma_start3A_970 = arith.constant 0 : i32
    %dma_start3A_971 = tpu.memref_slice %arg3[%dma_start3A_969, %dma_start3A_970] : memref<10000x128xf32, #tpu.memory_space<hbm>> -> memref<10000x128xf32, #tpu.memory_space<hbm>>
    tpu.enqueue_indirect_dma source(%dma_start3A_971 : memref<10000x128xf32, #tpu.memory_space<hbm>>) target(%arg7 : memref<80x128xf32, #tpu.memory_space<vmem>>) offsets(%dma_start3A_968 : memref<80xi32, #tpu.memory_space<vmem>>) semaphore(%arg9 : memref<!tpu.dma_semaphore, #tpu.memory_space<semaphore_mem>>) {add = true}
    %dma_start3A_972 = arith.constant 7920 : i32
    %dma_start3A_973 = tpu.memref_slice %arg5[%dma_start3A_972] : memref<10240xi32, #tpu.memory_space<vmem>> -> memref<80xi32, #tpu.memory_space<vmem>>
    %dma_start3A_974 = arith.constant 0 : i32
    %dma_start3A_975 = arith.constant 0 : i32
    %dma_start3A_976 = tpu.memref_slice %arg3[%dma_start3A_974, %dma_start3A_975] : memref<10000x128xf32, #tpu.memory_space<hbm>> -> memref<10000x128xf32, #tpu.memory_space<hbm>>
    tpu.enqueue_indirect_dma source(%dma_start3A_976 : memref<10000x128xf32, #tpu.memory_space<hbm>>) target(%arg7 : memref<80x128xf32, #tpu.memory_space<vmem>>) offsets(%dma_start3A_973 : memref<80xi32, #tpu.memory_space<vmem>>) semaphore(%arg9 : memref<!tpu.dma_semaphore, #tpu.memory_space<semaphore_mem>>) {add = true}
    %dma_start3A_977 = arith.constant 8240 : i32
    %dma_start3A_978 = tpu.memref_slice %arg5[%dma_start3A_977] : memref<10240xi32, #tpu.memory_space<vmem>> -> memref<80xi32, #tpu.memory_space<vmem>>
    %dma_start3A_979 = arith.constant 0 : i32
    %dma_start3A_980 = arith.constant 0 : i32
    %dma_start3A_981 = tpu.memref_slice %arg3[%dma_start3A_979, %dma_start3A_980] : memref<10000x128xf32, #tpu.memory_space<hbm>> -> memref<10000x128xf32, #tpu.memory_space<hbm>>
    tpu.enqueue_indirect_dma source(%dma_start3A_981 : memref<10000x128xf32, #tpu.memory_space<hbm>>) target(%arg7 : memref<80x128xf32, #tpu.memory_space<vmem>>) offsets(%dma_start3A_978 : memref<80xi32, #tpu.memory_space<vmem>>) semaphore(%arg9 : memref<!tpu.dma_semaphore, #tpu.memory_space<semaphore_mem>>) {add = true}
    %dma_start3A_982 = arith.constant 8560 : i32
    %dma_start3A_983 = tpu.memref_slice %arg5[%dma_start3A_982] : memref<10240xi32, #tpu.memory_space<vmem>> -> memref<80xi32, #tpu.memory_space<vmem>>
    %dma_start3A_984 = arith.constant 0 : i32
    %dma_start3A_985 = arith.constant 0 : i32
    %dma_start3A_986 = tpu.memref_slice %arg3[%dma_start3A_984, %dma_start3A_985] : memref<10000x128xf32, #tpu.memory_space<hbm>> -> memref<10000x128xf32, #tpu.memory_space<hbm>>
    tpu.enqueue_indirect_dma source(%dma_start3A_986 : memref<10000x128xf32, #tpu.memory_space<hbm>>) target(%arg7 : memref<80x128xf32, #tpu.memory_space<vmem>>) offsets(%dma_start3A_983 : memref<80xi32, #tpu.memory_space<vmem>>) semaphore(%arg9 : memref<!tpu.dma_semaphore, #tpu.memory_space<semaphore_mem>>) {add = true}
    %dma_start3A_987 = arith.constant 8880 : i32
    %dma_start3A_988 = tpu.memref_slice %arg5[%dma_start3A_987] : memref<10240xi32, #tpu.memory_space<vmem>> -> memref<80xi32, #tpu.memory_space<vmem>>
    %dma_start3A_989 = arith.constant 0 : i32
    %dma_start3A_990 = arith.constant 0 : i32
    %dma_start3A_991 = tpu.memref_slice %arg3[%dma_start3A_989, %dma_start3A_990] : memref<10000x128xf32, #tpu.memory_space<hbm>> -> memref<10000x128xf32, #tpu.memory_space<hbm>>
    tpu.enqueue_indirect_dma source(%dma_start3A_991 : memref<10000x128xf32, #tpu.memory_space<hbm>>) target(%arg7 : memref<80x128xf32, #tpu.memory_space<vmem>>) offsets(%dma_start3A_988 : memref<80xi32, #tpu.memory_space<vmem>>) semaphore(%arg9 : memref<!tpu.dma_semaphore, #tpu.memory_space<semaphore_mem>>) {add = true}
    %dma_start3A_992 = arith.constant 9200 : i32
    %dma_start3A_993 = tpu.memref_slice %arg5[%dma_start3A_992] : memref<10240xi32, #tpu.memory_space<vmem>> -> memref<80xi32, #tpu.memory_space<vmem>>
    %dma_start3A_994 = arith.constant 0 : i32
    %dma_start3A_995 = arith.constant 0 : i32
    %dma_start3A_996 = tpu.memref_slice %arg3[%dma_start3A_994, %dma_start3A_995] : memref<10000x128xf32, #tpu.memory_space<hbm>> -> memref<10000x128xf32, #tpu.memory_space<hbm>>
    tpu.enqueue_indirect_dma source(%dma_start3A_996 : memref<10000x128xf32, #tpu.memory_space<hbm>>) target(%arg7 : memref<80x128xf32, #tpu.memory_space<vmem>>) offsets(%dma_start3A_993 : memref<80xi32, #tpu.memory_space<vmem>>) semaphore(%arg9 : memref<!tpu.dma_semaphore, #tpu.memory_space<semaphore_mem>>) {add = true}
    %dma_start3A_997 = arith.constant 9520 : i32
    %dma_start3A_998 = tpu.memref_slice %arg5[%dma_start3A_997] : memref<10240xi32, #tpu.memory_space<vmem>> -> memref<80xi32, #tpu.memory_space<vmem>>
    %dma_start3A_999 = arith.constant 0 : i32
    %dma_start3A_1000 = arith.constant 0 : i32
    %dma_start3A_1001 = tpu.memref_slice %arg3[%dma_start3A_999, %dma_start3A_1000] : memref<10000x128xf32, #tpu.memory_space<hbm>> -> memref<10000x128xf32, #tpu.memory_space<hbm>>
    tpu.enqueue_indirect_dma source(%dma_start3A_1001 : memref<10000x128xf32, #tpu.memory_space<hbm>>) target(%arg7 : memref<80x128xf32, #tpu.memory_space<vmem>>) offsets(%dma_start3A_998 : memref<80xi32, #tpu.memory_space<vmem>>) semaphore(%arg9 : memref<!tpu.dma_semaphore, #tpu.memory_space<semaphore_mem>>) {add = true}
    %dma_start3A_1002 = arith.constant 9840 : i32
    %dma_start3A_1003 = tpu.memref_slice %arg5[%dma_start3A_1002] : memref<10240xi32, #tpu.memory_space<vmem>> -> memref<80xi32, #tpu.memory_space<vmem>>
    %dma_start3A_1004 = arith.constant 0 : i32
    %dma_start3A_1005 = arith.constant 0 : i32
    %dma_start3A_1006 = tpu.memref_slice %arg3[%dma_start3A_1004, %dma_start3A_1005] : memref<10000x128xf32, #tpu.memory_space<hbm>> -> memref<10000x128xf32, #tpu.memory_space<hbm>>
    tpu.enqueue_indirect_dma source(%dma_start3A_1006 : memref<10000x128xf32, #tpu.memory_space<hbm>>) target(%arg7 : memref<80x128xf32, #tpu.memory_space<vmem>>) offsets(%dma_start3A_1003 : memref<80xi32, #tpu.memory_space<vmem>>) semaphore(%arg9 : memref<!tpu.dma_semaphore, #tpu.memory_space<semaphore_mem>>) {add = true}
    %dma_start3A_1007 = arith.constant 10160 : i32
    %dma_start3A_1008 = tpu.memref_slice %arg5[%dma_start3A_1007] : memref<10240xi32, #tpu.memory_space<vmem>> -> memref<80xi32, #tpu.memory_space<vmem>>
    %dma_start3A_1009 = arith.constant 0 : i32
    %dma_start3A_1010 = arith.constant 0 : i32
    %dma_start3A_1011 = tpu.memref_slice %arg3[%dma_start3A_1009, %dma_start3A_1010] : memref<10000x128xf32, #tpu.memory_space<hbm>> -> memref<10000x128xf32, #tpu.memory_space<hbm>>
    tpu.enqueue_indirect_dma source(%dma_start3A_1011 : memref<10000x128xf32, #tpu.memory_space<hbm>>) target(%arg7 : memref<80x128xf32, #tpu.memory_space<vmem>>) offsets(%dma_start3A_1008 : memref<80xi32, #tpu.memory_space<vmem>>) semaphore(%arg9 : memref<!tpu.dma_semaphore, #tpu.memory_space<semaphore_mem>>) {add = true}
    %dma_wait3A_1012 = arith.constant 160 : i32
    %dma_wait3A_1013 = tpu.memref_slice %arg5[%dma_wait3A_1012] : memref<10240xi32, #tpu.memory_space<vmem>> -> memref<80xi32, #tpu.memory_space<vmem>>
    %dma_wait3A_1014 = arith.constant 0 : i32
    %dma_wait3A_1015 = arith.constant 0 : i32
    %dma_wait3A_1016 = tpu.memref_slice %arg3[%dma_wait3A_1014, %dma_wait3A_1015] : memref<10000x128xf32, #tpu.memory_space<hbm>> -> memref<10000x128xf32, #tpu.memory_space<hbm>>
    tpu.wait_indirect_dma semaphore(%arg8 : memref<!tpu.dma_semaphore, #tpu.memory_space<semaphore_mem>>) src(%dma_wait3A_1016 : memref<10000x128xf32, #tpu.memory_space<hbm>>) dst(%arg6 : memref<80x128xf32, #tpu.memory_space<vmem>>)
    %dma_wait3A_1017 = arith.constant 480 : i32
    %dma_wait3A_1018 = tpu.memref_slice %arg5[%dma_wait3A_1017] : memref<10240xi32, #tpu.memory_space<vmem>> -> memref<80xi32, #tpu.memory_space<vmem>>
    %dma_wait3A_1019 = arith.constant 0 : i32
    %dma_wait3A_1020 = arith.constant 0 : i32
    %dma_wait3A_1021 = tpu.memref_slice %arg3[%dma_wait3A_1019, %dma_wait3A_1020] : memref<10000x128xf32, #tpu.memory_space<hbm>> -> memref<10000x128xf32, #tpu.memory_space<hbm>>
    tpu.wait_indirect_dma semaphore(%arg8 : memref<!tpu.dma_semaphore, #tpu.memory_space<semaphore_mem>>) src(%dma_wait3A_1021 : memref<10000x128xf32, #tpu.memory_space<hbm>>) dst(%arg6 : memref<80x128xf32, #tpu.memory_space<vmem>>)
    %dma_wait3A_1022 = arith.constant 800 : i32
    %dma_wait3A_1023 = tpu.memref_slice %arg5[%dma_wait3A_1022] : memref<10240xi32, #tpu.memory_space<vmem>> -> memref<80xi32, #tpu.memory_space<vmem>>
    %dma_wait3A_1024 = arith.constant 0 : i32
    %dma_wait3A_1025 = arith.constant 0 : i32
    %dma_wait3A_1026 = tpu.memref_slice %arg3[%dma_wait3A_1024, %dma_wait3A_1025] : memref<10000x128xf32, #tpu.memory_space<hbm>> -> memref<10000x128xf32, #tpu.memory_space<hbm>>
    tpu.wait_indirect_dma semaphore(%arg8 : memref<!tpu.dma_semaphore, #tpu.memory_space<semaphore_mem>>) src(%dma_wait3A_1026 : memref<10000x128xf32, #tpu.memory_space<hbm>>) dst(%arg6 : memref<80x128xf32, #tpu.memory_space<vmem>>)
    %dma_wait3A_1027 = arith.constant 1120 : i32
    %dma_wait3A_1028 = tpu.memref_slice %arg5[%dma_wait3A_1027] : memref<10240xi32, #tpu.memory_space<vmem>> -> memref<80xi32, #tpu.memory_space<vmem>>
    %dma_wait3A_1029 = arith.constant 0 : i32
    %dma_wait3A_1030 = arith.constant 0 : i32
    %dma_wait3A_1031 = tpu.memref_slice %arg3[%dma_wait3A_1029, %dma_wait3A_1030] : memref<10000x128xf32, #tpu.memory_space<hbm>> -> memref<10000x128xf32, #tpu.memory_space<hbm>>
    tpu.wait_indirect_dma semaphore(%arg8 : memref<!tpu.dma_semaphore, #tpu.memory_space<semaphore_mem>>) src(%dma_wait3A_1031 : memref<10000x128xf32, #tpu.memory_space<hbm>>) dst(%arg6 : memref<80x128xf32, #tpu.memory_space<vmem>>)
    %dma_wait3A_1032 = arith.constant 1440 : i32
    %dma_wait3A_1033 = tpu.memref_slice %arg5[%dma_wait3A_1032] : memref<10240xi32, #tpu.memory_space<vmem>> -> memref<80xi32, #tpu.memory_space<vmem>>
    %dma_wait3A_1034 = arith.constant 0 : i32
    %dma_wait3A_1035 = arith.constant 0 : i32
    %dma_wait3A_1036 = tpu.memref_slice %arg3[%dma_wait3A_1034, %dma_wait3A_1035] : memref<10000x128xf32, #tpu.memory_space<hbm>> -> memref<10000x128xf32, #tpu.memory_space<hbm>>
    tpu.wait_indirect_dma semaphore(%arg8 : memref<!tpu.dma_semaphore, #tpu.memory_space<semaphore_mem>>) src(%dma_wait3A_1036 : memref<10000x128xf32, #tpu.memory_space<hbm>>) dst(%arg6 : memref<80x128xf32, #tpu.memory_space<vmem>>)
    %dma_wait3A_1037 = arith.constant 1760 : i32
    %dma_wait3A_1038 = tpu.memref_slice %arg5[%dma_wait3A_1037] : memref<10240xi32, #tpu.memory_space<vmem>> -> memref<80xi32, #tpu.memory_space<vmem>>
    %dma_wait3A_1039 = arith.constant 0 : i32
    %dma_wait3A_1040 = arith.constant 0 : i32
    %dma_wait3A_1041 = tpu.memref_slice %arg3[%dma_wait3A_1039, %dma_wait3A_1040] : memref<10000x128xf32, #tpu.memory_space<hbm>> -> memref<10000x128xf32, #tpu.memory_space<hbm>>
    tpu.wait_indirect_dma semaphore(%arg8 : memref<!tpu.dma_semaphore, #tpu.memory_space<semaphore_mem>>) src(%dma_wait3A_1041 : memref<10000x128xf32, #tpu.memory_space<hbm>>) dst(%arg6 : memref<80x128xf32, #tpu.memory_space<vmem>>)
    %dma_wait3A_1042 = arith.constant 2080 : i32
    %dma_wait3A_1043 = tpu.memref_slice %arg5[%dma_wait3A_1042] : memref<10240xi32, #tpu.memory_space<vmem>> -> memref<80xi32, #tpu.memory_space<vmem>>
    %dma_wait3A_1044 = arith.constant 0 : i32
    %dma_wait3A_1045 = arith.constant 0 : i32
    %dma_wait3A_1046 = tpu.memref_slice %arg3[%dma_wait3A_1044, %dma_wait3A_1045] : memref<10000x128xf32, #tpu.memory_space<hbm>> -> memref<10000x128xf32, #tpu.memory_space<hbm>>
    tpu.wait_indirect_dma semaphore(%arg8 : memref<!tpu.dma_semaphore, #tpu.memory_space<semaphore_mem>>) src(%dma_wait3A_1046 : memref<10000x128xf32, #tpu.memory_space<hbm>>) dst(%arg6 : memref<80x128xf32, #tpu.memory_space<vmem>>)
    %dma_wait3A_1047 = arith.constant 2400 : i32
    %dma_wait3A_1048 = tpu.memref_slice %arg5[%dma_wait3A_1047] : memref<10240xi32, #tpu.memory_space<vmem>> -> memref<80xi32, #tpu.memory_space<vmem>>
    %dma_wait3A_1049 = arith.constant 0 : i32
    %dma_wait3A_1050 = arith.constant 0 : i32
    %dma_wait3A_1051 = tpu.memref_slice %arg3[%dma_wait3A_1049, %dma_wait3A_1050] : memref<10000x128xf32, #tpu.memory_space<hbm>> -> memref<10000x128xf32, #tpu.memory_space<hbm>>
    tpu.wait_indirect_dma semaphore(%arg8 : memref<!tpu.dma_semaphore, #tpu.memory_space<semaphore_mem>>) src(%dma_wait3A_1051 : memref<10000x128xf32, #tpu.memory_space<hbm>>) dst(%arg6 : memref<80x128xf32, #tpu.memory_space<vmem>>)
    %dma_wait3A_1052 = arith.constant 2720 : i32
    %dma_wait3A_1053 = tpu.memref_slice %arg5[%dma_wait3A_1052] : memref<10240xi32, #tpu.memory_space<vmem>> -> memref<80xi32, #tpu.memory_space<vmem>>
    %dma_wait3A_1054 = arith.constant 0 : i32
    %dma_wait3A_1055 = arith.constant 0 : i32
    %dma_wait3A_1056 = tpu.memref_slice %arg3[%dma_wait3A_1054, %dma_wait3A_1055] : memref<10000x128xf32, #tpu.memory_space<hbm>> -> memref<10000x128xf32, #tpu.memory_space<hbm>>
    tpu.wait_indirect_dma semaphore(%arg8 : memref<!tpu.dma_semaphore, #tpu.memory_space<semaphore_mem>>) src(%dma_wait3A_1056 : memref<10000x128xf32, #tpu.memory_space<hbm>>) dst(%arg6 : memref<80x128xf32, #tpu.memory_space<vmem>>)
    %dma_wait3A_1057 = arith.constant 3040 : i32
    %dma_wait3A_1058 = tpu.memref_slice %arg5[%dma_wait3A_1057] : memref<10240xi32, #tpu.memory_space<vmem>> -> memref<80xi32, #tpu.memory_space<vmem>>
    %dma_wait3A_1059 = arith.constant 0 : i32
    %dma_wait3A_1060 = arith.constant 0 : i32
    %dma_wait3A_1061 = tpu.memref_slice %arg3[%dma_wait3A_1059, %dma_wait3A_1060] : memref<10000x128xf32, #tpu.memory_space<hbm>> -> memref<10000x128xf32, #tpu.memory_space<hbm>>
    tpu.wait_indirect_dma semaphore(%arg8 : memref<!tpu.dma_semaphore, #tpu.memory_space<semaphore_mem>>) src(%dma_wait3A_1061 : memref<10000x128xf32, #tpu.memory_space<hbm>>) dst(%arg6 : memref<80x128xf32, #tpu.memory_space<vmem>>)
    %dma_wait3A_1062 = arith.constant 3360 : i32
    %dma_wait3A_1063 = tpu.memref_slice %arg5[%dma_wait3A_1062] : memref<10240xi32, #tpu.memory_space<vmem>> -> memref<80xi32, #tpu.memory_space<vmem>>
    %dma_wait3A_1064 = arith.constant 0 : i32
    %dma_wait3A_1065 = arith.constant 0 : i32
    %dma_wait3A_1066 = tpu.memref_slice %arg3[%dma_wait3A_1064, %dma_wait3A_1065] : memref<10000x128xf32, #tpu.memory_space<hbm>> -> memref<10000x128xf32, #tpu.memory_space<hbm>>
    tpu.wait_indirect_dma semaphore(%arg8 : memref<!tpu.dma_semaphore, #tpu.memory_space<semaphore_mem>>) src(%dma_wait3A_1066 : memref<10000x128xf32, #tpu.memory_space<hbm>>) dst(%arg6 : memref<80x128xf32, #tpu.memory_space<vmem>>)
    %dma_wait3A_1067 = arith.constant 3680 : i32
    %dma_wait3A_1068 = tpu.memref_slice %arg5[%dma_wait3A_1067] : memref<10240xi32, #tpu.memory_space<vmem>> -> memref<80xi32, #tpu.memory_space<vmem>>
    %dma_wait3A_1069 = arith.constant 0 : i32
    %dma_wait3A_1070 = arith.constant 0 : i32
    %dma_wait3A_1071 = tpu.memref_slice %arg3[%dma_wait3A_1069, %dma_wait3A_1070] : memref<10000x128xf32, #tpu.memory_space<hbm>> -> memref<10000x128xf32, #tpu.memory_space<hbm>>
    tpu.wait_indirect_dma semaphore(%arg8 : memref<!tpu.dma_semaphore, #tpu.memory_space<semaphore_mem>>) src(%dma_wait3A_1071 : memref<10000x128xf32, #tpu.memory_space<hbm>>) dst(%arg6 : memref<80x128xf32, #tpu.memory_space<vmem>>)
    %dma_wait3A_1072 = arith.constant 4000 : i32
    %dma_wait3A_1073 = tpu.memref_slice %arg5[%dma_wait3A_1072] : memref<10240xi32, #tpu.memory_space<vmem>> -> memref<80xi32, #tpu.memory_space<vmem>>
    %dma_wait3A_1074 = arith.constant 0 : i32
    %dma_wait3A_1075 = arith.constant 0 : i32
    %dma_wait3A_1076 = tpu.memref_slice %arg3[%dma_wait3A_1074, %dma_wait3A_1075] : memref<10000x128xf32, #tpu.memory_space<hbm>> -> memref<10000x128xf32, #tpu.memory_space<hbm>>
    tpu.wait_indirect_dma semaphore(%arg8 : memref<!tpu.dma_semaphore, #tpu.memory_space<semaphore_mem>>) src(%dma_wait3A_1076 : memref<10000x128xf32, #tpu.memory_space<hbm>>) dst(%arg6 : memref<80x128xf32, #tpu.memory_space<vmem>>)
    %dma_wait3A_1077 = arith.constant 4320 : i32
    %dma_wait3A_1078 = tpu.memref_slice %arg5[%dma_wait3A_1077] : memref<10240xi32, #tpu.memory_space<vmem>> -> memref<80xi32, #tpu.memory_space<vmem>>
    %dma_wait3A_1079 = arith.constant 0 : i32
    %dma_wait3A_1080 = arith.constant 0 : i32
    %dma_wait3A_1081 = tpu.memref_slice %arg3[%dma_wait3A_1079, %dma_wait3A_1080] : memref<10000x128xf32, #tpu.memory_space<hbm>> -> memref<10000x128xf32, #tpu.memory_space<hbm>>
    tpu.wait_indirect_dma semaphore(%arg8 : memref<!tpu.dma_semaphore, #tpu.memory_space<semaphore_mem>>) src(%dma_wait3A_1081 : memref<10000x128xf32, #tpu.memory_space<hbm>>) dst(%arg6 : memref<80x128xf32, #tpu.memory_space<vmem>>)
    %dma_wait3A_1082 = arith.constant 4640 : i32
    %dma_wait3A_1083 = tpu.memref_slice %arg5[%dma_wait3A_1082] : memref<10240xi32, #tpu.memory_space<vmem>> -> memref<80xi32, #tpu.memory_space<vmem>>
    %dma_wait3A_1084 = arith.constant 0 : i32
    %dma_wait3A_1085 = arith.constant 0 : i32
    %dma_wait3A_1086 = tpu.memref_slice %arg3[%dma_wait3A_1084, %dma_wait3A_1085] : memref<10000x128xf32, #tpu.memory_space<hbm>> -> memref<10000x128xf32, #tpu.memory_space<hbm>>
    tpu.wait_indirect_dma semaphore(%arg8 : memref<!tpu.dma_semaphore, #tpu.memory_space<semaphore_mem>>) src(%dma_wait3A_1086 : memref<10000x128xf32, #tpu.memory_space<hbm>>) dst(%arg6 : memref<80x128xf32, #tpu.memory_space<vmem>>)
    %dma_wait3A_1087 = arith.constant 4960 : i32
    %dma_wait3A_1088 = tpu.memref_slice %arg5[%dma_wait3A_1087] : memref<10240xi32, #tpu.memory_space<vmem>> -> memref<80xi32, #tpu.memory_space<vmem>>
    %dma_wait3A_1089 = arith.constant 0 : i32
    %dma_wait3A_1090 = arith.constant 0 : i32
    %dma_wait3A_1091 = tpu.memref_slice %arg3[%dma_wait3A_1089, %dma_wait3A_1090] : memref<10000x128xf32, #tpu.memory_space<hbm>> -> memref<10000x128xf32, #tpu.memory_space<hbm>>
    tpu.wait_indirect_dma semaphore(%arg8 : memref<!tpu.dma_semaphore, #tpu.memory_space<semaphore_mem>>) src(%dma_wait3A_1091 : memref<10000x128xf32, #tpu.memory_space<hbm>>) dst(%arg6 : memref<80x128xf32, #tpu.memory_space<vmem>>)
    %dma_wait3A_1092 = arith.constant 5280 : i32
    %dma_wait3A_1093 = tpu.memref_slice %arg5[%dma_wait3A_1092] : memref<10240xi32, #tpu.memory_space<vmem>> -> memref<80xi32, #tpu.memory_space<vmem>>
    %dma_wait3A_1094 = arith.constant 0 : i32
    %dma_wait3A_1095 = arith.constant 0 : i32
    %dma_wait3A_1096 = tpu.memref_slice %arg3[%dma_wait3A_1094, %dma_wait3A_1095] : memref<10000x128xf32, #tpu.memory_space<hbm>> -> memref<10000x128xf32, #tpu.memory_space<hbm>>
    tpu.wait_indirect_dma semaphore(%arg8 : memref<!tpu.dma_semaphore, #tpu.memory_space<semaphore_mem>>) src(%dma_wait3A_1096 : memref<10000x128xf32, #tpu.memory_space<hbm>>) dst(%arg6 : memref<80x128xf32, #tpu.memory_space<vmem>>)
    %dma_wait3A_1097 = arith.constant 5600 : i32
    %dma_wait3A_1098 = tpu.memref_slice %arg5[%dma_wait3A_1097] : memref<10240xi32, #tpu.memory_space<vmem>> -> memref<80xi32, #tpu.memory_space<vmem>>
    %dma_wait3A_1099 = arith.constant 0 : i32
    %dma_wait3A_1100 = arith.constant 0 : i32
    %dma_wait3A_1101 = tpu.memref_slice %arg3[%dma_wait3A_1099, %dma_wait3A_1100] : memref<10000x128xf32, #tpu.memory_space<hbm>> -> memref<10000x128xf32, #tpu.memory_space<hbm>>
    tpu.wait_indirect_dma semaphore(%arg8 : memref<!tpu.dma_semaphore, #tpu.memory_space<semaphore_mem>>) src(%dma_wait3A_1101 : memref<10000x128xf32, #tpu.memory_space<hbm>>) dst(%arg6 : memref<80x128xf32, #tpu.memory_space<vmem>>)
    %dma_wait3A_1102 = arith.constant 5920 : i32
    %dma_wait3A_1103 = tpu.memref_slice %arg5[%dma_wait3A_1102] : memref<10240xi32, #tpu.memory_space<vmem>> -> memref<80xi32, #tpu.memory_space<vmem>>
    %dma_wait3A_1104 = arith.constant 0 : i32
    %dma_wait3A_1105 = arith.constant 0 : i32
    %dma_wait3A_1106 = tpu.memref_slice %arg3[%dma_wait3A_1104, %dma_wait3A_1105] : memref<10000x128xf32, #tpu.memory_space<hbm>> -> memref<10000x128xf32, #tpu.memory_space<hbm>>
    tpu.wait_indirect_dma semaphore(%arg8 : memref<!tpu.dma_semaphore, #tpu.memory_space<semaphore_mem>>) src(%dma_wait3A_1106 : memref<10000x128xf32, #tpu.memory_space<hbm>>) dst(%arg6 : memref<80x128xf32, #tpu.memory_space<vmem>>)
    %dma_wait3A_1107 = arith.constant 6240 : i32
    %dma_wait3A_1108 = tpu.memref_slice %arg5[%dma_wait3A_1107] : memref<10240xi32, #tpu.memory_space<vmem>> -> memref<80xi32, #tpu.memory_space<vmem>>
    %dma_wait3A_1109 = arith.constant 0 : i32
    %dma_wait3A_1110 = arith.constant 0 : i32
    %dma_wait3A_1111 = tpu.memref_slice %arg3[%dma_wait3A_1109, %dma_wait3A_1110] : memref<10000x128xf32, #tpu.memory_space<hbm>> -> memref<10000x128xf32, #tpu.memory_space<hbm>>
    tpu.wait_indirect_dma semaphore(%arg8 : memref<!tpu.dma_semaphore, #tpu.memory_space<semaphore_mem>>) src(%dma_wait3A_1111 : memref<10000x128xf32, #tpu.memory_space<hbm>>) dst(%arg6 : memref<80x128xf32, #tpu.memory_space<vmem>>)
    %dma_wait3A_1112 = arith.constant 6560 : i32
    %dma_wait3A_1113 = tpu.memref_slice %arg5[%dma_wait3A_1112] : memref<10240xi32, #tpu.memory_space<vmem>> -> memref<80xi32, #tpu.memory_space<vmem>>
    %dma_wait3A_1114 = arith.constant 0 : i32
    %dma_wait3A_1115 = arith.constant 0 : i32
    %dma_wait3A_1116 = tpu.memref_slice %arg3[%dma_wait3A_1114, %dma_wait3A_1115] : memref<10000x128xf32, #tpu.memory_space<hbm>> -> memref<10000x128xf32, #tpu.memory_space<hbm>>
    tpu.wait_indirect_dma semaphore(%arg8 : memref<!tpu.dma_semaphore, #tpu.memory_space<semaphore_mem>>) src(%dma_wait3A_1116 : memref<10000x128xf32, #tpu.memory_space<hbm>>) dst(%arg6 : memref<80x128xf32, #tpu.memory_space<vmem>>)
    %dma_wait3A_1117 = arith.constant 6880 : i32
    %dma_wait3A_1118 = tpu.memref_slice %arg5[%dma_wait3A_1117] : memref<10240xi32, #tpu.memory_space<vmem>> -> memref<80xi32, #tpu.memory_space<vmem>>
    %dma_wait3A_1119 = arith.constant 0 : i32
    %dma_wait3A_1120 = arith.constant 0 : i32
    %dma_wait3A_1121 = tpu.memref_slice %arg3[%dma_wait3A_1119, %dma_wait3A_1120] : memref<10000x128xf32, #tpu.memory_space<hbm>> -> memref<10000x128xf32, #tpu.memory_space<hbm>>
    tpu.wait_indirect_dma semaphore(%arg8 : memref<!tpu.dma_semaphore, #tpu.memory_space<semaphore_mem>>) src(%dma_wait3A_1121 : memref<10000x128xf32, #tpu.memory_space<hbm>>) dst(%arg6 : memref<80x128xf32, #tpu.memory_space<vmem>>)
    %dma_wait3A_1122 = arith.constant 7200 : i32
    %dma_wait3A_1123 = tpu.memref_slice %arg5[%dma_wait3A_1122] : memref<10240xi32, #tpu.memory_space<vmem>> -> memref<80xi32, #tpu.memory_space<vmem>>
    %dma_wait3A_1124 = arith.constant 0 : i32
    %dma_wait3A_1125 = arith.constant 0 : i32
    %dma_wait3A_1126 = tpu.memref_slice %arg3[%dma_wait3A_1124, %dma_wait3A_1125] : memref<10000x128xf32, #tpu.memory_space<hbm>> -> memref<10000x128xf32, #tpu.memory_space<hbm>>
    tpu.wait_indirect_dma semaphore(%arg8 : memref<!tpu.dma_semaphore, #tpu.memory_space<semaphore_mem>>) src(%dma_wait3A_1126 : memref<10000x128xf32, #tpu.memory_space<hbm>>) dst(%arg6 : memref<80x128xf32, #tpu.memory_space<vmem>>)
    %dma_wait3A_1127 = arith.constant 7520 : i32
    %dma_wait3A_1128 = tpu.memref_slice %arg5[%dma_wait3A_1127] : memref<10240xi32, #tpu.memory_space<vmem>> -> memref<80xi32, #tpu.memory_space<vmem>>
    %dma_wait3A_1129 = arith.constant 0 : i32
    %dma_wait3A_1130 = arith.constant 0 : i32
    %dma_wait3A_1131 = tpu.memref_slice %arg3[%dma_wait3A_1129, %dma_wait3A_1130] : memref<10000x128xf32, #tpu.memory_space<hbm>> -> memref<10000x128xf32, #tpu.memory_space<hbm>>
    tpu.wait_indirect_dma semaphore(%arg8 : memref<!tpu.dma_semaphore, #tpu.memory_space<semaphore_mem>>) src(%dma_wait3A_1131 : memref<10000x128xf32, #tpu.memory_space<hbm>>) dst(%arg6 : memref<80x128xf32, #tpu.memory_space<vmem>>)
    %dma_wait3A_1132 = arith.constant 7840 : i32
    %dma_wait3A_1133 = tpu.memref_slice %arg5[%dma_wait3A_1132] : memref<10240xi32, #tpu.memory_space<vmem>> -> memref<80xi32, #tpu.memory_space<vmem>>
    %dma_wait3A_1134 = arith.constant 0 : i32
    %dma_wait3A_1135 = arith.constant 0 : i32
    %dma_wait3A_1136 = tpu.memref_slice %arg3[%dma_wait3A_1134, %dma_wait3A_1135] : memref<10000x128xf32, #tpu.memory_space<hbm>> -> memref<10000x128xf32, #tpu.memory_space<hbm>>
    tpu.wait_indirect_dma semaphore(%arg8 : memref<!tpu.dma_semaphore, #tpu.memory_space<semaphore_mem>>) src(%dma_wait3A_1136 : memref<10000x128xf32, #tpu.memory_space<hbm>>) dst(%arg6 : memref<80x128xf32, #tpu.memory_space<vmem>>)
    %dma_wait3A_1137 = arith.constant 8160 : i32
    %dma_wait3A_1138 = tpu.memref_slice %arg5[%dma_wait3A_1137] : memref<10240xi32, #tpu.memory_space<vmem>> -> memref<80xi32, #tpu.memory_space<vmem>>
    %dma_wait3A_1139 = arith.constant 0 : i32
    %dma_wait3A_1140 = arith.constant 0 : i32
    %dma_wait3A_1141 = tpu.memref_slice %arg3[%dma_wait3A_1139, %dma_wait3A_1140] : memref<10000x128xf32, #tpu.memory_space<hbm>> -> memref<10000x128xf32, #tpu.memory_space<hbm>>
    tpu.wait_indirect_dma semaphore(%arg8 : memref<!tpu.dma_semaphore, #tpu.memory_space<semaphore_mem>>) src(%dma_wait3A_1141 : memref<10000x128xf32, #tpu.memory_space<hbm>>) dst(%arg6 : memref<80x128xf32, #tpu.memory_space<vmem>>)
    %dma_wait3A_1142 = arith.constant 8480 : i32
    %dma_wait3A_1143 = tpu.memref_slice %arg5[%dma_wait3A_1142] : memref<10240xi32, #tpu.memory_space<vmem>> -> memref<80xi32, #tpu.memory_space<vmem>>
    %dma_wait3A_1144 = arith.constant 0 : i32
    %dma_wait3A_1145 = arith.constant 0 : i32
    %dma_wait3A_1146 = tpu.memref_slice %arg3[%dma_wait3A_1144, %dma_wait3A_1145] : memref<10000x128xf32, #tpu.memory_space<hbm>> -> memref<10000x128xf32, #tpu.memory_space<hbm>>
    tpu.wait_indirect_dma semaphore(%arg8 : memref<!tpu.dma_semaphore, #tpu.memory_space<semaphore_mem>>) src(%dma_wait3A_1146 : memref<10000x128xf32, #tpu.memory_space<hbm>>) dst(%arg6 : memref<80x128xf32, #tpu.memory_space<vmem>>)
    %dma_wait3A_1147 = arith.constant 8800 : i32
    %dma_wait3A_1148 = tpu.memref_slice %arg5[%dma_wait3A_1147] : memref<10240xi32, #tpu.memory_space<vmem>> -> memref<80xi32, #tpu.memory_space<vmem>>
    %dma_wait3A_1149 = arith.constant 0 : i32
    %dma_wait3A_1150 = arith.constant 0 : i32
    %dma_wait3A_1151 = tpu.memref_slice %arg3[%dma_wait3A_1149, %dma_wait3A_1150] : memref<10000x128xf32, #tpu.memory_space<hbm>> -> memref<10000x128xf32, #tpu.memory_space<hbm>>
    tpu.wait_indirect_dma semaphore(%arg8 : memref<!tpu.dma_semaphore, #tpu.memory_space<semaphore_mem>>) src(%dma_wait3A_1151 : memref<10000x128xf32, #tpu.memory_space<hbm>>) dst(%arg6 : memref<80x128xf32, #tpu.memory_space<vmem>>)
    %dma_wait3A_1152 = arith.constant 9120 : i32
    %dma_wait3A_1153 = tpu.memref_slice %arg5[%dma_wait3A_1152] : memref<10240xi32, #tpu.memory_space<vmem>> -> memref<80xi32, #tpu.memory_space<vmem>>
    %dma_wait3A_1154 = arith.constant 0 : i32
    %dma_wait3A_1155 = arith.constant 0 : i32
    %dma_wait3A_1156 = tpu.memref_slice %arg3[%dma_wait3A_1154, %dma_wait3A_1155] : memref<10000x128xf32, #tpu.memory_space<hbm>> -> memref<10000x128xf32, #tpu.memory_space<hbm>>
    tpu.wait_indirect_dma semaphore(%arg8 : memref<!tpu.dma_semaphore, #tpu.memory_space<semaphore_mem>>) src(%dma_wait3A_1156 : memref<10000x128xf32, #tpu.memory_space<hbm>>) dst(%arg6 : memref<80x128xf32, #tpu.memory_space<vmem>>)
    %dma_wait3A_1157 = arith.constant 9440 : i32
    %dma_wait3A_1158 = tpu.memref_slice %arg5[%dma_wait3A_1157] : memref<10240xi32, #tpu.memory_space<vmem>> -> memref<80xi32, #tpu.memory_space<vmem>>
    %dma_wait3A_1159 = arith.constant 0 : i32
    %dma_wait3A_1160 = arith.constant 0 : i32
    %dma_wait3A_1161 = tpu.memref_slice %arg3[%dma_wait3A_1159, %dma_wait3A_1160] : memref<10000x128xf32, #tpu.memory_space<hbm>> -> memref<10000x128xf32, #tpu.memory_space<hbm>>
    tpu.wait_indirect_dma semaphore(%arg8 : memref<!tpu.dma_semaphore, #tpu.memory_space<semaphore_mem>>) src(%dma_wait3A_1161 : memref<10000x128xf32, #tpu.memory_space<hbm>>) dst(%arg6 : memref<80x128xf32, #tpu.memory_space<vmem>>)
    %dma_wait3A_1162 = arith.constant 9760 : i32
    %dma_wait3A_1163 = tpu.memref_slice %arg5[%dma_wait3A_1162] : memref<10240xi32, #tpu.memory_space<vmem>> -> memref<80xi32, #tpu.memory_space<vmem>>
    %dma_wait3A_1164 = arith.constant 0 : i32
    %dma_wait3A_1165 = arith.constant 0 : i32
    %dma_wait3A_1166 = tpu.memref_slice %arg3[%dma_wait3A_1164, %dma_wait3A_1165] : memref<10000x128xf32, #tpu.memory_space<hbm>> -> memref<10000x128xf32, #tpu.memory_space<hbm>>
    tpu.wait_indirect_dma semaphore(%arg8 : memref<!tpu.dma_semaphore, #tpu.memory_space<semaphore_mem>>) src(%dma_wait3A_1166 : memref<10000x128xf32, #tpu.memory_space<hbm>>) dst(%arg6 : memref<80x128xf32, #tpu.memory_space<vmem>>)
    %dma_wait3A_1167 = arith.constant 10080 : i32
    %dma_wait3A_1168 = tpu.memref_slice %arg5[%dma_wait3A_1167] : memref<10240xi32, #tpu.memory_space<vmem>> -> memref<80xi32, #tpu.memory_space<vmem>>
    %dma_wait3A_1169 = arith.constant 0 : i32
    %dma_wait3A_1170 = arith.constant 0 : i32
    %dma_wait3A_1171 = tpu.memref_slice %arg3[%dma_wait3A_1169, %dma_wait3A_1170] : memref<10000x128xf32, #tpu.memory_space<hbm>> -> memref<10000x128xf32, #tpu.memory_space<hbm>>
    tpu.wait_indirect_dma semaphore(%arg8 : memref<!tpu.dma_semaphore, #tpu.memory_space<semaphore_mem>>) src(%dma_wait3A_1171 : memref<10000x128xf32, #tpu.memory_space<hbm>>) dst(%arg6 : memref<80x128xf32, #tpu.memory_space<vmem>>)
    %add3A_1172 = arith.constant 160 : i32
    %add3A_1173 = arith.addi %mul3A_2, %add3A_1172 : i32
    %dma_start3A_1174 = arith.constant 0 : i32
    %dma_start3A_1175 = tpu.memref_slice %arg4[%add3A_1173, %dma_start3A_1174] : memref<10240x128xf32, #tpu.memory_space<hbm>> -> memref<80x128xf32, #tpu.memory_space<hbm>>
    %dma_start3A_1176 = arith.constant 0 : i32
    %dma_start3A_1177 = tpu.memref_slice %arg4[%add3A_1173, %dma_start3A_1176] : memref<10240x128xf32, #tpu.memory_space<hbm>> -> memref<80x128xf32, #tpu.memory_space<hbm>>
    tpu.enqueue_dma source(%arg6 : memref<80x128xf32, #tpu.memory_space<vmem>>) target(%dma_start3A_1177 : memref<80x128xf32, #tpu.memory_space<hbm>>) target_semaphore(%arg10 : memref<!tpu.dma_semaphore, #tpu.memory_space<semaphore_mem>>)
    %dma_wait3A_1178 = arith.constant 240 : i32
    %dma_wait3A_1179 = tpu.memref_slice %arg5[%dma_wait3A_1178] : memref<10240xi32, #tpu.memory_space<vmem>> -> memref<80xi32, #tpu.memory_space<vmem>>
    %dma_wait3A_1180 = arith.constant 0 : i32
    %dma_wait3A_1181 = arith.constant 0 : i32
    %dma_wait3A_1182 = tpu.memref_slice %arg3[%dma_wait3A_1180, %dma_wait3A_1181] : memref<10000x128xf32, #tpu.memory_space<hbm>> -> memref<10000x128xf32, #tpu.memory_space<hbm>>
    tpu.wait_indirect_dma semaphore(%arg9 : memref<!tpu.dma_semaphore, #tpu.memory_space<semaphore_mem>>) src(%dma_wait3A_1182 : memref<10000x128xf32, #tpu.memory_space<hbm>>) dst(%arg7 : memref<80x128xf32, #tpu.memory_space<vmem>>)
    %dma_wait3A_1183 = arith.constant 560 : i32
    %dma_wait3A_1184 = tpu.memref_slice %arg5[%dma_wait3A_1183] : memref<10240xi32, #tpu.memory_space<vmem>> -> memref<80xi32, #tpu.memory_space<vmem>>
    %dma_wait3A_1185 = arith.constant 0 : i32
    %dma_wait3A_1186 = arith.constant 0 : i32
    %dma_wait3A_1187 = tpu.memref_slice %arg3[%dma_wait3A_1185, %dma_wait3A_1186] : memref<10000x128xf32, #tpu.memory_space<hbm>> -> memref<10000x128xf32, #tpu.memory_space<hbm>>
    tpu.wait_indirect_dma semaphore(%arg9 : memref<!tpu.dma_semaphore, #tpu.memory_space<semaphore_mem>>) src(%dma_wait3A_1187 : memref<10000x128xf32, #tpu.memory_space<hbm>>) dst(%arg7 : memref<80x128xf32, #tpu.memory_space<vmem>>)
    %dma_wait3A_1188 = arith.constant 880 : i32
    %dma_wait3A_1189 = tpu.memref_slice %arg5[%dma_wait3A_1188] : memref<10240xi32, #tpu.memory_space<vmem>> -> memref<80xi32, #tpu.memory_space<vmem>>
    %dma_wait3A_1190 = arith.constant 0 : i32
    %dma_wait3A_1191 = arith.constant 0 : i32
    %dma_wait3A_1192 = tpu.memref_slice %arg3[%dma_wait3A_1190, %dma_wait3A_1191] : memref<10000x128xf32, #tpu.memory_space<hbm>> -> memref<10000x128xf32, #tpu.memory_space<hbm>>
    tpu.wait_indirect_dma semaphore(%arg9 : memref<!tpu.dma_semaphore, #tpu.memory_space<semaphore_mem>>) src(%dma_wait3A_1192 : memref<10000x128xf32, #tpu.memory_space<hbm>>) dst(%arg7 : memref<80x128xf32, #tpu.memory_space<vmem>>)
    %dma_wait3A_1193 = arith.constant 1200 : i32
    %dma_wait3A_1194 = tpu.memref_slice %arg5[%dma_wait3A_1193] : memref<10240xi32, #tpu.memory_space<vmem>> -> memref<80xi32, #tpu.memory_space<vmem>>
    %dma_wait3A_1195 = arith.constant 0 : i32
    %dma_wait3A_1196 = arith.constant 0 : i32
    %dma_wait3A_1197 = tpu.memref_slice %arg3[%dma_wait3A_1195, %dma_wait3A_1196] : memref<10000x128xf32, #tpu.memory_space<hbm>> -> memref<10000x128xf32, #tpu.memory_space<hbm>>
    tpu.wait_indirect_dma semaphore(%arg9 : memref<!tpu.dma_semaphore, #tpu.memory_space<semaphore_mem>>) src(%dma_wait3A_1197 : memref<10000x128xf32, #tpu.memory_space<hbm>>) dst(%arg7 : memref<80x128xf32, #tpu.memory_space<vmem>>)
    %dma_wait3A_1198 = arith.constant 1520 : i32
    %dma_wait3A_1199 = tpu.memref_slice %arg5[%dma_wait3A_1198] : memref<10240xi32, #tpu.memory_space<vmem>> -> memref<80xi32, #tpu.memory_space<vmem>>
    %dma_wait3A_1200 = arith.constant 0 : i32
    %dma_wait3A_1201 = arith.constant 0 : i32
    %dma_wait3A_1202 = tpu.memref_slice %arg3[%dma_wait3A_1200, %dma_wait3A_1201] : memref<10000x128xf32, #tpu.memory_space<hbm>> -> memref<10000x128xf32, #tpu.memory_space<hbm>>
    tpu.wait_indirect_dma semaphore(%arg9 : memref<!tpu.dma_semaphore, #tpu.memory_space<semaphore_mem>>) src(%dma_wait3A_1202 : memref<10000x128xf32, #tpu.memory_space<hbm>>) dst(%arg7 : memref<80x128xf32, #tpu.memory_space<vmem>>)
    %dma_wait3A_1203 = arith.constant 1840 : i32
    %dma_wait3A_1204 = tpu.memref_slice %arg5[%dma_wait3A_1203] : memref<10240xi32, #tpu.memory_space<vmem>> -> memref<80xi32, #tpu.memory_space<vmem>>
    %dma_wait3A_1205 = arith.constant 0 : i32
    %dma_wait3A_1206 = arith.constant 0 : i32
    %dma_wait3A_1207 = tpu.memref_slice %arg3[%dma_wait3A_1205, %dma_wait3A_1206] : memref<10000x128xf32, #tpu.memory_space<hbm>> -> memref<10000x128xf32, #tpu.memory_space<hbm>>
    tpu.wait_indirect_dma semaphore(%arg9 : memref<!tpu.dma_semaphore, #tpu.memory_space<semaphore_mem>>) src(%dma_wait3A_1207 : memref<10000x128xf32, #tpu.memory_space<hbm>>) dst(%arg7 : memref<80x128xf32, #tpu.memory_space<vmem>>)
    %dma_wait3A_1208 = arith.constant 2160 : i32
    %dma_wait3A_1209 = tpu.memref_slice %arg5[%dma_wait3A_1208] : memref<10240xi32, #tpu.memory_space<vmem>> -> memref<80xi32, #tpu.memory_space<vmem>>
    %dma_wait3A_1210 = arith.constant 0 : i32
    %dma_wait3A_1211 = arith.constant 0 : i32
    %dma_wait3A_1212 = tpu.memref_slice %arg3[%dma_wait3A_1210, %dma_wait3A_1211] : memref<10000x128xf32, #tpu.memory_space<hbm>> -> memref<10000x128xf32, #tpu.memory_space<hbm>>
    tpu.wait_indirect_dma semaphore(%arg9 : memref<!tpu.dma_semaphore, #tpu.memory_space<semaphore_mem>>) src(%dma_wait3A_1212 : memref<10000x128xf32, #tpu.memory_space<hbm>>) dst(%arg7 : memref<80x128xf32, #tpu.memory_space<vmem>>)
    %dma_wait3A_1213 = arith.constant 2480 : i32
    %dma_wait3A_1214 = tpu.memref_slice %arg5[%dma_wait3A_1213] : memref<10240xi32, #tpu.memory_space<vmem>> -> memref<80xi32, #tpu.memory_space<vmem>>
    %dma_wait3A_1215 = arith.constant 0 : i32
    %dma_wait3A_1216 = arith.constant 0 : i32
    %dma_wait3A_1217 = tpu.memref_slice %arg3[%dma_wait3A_1215, %dma_wait3A_1216] : memref<10000x128xf32, #tpu.memory_space<hbm>> -> memref<10000x128xf32, #tpu.memory_space<hbm>>
    tpu.wait_indirect_dma semaphore(%arg9 : memref<!tpu.dma_semaphore, #tpu.memory_space<semaphore_mem>>) src(%dma_wait3A_1217 : memref<10000x128xf32, #tpu.memory_space<hbm>>) dst(%arg7 : memref<80x128xf32, #tpu.memory_space<vmem>>)
    %dma_wait3A_1218 = arith.constant 2800 : i32
    %dma_wait3A_1219 = tpu.memref_slice %arg5[%dma_wait3A_1218] : memref<10240xi32, #tpu.memory_space<vmem>> -> memref<80xi32, #tpu.memory_space<vmem>>
    %dma_wait3A_1220 = arith.constant 0 : i32
    %dma_wait3A_1221 = arith.constant 0 : i32
    %dma_wait3A_1222 = tpu.memref_slice %arg3[%dma_wait3A_1220, %dma_wait3A_1221] : memref<10000x128xf32, #tpu.memory_space<hbm>> -> memref<10000x128xf32, #tpu.memory_space<hbm>>
    tpu.wait_indirect_dma semaphore(%arg9 : memref<!tpu.dma_semaphore, #tpu.memory_space<semaphore_mem>>) src(%dma_wait3A_1222 : memref<10000x128xf32, #tpu.memory_space<hbm>>) dst(%arg7 : memref<80x128xf32, #tpu.memory_space<vmem>>)
    %dma_wait3A_1223 = arith.constant 3120 : i32
    %dma_wait3A_1224 = tpu.memref_slice %arg5[%dma_wait3A_1223] : memref<10240xi32, #tpu.memory_space<vmem>> -> memref<80xi32, #tpu.memory_space<vmem>>
    %dma_wait3A_1225 = arith.constant 0 : i32
    %dma_wait3A_1226 = arith.constant 0 : i32
    %dma_wait3A_1227 = tpu.memref_slice %arg3[%dma_wait3A_1225, %dma_wait3A_1226] : memref<10000x128xf32, #tpu.memory_space<hbm>> -> memref<10000x128xf32, #tpu.memory_space<hbm>>
    tpu.wait_indirect_dma semaphore(%arg9 : memref<!tpu.dma_semaphore, #tpu.memory_space<semaphore_mem>>) src(%dma_wait3A_1227 : memref<10000x128xf32, #tpu.memory_space<hbm>>) dst(%arg7 : memref<80x128xf32, #tpu.memory_space<vmem>>)
    %dma_wait3A_1228 = arith.constant 3440 : i32
    %dma_wait3A_1229 = tpu.memref_slice %arg5[%dma_wait3A_1228] : memref<10240xi32, #tpu.memory_space<vmem>> -> memref<80xi32, #tpu.memory_space<vmem>>
    %dma_wait3A_1230 = arith.constant 0 : i32
    %dma_wait3A_1231 = arith.constant 0 : i32
    %dma_wait3A_1232 = tpu.memref_slice %arg3[%dma_wait3A_1230, %dma_wait3A_1231] : memref<10000x128xf32, #tpu.memory_space<hbm>> -> memref<10000x128xf32, #tpu.memory_space<hbm>>
    tpu.wait_indirect_dma semaphore(%arg9 : memref<!tpu.dma_semaphore, #tpu.memory_space<semaphore_mem>>) src(%dma_wait3A_1232 : memref<10000x128xf32, #tpu.memory_space<hbm>>) dst(%arg7 : memref<80x128xf32, #tpu.memory_space<vmem>>)
    %dma_wait3A_1233 = arith.constant 3760 : i32
    %dma_wait3A_1234 = tpu.memref_slice %arg5[%dma_wait3A_1233] : memref<10240xi32, #tpu.memory_space<vmem>> -> memref<80xi32, #tpu.memory_space<vmem>>
    %dma_wait3A_1235 = arith.constant 0 : i32
    %dma_wait3A_1236 = arith.constant 0 : i32
    %dma_wait3A_1237 = tpu.memref_slice %arg3[%dma_wait3A_1235, %dma_wait3A_1236] : memref<10000x128xf32, #tpu.memory_space<hbm>> -> memref<10000x128xf32, #tpu.memory_space<hbm>>
    tpu.wait_indirect_dma semaphore(%arg9 : memref<!tpu.dma_semaphore, #tpu.memory_space<semaphore_mem>>) src(%dma_wait3A_1237 : memref<10000x128xf32, #tpu.memory_space<hbm>>) dst(%arg7 : memref<80x128xf32, #tpu.memory_space<vmem>>)
    %dma_wait3A_1238 = arith.constant 4080 : i32
    %dma_wait3A_1239 = tpu.memref_slice %arg5[%dma_wait3A_1238] : memref<10240xi32, #tpu.memory_space<vmem>> -> memref<80xi32, #tpu.memory_space<vmem>>
    %dma_wait3A_1240 = arith.constant 0 : i32
    %dma_wait3A_1241 = arith.constant 0 : i32
    %dma_wait3A_1242 = tpu.memref_slice %arg3[%dma_wait3A_1240, %dma_wait3A_1241] : memref<10000x128xf32, #tpu.memory_space<hbm>> -> memref<10000x128xf32, #tpu.memory_space<hbm>>
    tpu.wait_indirect_dma semaphore(%arg9 : memref<!tpu.dma_semaphore, #tpu.memory_space<semaphore_mem>>) src(%dma_wait3A_1242 : memref<10000x128xf32, #tpu.memory_space<hbm>>) dst(%arg7 : memref<80x128xf32, #tpu.memory_space<vmem>>)
    %dma_wait3A_1243 = arith.constant 4400 : i32
    %dma_wait3A_1244 = tpu.memref_slice %arg5[%dma_wait3A_1243] : memref<10240xi32, #tpu.memory_space<vmem>> -> memref<80xi32, #tpu.memory_space<vmem>>
    %dma_wait3A_1245 = arith.constant 0 : i32
    %dma_wait3A_1246 = arith.constant 0 : i32
    %dma_wait3A_1247 = tpu.memref_slice %arg3[%dma_wait3A_1245, %dma_wait3A_1246] : memref<10000x128xf32, #tpu.memory_space<hbm>> -> memref<10000x128xf32, #tpu.memory_space<hbm>>
    tpu.wait_indirect_dma semaphore(%arg9 : memref<!tpu.dma_semaphore, #tpu.memory_space<semaphore_mem>>) src(%dma_wait3A_1247 : memref<10000x128xf32, #tpu.memory_space<hbm>>) dst(%arg7 : memref<80x128xf32, #tpu.memory_space<vmem>>)
    %dma_wait3A_1248 = arith.constant 4720 : i32
    %dma_wait3A_1249 = tpu.memref_slice %arg5[%dma_wait3A_1248] : memref<10240xi32, #tpu.memory_space<vmem>> -> memref<80xi32, #tpu.memory_space<vmem>>
    %dma_wait3A_1250 = arith.constant 0 : i32
    %dma_wait3A_1251 = arith.constant 0 : i32
    %dma_wait3A_1252 = tpu.memref_slice %arg3[%dma_wait3A_1250, %dma_wait3A_1251] : memref<10000x128xf32, #tpu.memory_space<hbm>> -> memref<10000x128xf32, #tpu.memory_space<hbm>>
    tpu.wait_indirect_dma semaphore(%arg9 : memref<!tpu.dma_semaphore, #tpu.memory_space<semaphore_mem>>) src(%dma_wait3A_1252 : memref<10000x128xf32, #tpu.memory_space<hbm>>) dst(%arg7 : memref<80x128xf32, #tpu.memory_space<vmem>>)
    %dma_wait3A_1253 = arith.constant 5040 : i32
    %dma_wait3A_1254 = tpu.memref_slice %arg5[%dma_wait3A_1253] : memref<10240xi32, #tpu.memory_space<vmem>> -> memref<80xi32, #tpu.memory_space<vmem>>
    %dma_wait3A_1255 = arith.constant 0 : i32
    %dma_wait3A_1256 = arith.constant 0 : i32
    %dma_wait3A_1257 = tpu.memref_slice %arg3[%dma_wait3A_1255, %dma_wait3A_1256] : memref<10000x128xf32, #tpu.memory_space<hbm>> -> memref<10000x128xf32, #tpu.memory_space<hbm>>
    tpu.wait_indirect_dma semaphore(%arg9 : memref<!tpu.dma_semaphore, #tpu.memory_space<semaphore_mem>>) src(%dma_wait3A_1257 : memref<10000x128xf32, #tpu.memory_space<hbm>>) dst(%arg7 : memref<80x128xf32, #tpu.memory_space<vmem>>)
    %dma_wait3A_1258 = arith.constant 5360 : i32
    %dma_wait3A_1259 = tpu.memref_slice %arg5[%dma_wait3A_1258] : memref<10240xi32, #tpu.memory_space<vmem>> -> memref<80xi32, #tpu.memory_space<vmem>>
    %dma_wait3A_1260 = arith.constant 0 : i32
    %dma_wait3A_1261 = arith.constant 0 : i32
    %dma_wait3A_1262 = tpu.memref_slice %arg3[%dma_wait3A_1260, %dma_wait3A_1261] : memref<10000x128xf32, #tpu.memory_space<hbm>> -> memref<10000x128xf32, #tpu.memory_space<hbm>>
    tpu.wait_indirect_dma semaphore(%arg9 : memref<!tpu.dma_semaphore, #tpu.memory_space<semaphore_mem>>) src(%dma_wait3A_1262 : memref<10000x128xf32, #tpu.memory_space<hbm>>) dst(%arg7 : memref<80x128xf32, #tpu.memory_space<vmem>>)
    %dma_wait3A_1263 = arith.constant 5680 : i32
    %dma_wait3A_1264 = tpu.memref_slice %arg5[%dma_wait3A_1263] : memref<10240xi32, #tpu.memory_space<vmem>> -> memref<80xi32, #tpu.memory_space<vmem>>
    %dma_wait3A_1265 = arith.constant 0 : i32
    %dma_wait3A_1266 = arith.constant 0 : i32
    %dma_wait3A_1267 = tpu.memref_slice %arg3[%dma_wait3A_1265, %dma_wait3A_1266] : memref<10000x128xf32, #tpu.memory_space<hbm>> -> memref<10000x128xf32, #tpu.memory_space<hbm>>
    tpu.wait_indirect_dma semaphore(%arg9 : memref<!tpu.dma_semaphore, #tpu.memory_space<semaphore_mem>>) src(%dma_wait3A_1267 : memref<10000x128xf32, #tpu.memory_space<hbm>>) dst(%arg7 : memref<80x128xf32, #tpu.memory_space<vmem>>)
    %dma_wait3A_1268 = arith.constant 6000 : i32
    %dma_wait3A_1269 = tpu.memref_slice %arg5[%dma_wait3A_1268] : memref<10240xi32, #tpu.memory_space<vmem>> -> memref<80xi32, #tpu.memory_space<vmem>>
    %dma_wait3A_1270 = arith.constant 0 : i32
    %dma_wait3A_1271 = arith.constant 0 : i32
    %dma_wait3A_1272 = tpu.memref_slice %arg3[%dma_wait3A_1270, %dma_wait3A_1271] : memref<10000x128xf32, #tpu.memory_space<hbm>> -> memref<10000x128xf32, #tpu.memory_space<hbm>>
    tpu.wait_indirect_dma semaphore(%arg9 : memref<!tpu.dma_semaphore, #tpu.memory_space<semaphore_mem>>) src(%dma_wait3A_1272 : memref<10000x128xf32, #tpu.memory_space<hbm>>) dst(%arg7 : memref<80x128xf32, #tpu.memory_space<vmem>>)
    %dma_wait3A_1273 = arith.constant 6320 : i32
    %dma_wait3A_1274 = tpu.memref_slice %arg5[%dma_wait3A_1273] : memref<10240xi32, #tpu.memory_space<vmem>> -> memref<80xi32, #tpu.memory_space<vmem>>
    %dma_wait3A_1275 = arith.constant 0 : i32
    %dma_wait3A_1276 = arith.constant 0 : i32
    %dma_wait3A_1277 = tpu.memref_slice %arg3[%dma_wait3A_1275, %dma_wait3A_1276] : memref<10000x128xf32, #tpu.memory_space<hbm>> -> memref<10000x128xf32, #tpu.memory_space<hbm>>
    tpu.wait_indirect_dma semaphore(%arg9 : memref<!tpu.dma_semaphore, #tpu.memory_space<semaphore_mem>>) src(%dma_wait3A_1277 : memref<10000x128xf32, #tpu.memory_space<hbm>>) dst(%arg7 : memref<80x128xf32, #tpu.memory_space<vmem>>)
    %dma_wait3A_1278 = arith.constant 6640 : i32
    %dma_wait3A_1279 = tpu.memref_slice %arg5[%dma_wait3A_1278] : memref<10240xi32, #tpu.memory_space<vmem>> -> memref<80xi32, #tpu.memory_space<vmem>>
    %dma_wait3A_1280 = arith.constant 0 : i32
    %dma_wait3A_1281 = arith.constant 0 : i32
    %dma_wait3A_1282 = tpu.memref_slice %arg3[%dma_wait3A_1280, %dma_wait3A_1281] : memref<10000x128xf32, #tpu.memory_space<hbm>> -> memref<10000x128xf32, #tpu.memory_space<hbm>>
    tpu.wait_indirect_dma semaphore(%arg9 : memref<!tpu.dma_semaphore, #tpu.memory_space<semaphore_mem>>) src(%dma_wait3A_1282 : memref<10000x128xf32, #tpu.memory_space<hbm>>) dst(%arg7 : memref<80x128xf32, #tpu.memory_space<vmem>>)
    %dma_wait3A_1283 = arith.constant 6960 : i32
    %dma_wait3A_1284 = tpu.memref_slice %arg5[%dma_wait3A_1283] : memref<10240xi32, #tpu.memory_space<vmem>> -> memref<80xi32, #tpu.memory_space<vmem>>
    %dma_wait3A_1285 = arith.constant 0 : i32
    %dma_wait3A_1286 = arith.constant 0 : i32
    %dma_wait3A_1287 = tpu.memref_slice %arg3[%dma_wait3A_1285, %dma_wait3A_1286] : memref<10000x128xf32, #tpu.memory_space<hbm>> -> memref<10000x128xf32, #tpu.memory_space<hbm>>
    tpu.wait_indirect_dma semaphore(%arg9 : memref<!tpu.dma_semaphore, #tpu.memory_space<semaphore_mem>>) src(%dma_wait3A_1287 : memref<10000x128xf32, #tpu.memory_space<hbm>>) dst(%arg7 : memref<80x128xf32, #tpu.memory_space<vmem>>)
    %dma_wait3A_1288 = arith.constant 7280 : i32
    %dma_wait3A_1289 = tpu.memref_slice %arg5[%dma_wait3A_1288] : memref<10240xi32, #tpu.memory_space<vmem>> -> memref<80xi32, #tpu.memory_space<vmem>>
    %dma_wait3A_1290 = arith.constant 0 : i32
    %dma_wait3A_1291 = arith.constant 0 : i32
    %dma_wait3A_1292 = tpu.memref_slice %arg3[%dma_wait3A_1290, %dma_wait3A_1291] : memref<10000x128xf32, #tpu.memory_space<hbm>> -> memref<10000x128xf32, #tpu.memory_space<hbm>>
    tpu.wait_indirect_dma semaphore(%arg9 : memref<!tpu.dma_semaphore, #tpu.memory_space<semaphore_mem>>) src(%dma_wait3A_1292 : memref<10000x128xf32, #tpu.memory_space<hbm>>) dst(%arg7 : memref<80x128xf32, #tpu.memory_space<vmem>>)
    %dma_wait3A_1293 = arith.constant 7600 : i32
    %dma_wait3A_1294 = tpu.memref_slice %arg5[%dma_wait3A_1293] : memref<10240xi32, #tpu.memory_space<vmem>> -> memref<80xi32, #tpu.memory_space<vmem>>
    %dma_wait3A_1295 = arith.constant 0 : i32
    %dma_wait3A_1296 = arith.constant 0 : i32
    %dma_wait3A_1297 = tpu.memref_slice %arg3[%dma_wait3A_1295, %dma_wait3A_1296] : memref<10000x128xf32, #tpu.memory_space<hbm>> -> memref<10000x128xf32, #tpu.memory_space<hbm>>
    tpu.wait_indirect_dma semaphore(%arg9 : memref<!tpu.dma_semaphore, #tpu.memory_space<semaphore_mem>>) src(%dma_wait3A_1297 : memref<10000x128xf32, #tpu.memory_space<hbm>>) dst(%arg7 : memref<80x128xf32, #tpu.memory_space<vmem>>)
    %dma_wait3A_1298 = arith.constant 7920 : i32
    %dma_wait3A_1299 = tpu.memref_slice %arg5[%dma_wait3A_1298] : memref<10240xi32, #tpu.memory_space<vmem>> -> memref<80xi32, #tpu.memory_space<vmem>>
    %dma_wait3A_1300 = arith.constant 0 : i32
    %dma_wait3A_1301 = arith.constant 0 : i32
    %dma_wait3A_1302 = tpu.memref_slice %arg3[%dma_wait3A_1300, %dma_wait3A_1301] : memref<10000x128xf32, #tpu.memory_space<hbm>> -> memref<10000x128xf32, #tpu.memory_space<hbm>>
    tpu.wait_indirect_dma semaphore(%arg9 : memref<!tpu.dma_semaphore, #tpu.memory_space<semaphore_mem>>) src(%dma_wait3A_1302 : memref<10000x128xf32, #tpu.memory_space<hbm>>) dst(%arg7 : memref<80x128xf32, #tpu.memory_space<vmem>>)
    %dma_wait3A_1303 = arith.constant 8240 : i32
    %dma_wait3A_1304 = tpu.memref_slice %arg5[%dma_wait3A_1303] : memref<10240xi32, #tpu.memory_space<vmem>> -> memref<80xi32, #tpu.memory_space<vmem>>
    %dma_wait3A_1305 = arith.constant 0 : i32
    %dma_wait3A_1306 = arith.constant 0 : i32
    %dma_wait3A_1307 = tpu.memref_slice %arg3[%dma_wait3A_1305, %dma_wait3A_1306] : memref<10000x128xf32, #tpu.memory_space<hbm>> -> memref<10000x128xf32, #tpu.memory_space<hbm>>
    tpu.wait_indirect_dma semaphore(%arg9 : memref<!tpu.dma_semaphore, #tpu.memory_space<semaphore_mem>>) src(%dma_wait3A_1307 : memref<10000x128xf32, #tpu.memory_space<hbm>>) dst(%arg7 : memref<80x128xf32, #tpu.memory_space<vmem>>)
    %dma_wait3A_1308 = arith.constant 8560 : i32
    %dma_wait3A_1309 = tpu.memref_slice %arg5[%dma_wait3A_1308] : memref<10240xi32, #tpu.memory_space<vmem>> -> memref<80xi32, #tpu.memory_space<vmem>>
    %dma_wait3A_1310 = arith.constant 0 : i32
    %dma_wait3A_1311 = arith.constant 0 : i32
    %dma_wait3A_1312 = tpu.memref_slice %arg3[%dma_wait3A_1310, %dma_wait3A_1311] : memref<10000x128xf32, #tpu.memory_space<hbm>> -> memref<10000x128xf32, #tpu.memory_space<hbm>>
    tpu.wait_indirect_dma semaphore(%arg9 : memref<!tpu.dma_semaphore, #tpu.memory_space<semaphore_mem>>) src(%dma_wait3A_1312 : memref<10000x128xf32, #tpu.memory_space<hbm>>) dst(%arg7 : memref<80x128xf32, #tpu.memory_space<vmem>>)
    %dma_wait3A_1313 = arith.constant 8880 : i32
    %dma_wait3A_1314 = tpu.memref_slice %arg5[%dma_wait3A_1313] : memref<10240xi32, #tpu.memory_space<vmem>> -> memref<80xi32, #tpu.memory_space<vmem>>
    %dma_wait3A_1315 = arith.constant 0 : i32
    %dma_wait3A_1316 = arith.constant 0 : i32
    %dma_wait3A_1317 = tpu.memref_slice %arg3[%dma_wait3A_1315, %dma_wait3A_1316] : memref<10000x128xf32, #tpu.memory_space<hbm>> -> memref<10000x128xf32, #tpu.memory_space<hbm>>
    tpu.wait_indirect_dma semaphore(%arg9 : memref<!tpu.dma_semaphore, #tpu.memory_space<semaphore_mem>>) src(%dma_wait3A_1317 : memref<10000x128xf32, #tpu.memory_space<hbm>>) dst(%arg7 : memref<80x128xf32, #tpu.memory_space<vmem>>)
    %dma_wait3A_1318 = arith.constant 9200 : i32
    %dma_wait3A_1319 = tpu.memref_slice %arg5[%dma_wait3A_1318] : memref<10240xi32, #tpu.memory_space<vmem>> -> memref<80xi32, #tpu.memory_space<vmem>>
    %dma_wait3A_1320 = arith.constant 0 : i32
    %dma_wait3A_1321 = arith.constant 0 : i32
    %dma_wait3A_1322 = tpu.memref_slice %arg3[%dma_wait3A_1320, %dma_wait3A_1321] : memref<10000x128xf32, #tpu.memory_space<hbm>> -> memref<10000x128xf32, #tpu.memory_space<hbm>>
    tpu.wait_indirect_dma semaphore(%arg9 : memref<!tpu.dma_semaphore, #tpu.memory_space<semaphore_mem>>) src(%dma_wait3A_1322 : memref<10000x128xf32, #tpu.memory_space<hbm>>) dst(%arg7 : memref<80x128xf32, #tpu.memory_space<vmem>>)
    %dma_wait3A_1323 = arith.constant 9520 : i32
    %dma_wait3A_1324 = tpu.memref_slice %arg5[%dma_wait3A_1323] : memref<10240xi32, #tpu.memory_space<vmem>> -> memref<80xi32, #tpu.memory_space<vmem>>
    %dma_wait3A_1325 = arith.constant 0 : i32
    %dma_wait3A_1326 = arith.constant 0 : i32
    %dma_wait3A_1327 = tpu.memref_slice %arg3[%dma_wait3A_1325, %dma_wait3A_1326] : memref<10000x128xf32, #tpu.memory_space<hbm>> -> memref<10000x128xf32, #tpu.memory_space<hbm>>
    tpu.wait_indirect_dma semaphore(%arg9 : memref<!tpu.dma_semaphore, #tpu.memory_space<semaphore_mem>>) src(%dma_wait3A_1327 : memref<10000x128xf32, #tpu.memory_space<hbm>>) dst(%arg7 : memref<80x128xf32, #tpu.memory_space<vmem>>)
    %dma_wait3A_1328 = arith.constant 9840 : i32
    %dma_wait3A_1329 = tpu.memref_slice %arg5[%dma_wait3A_1328] : memref<10240xi32, #tpu.memory_space<vmem>> -> memref<80xi32, #tpu.memory_space<vmem>>
    %dma_wait3A_1330 = arith.constant 0 : i32
    %dma_wait3A_1331 = arith.constant 0 : i32
    %dma_wait3A_1332 = tpu.memref_slice %arg3[%dma_wait3A_1330, %dma_wait3A_1331] : memref<10000x128xf32, #tpu.memory_space<hbm>> -> memref<10000x128xf32, #tpu.memory_space<hbm>>
    tpu.wait_indirect_dma semaphore(%arg9 : memref<!tpu.dma_semaphore, #tpu.memory_space<semaphore_mem>>) src(%dma_wait3A_1332 : memref<10000x128xf32, #tpu.memory_space<hbm>>) dst(%arg7 : memref<80x128xf32, #tpu.memory_space<vmem>>)
    %dma_wait3A_1333 = arith.constant 10160 : i32
    %dma_wait3A_1334 = tpu.memref_slice %arg5[%dma_wait3A_1333] : memref<10240xi32, #tpu.memory_space<vmem>> -> memref<80xi32, #tpu.memory_space<vmem>>
    %dma_wait3A_1335 = arith.constant 0 : i32
    %dma_wait3A_1336 = arith.constant 0 : i32
    %dma_wait3A_1337 = tpu.memref_slice %arg3[%dma_wait3A_1335, %dma_wait3A_1336] : memref<10000x128xf32, #tpu.memory_space<hbm>> -> memref<10000x128xf32, #tpu.memory_space<hbm>>
    tpu.wait_indirect_dma semaphore(%arg9 : memref<!tpu.dma_semaphore, #tpu.memory_space<semaphore_mem>>) src(%dma_wait3A_1337 : memref<10000x128xf32, #tpu.memory_space<hbm>>) dst(%arg7 : memref<80x128xf32, #tpu.memory_space<vmem>>)
    %add3A_1338 = arith.constant 240 : i32
    %add3A_1339 = arith.addi %mul3A_2, %add3A_1338 : i32
    %dma_start3A_1340 = arith.constant 0 : i32
    %dma_start3A_1341 = tpu.memref_slice %arg4[%add3A_1339, %dma_start3A_1340] : memref<10240x128xf32, #tpu.memory_space<hbm>> -> memref<80x128xf32, #tpu.memory_space<hbm>>
    %dma_start3A_1342 = arith.constant 0 : i32
    %dma_start3A_1343 = tpu.memref_slice %arg4[%add3A_1339, %dma_start3A_1342] : memref<10240x128xf32, #tpu.memory_space<hbm>> -> memref<80x128xf32, #tpu.memory_space<hbm>>
    tpu.enqueue_dma source(%arg7 : memref<80x128xf32, #tpu.memory_space<vmem>>) target(%dma_start3A_1343 : memref<80x128xf32, #tpu.memory_space<hbm>>) target_semaphore(%arg11 : memref<!tpu.dma_semaphore, #tpu.memory_space<semaphore_mem>>)
    %add3A_1344 = arith.constant 160 : i32
    %add3A_1345 = arith.addi %mul3A_2, %add3A_1344 : i32
    %dma_wait3A_1346 = arith.constant 0 : i32
    %dma_wait3A_1347 = tpu.memref_slice %arg4[%add3A_1345, %dma_wait3A_1346] : memref<10240x128xf32, #tpu.memory_space<hbm>> -> memref<80x128xf32, #tpu.memory_space<hbm>>
    %dma_wait3A_1348 = arith.constant 0 : i32
    %dma_wait3A_1349 = tpu.memref_slice %arg4[%add3A_1345, %dma_wait3A_1348] : memref<10240x128xf32, #tpu.memory_space<hbm>> -> memref<80x128xf32, #tpu.memory_space<hbm>>
    tpu.wait_dma2 semaphore(%arg10 : memref<!tpu.dma_semaphore, #tpu.memory_space<semaphore_mem>>) src(%arg6 : memref<80x128xf32, #tpu.memory_space<vmem>>) dst(%dma_wait3A_1349 : memref<80x128xf32, #tpu.memory_space<hbm>>)
    %add3A_1350 = arith.constant 240 : i32
    %add3A_1351 = arith.addi %mul3A_2, %add3A_1350 : i32
    %dma_wait3A_1352 = arith.constant 0 : i32
    %dma_wait3A_1353 = tpu.memref_slice %arg4[%add3A_1351, %dma_wait3A_1352] : memref<10240x128xf32, #tpu.memory_space<hbm>> -> memref<80x128xf32, #tpu.memory_space<hbm>>
    %dma_wait3A_1354 = arith.constant 0 : i32
    %dma_wait3A_1355 = tpu.memref_slice %arg4[%add3A_1351, %dma_wait3A_1354] : memref<10240x128xf32, #tpu.memory_space<hbm>> -> memref<80x128xf32, #tpu.memory_space<hbm>>
    tpu.wait_dma2 semaphore(%arg11 : memref<!tpu.dma_semaphore, #tpu.memory_space<semaphore_mem>>) src(%arg7 : memref<80x128xf32, #tpu.memory_space<vmem>>) dst(%dma_wait3A_1355 : memref<80x128xf32, #tpu.memory_space<hbm>>)
    return
  }
}

module attributes {stable_mosaic.version = 14 : i64} {
  func.func @body(%arg0: i32, %arg1: memref<2000x128xf32, #tpu.memory_space<vmem>>, %arg2: memref<128x128xf32, #tpu.memory_space<vmem>>, %arg3: memref<2000x128xf32, #tpu.memory_space<vmem>>) attributes {dimension_semantics = [#tpu.dimension_semantics<arbitrary>], iteration_bounds = array<i64: 5>, scalar_prefetch = 0 : i64, scratch_operands = 0 : i64, tpu.core_type = #tpu.core_type<tc>, window_params = [{transform_indices = @transform_0, window_bounds = array<i64: 2000, 128>}, {pipeline_mode = #tpu.pipeline_mode<synchronous>, transform_indices = @transform_1, window_bounds = array<i64: 128, 128>}, {transform_indices = @transform_2, window_bounds = array<i64: 2000, 128>}]} {
    %get3A = arith.constant 0 : index
    %get3A_0 = arith.constant 0 : index
    %get3A_1 = vector.load %arg1[%get3A, %get3A_0] : memref<2000x128xf32, #tpu.memory_space<vmem>>, vector<2000x128xf32>
    %get3A_2 = arith.constant 0 : index
    %get3A_3 = arith.constant 0 : index
    %get3A_4 = vector.load %arg2[%get3A_2, %get3A_3] : memref<128x128xf32, #tpu.memory_space<vmem>>, vector<128x128xf32>
    %dot_general3A = arith.constant dense<0.000000e+00> : vector<2000x128xf32>
    %dot_general3A_5 = tpu.matmul %get3A_1, %get3A_4, %dot_general3A {dimension_numbers = #tpu.dot_dimension_numbers<[1], [1], [0], [0], [0, 0, 1, 0], [], []>, transpose_lhs_hint = false} : vector<2000x128xf32>, vector<128x128xf32>, vector<2000x128xf32> -> vector<2000x128xf32>
    %max3A = arith.constant 0.000000e+00 : f32
    %max3A_6 = vector.broadcast %max3A : f32 to vector<2000x128xf32>
    %max3A_7 = arith.maximumf %dot_general3A_5, %max3A_6 : vector<2000x128xf32>
    %mul3A = arith.mulf %max3A_7, %max3A_7 : vector<2000x128xf32>
    %reduce_sum3A = arith.constant dense<0.000000e+00> : vector<2000xf32>
    %reduce_sum3A_8 = vector.multi_reduction <add>, %mul3A, %reduce_sum3A [1] : vector<2000x128xf32> to vector<2000xf32>
    %broadcast_in_dim3A = vector.shape_cast %reduce_sum3A_8 : vector<2000xf32> to vector<2000x1xf32>
    %sqrt3A = math.sqrt %broadcast_in_dim3A : vector<2000x1xf32>
    %max3A_9 = arith.constant 9.99999996E-13 : f32
    %max3A_10 = vector.broadcast %max3A_9 : f32 to vector<2000x1xf32>
    %max3A_11 = arith.maximumf %sqrt3A, %max3A_10 : vector<2000x1xf32>
    %div3A = vector.broadcast %max3A_11 : vector<2000x1xf32> to vector<2000x128xf32>
    %div3A_12 = arith.divf %max3A_7, %div3A : vector<2000x128xf32>
    %swap3A = arith.constant 0 : index
    %swap3A_13 = arith.constant 0 : index
    %swap3A_14 = vector.load %arg3[%swap3A, %swap3A_13] : memref<2000x128xf32, #tpu.memory_space<vmem>>, vector<2000x128xf32>
    tpu.vector_store %arg3[%swap3A, %swap3A_13], %div3A_12 {strides = array<i32>} : memref<2000x128xf32, #tpu.memory_space<vmem>>, vector<2000x128xf32>,
    return
  }
  func.func @transform_0(%arg0: i32) -> (i32, i32) {
    %c0_i32 = arith.constant 0 : i32
    %c0_i32_0 = arith.constant 0 : i32
    return %arg0, %c0_i32 : i32, i32
  }
  func.func @transform_1(%arg0: i32) -> (i32, i32) {
    %c0_i32 = arith.constant 0 : i32
    %c0_i32_0 = arith.constant 0 : i32
    %c0_i32_1 = arith.constant 0 : i32
    return %c0_i32, %c0_i32_0 : i32, i32
  }
  func.func @transform_2(%arg0: i32) -> (i32, i32) {
    %c0_i32 = arith.constant 0 : i32
    %c0_i32_0 = arith.constant 0 : i32
    return %arg0, %c0_i32 : i32, i32
  }
}

</mosaic_0001>

<sc_bundles>
// kernel: kernel.4.cloned.1.call-start
scs
__scs_entry_jumppad:
0x0: {  	(pc) =	sbr.rel $0x88, $3  }
0x1: {  	(tag) =	ssettag $0x0;
	lr =	simm.s32 $0x1  }
0x2: {  	[smem:$0x3F9E] =	sst lr;
	_ =	strace $0xD0000000  }
0x3: {  	_ = 	snop  }
0x4: {  	_ = 	snop  }
0x5: {  	_ = 	snop  }
0x6: {  	_ = 	snop  }
0x7: {  	_ = 	snop  }
__scs_overlays_trampoline_lowered:
0x8: {  	[smem:$0x3FAD] =	sst s0  }
0x9: {  	[smem:$0x3FAE] =	sst s1  }
0xa: {  	[smem:$0x3FAF] =	sst s2  }
0xb: {  	[smem:$0x3FB0] =	sst s3  }
0xc: {  	[smem:$0x3FB1] =	sst s4  }
0xd: {  	[smem:$0x3FB2] =	sst s5  }
0xe: {  	[smem:$0x3FB3] =	sst s6  }
0xf: {  	[smem:$0x3FB4] =	sst s7  }
0x10: {  	[smem:$0x3FB5] =	sst s8  }
0x11: {  	[smem:$0x3FB6] =	sst s9;
	s0 =	simm.s32 @!p0 $0x0  }
0x12: {  	s1 =	sld [smem:$0x3F9C];
	s0 =	simm.s32 @p0 $0x1  }
0x13: {  	[smem:$0x3FB7] =	sst s0;
	s0 =	simm.s32 @!p1 $0x0  }
0x14: {  	s2 =	sld [smem:$0x3F9B];
	s0 =	simm.s32 @p1 $0x1  }
0x15: {  	[smem:$0x3FB8] =	sst s0;
	s0 =	simm.s32 @!p2 $0x0  }
0x16: {  	s3 =	sld [smem:$0x3FDB];
	s0 =	simm.s32 @p2 $0x1  }
0x17: {  	s4 =	simm.s32 $0x1BF5;
	[smem:$0x3FBA] =	sst s0  }
0x18: {  	s0 =	sld [smem:$0x3F9D];
	_ =	swait.ge [sflag:s4], $0x0  }
0x19: {  	s7 =	sld [smem:$0x3F9E]  }
0x1a: {  	s8 =	sadd.s32 $0xFFFFE003, lr  }
0x1b: {  	s9 =	sadd.s32 $0xFFFFFEF7, lr;
	s5 =	simm.s32 $0xFFFFFFFF;
	p2 =	slt.u32 s8, $0xFFFFF086  }
0x1c: {  	p1 =	slt.u32 s9, $0xF7A;
	s5 =	simm.s32 @!p2 $0x0  }
0x1d: {  	s5 =	simm.s32 @p1 $0x1;
	p0 =	seq.s32 s7, s2  }
0x1e: {  	s7 =	smul.u32 @!p0 $0xF7A, s2;
	p2 =	seq.s32 @!p0 s5, $0x0  }
0x1f: {  	s9 =	smul.u32 $0xF7A, s1;
	s8 =	simm.s32 @!p0 $0x1BF5;
	p2 =	por !p2, p0  }
0x20: {  	[sflag:s8] =	ssyncset.s32 @!p0 $0xFFFFF086;
	s6 =	sadd.s32 @!p0 s3, s7;
	s7 =	simm.s32 @!p0 $0x108  }
0x21: {  	s3 =	sadd.s32 s3, s9;
	s6 =	sadd.s32 @!p0 $0x88, s6;
	s7 =	simm.s32 @p2 $0x1082  }
0x22: {  	[simem:s7], [sflag:s8] =	dma.local @!p0 [hbm:s6], $0xF7A  }
0x23: {  	s9 =	sor.u32 $0xD0000000, s2;
	s6 =	simm.s32 $0x108;
	_ =	swait.ge @!p0 [sflag:s8], $0x0  }
0x24: {  	s3 =	sadd.s32 $0x88, s3;
	s6 =	simm.s32 @!p1 $0x1082;
	[sflag:s4] =	ssyncset.s32 $0xFFFFF086  }
0x25: {  	[simem:s6], [sflag:s4] =	dma.local [hbm:s3], $0xF7A  }
0x26: {  	[smem:$0x3F9E] =	sst s1;
	(tag) =	ssettag s2;
	_ =	strace s9  }
0x27: {  	s1 =	sld [smem:$0x3FAE]  }
0x28: {  	s2 =	sld [smem:$0x3FAF]  }
0x29: {  	s4 =	sld [smem:$0x3FB1]  }
0x2a: {  	p0 =	seq.s32 s5, $0x0;
	s5 =	sld [smem:$0x3FB2]  }
0x2b: {  	s6 =	sld [smem:$0x3FB3]  }
0x2c: {  	s7 =	sld [smem:$0x3FB4]  }
0x2d: {  	s3 =	simm.s32 $0x108;
	s8 =	sld [smem:$0x3FB5]  }
0x2e: {  	s3 =	simm.s32 @!p0 $0x1082;
	s9 =	sld [smem:$0x3FB6]  }
0x2f: {  	lr =	sadd.s32 s0, s3;
	s0 =	sld [smem:$0x3FAD]  }
0x30: {  	s3 =	sld [smem:$0x3FB0]  }
0x31: {  	[smem:$0x3FB9] =	sst s10  }
0x32: {  	s10 =	sld [smem:$0x3FB7];
	_ =	sdelay $0x3  }
0x33: {  	p0 =	seq.s32 s10, $0x1;
	s10 =	sld [smem:$0x3FB9];
	_ =	sdelay $0x3  }
0x34: {  	[smem:$0x3FB9] =	sst s10  }
0x35: {  	s10 =	sld [smem:$0x3FB8];
	_ =	sdelay $0x3  }
0x36: {  	p1 =	seq.s32 s10, $0x1;
	s10 =	sld [smem:$0x3FB9];
	_ =	sdelay $0x3  }
0x37: {  	[smem:$0x3FB9] =	sst s10  }
0x38: {  	s10 =	sld [smem:$0x3FBA]  }
0x39: {  	_ = 	snop;
	(pc) =	sbr.ind lr, $3  }
0x3a: {  	_ = 	snop  }
0x3b: {  	_ = 	snop  }
0x3c: {  	p2 =	seq.s32 s10, $0x1;
	s10 =	sld [smem:$0x3FB9]  }
0x3d: {  	_ =	shalt  }
0x3e: {  	_ =	shalt  }
0x3f: {  	_ =	shalt  }
0x40: {  	_ =	shalt  }
0x41: {  	_ =	shalt  }
0x42: {  	_ =	shalt  }
0x43: {  	_ =	shalt  }
0x44: {  	_ =	shalt  }
0x45: {  	_ =	shalt  }
0x46: {  	_ =	shalt  }
0x47: {  	_ =	shalt  }
0x48: {  	_ =	shalt  }
0x49: {  	_ =	shalt  }
0x4a: {  	_ =	shalt  }
0x4b: {  	_ =	shalt  }
0x4c: {  	_ =	shalt  }
0x4d: {  	_ =	shalt  }
0x4e: {  	_ =	shalt  }
0x4f: {  	_ =	shalt  }
0x50: {  	_ =	shalt  }
0x51: {  	_ =	shalt  }
0x52: {  	_ =	shalt  }
0x53: {  	_ =	shalt  }
0x54: {  	_ =	shalt  }
0x55: {  	_ =	shalt  }
0x56: {  	_ =	shalt  }
0x57: {  	_ =	shalt  }
0x58: {  	_ =	shalt  }
0x59: {  	_ =	shalt  }
0x5a: {  	_ =	shalt  }
0x5b: {  	_ =	shalt  }
0x5c: {  	_ =	shalt  }
0x5d: {  	_ =	shalt  }
0x5e: {  	_ =	shalt  }
0x5f: {  	_ =	shalt  }
0x60: {  	_ =	shalt  }
0x61: {  	_ =	shalt  }
0x62: {  	_ =	shalt  }
0x63: {  	_ =	shalt  }
0x64: {  	_ =	shalt  }
0x65: {  	_ =	shalt  }
0x66: {  	_ =	shalt  }
0x67: {  	_ =	shalt  }
0x68: {  	_ =	shalt  }
0x69: {  	_ =	shalt  }
0x6a: {  	_ =	shalt  }
0x6b: {  	_ =	shalt  }
0x6c: {  	_ =	shalt  }
0x6d: {  	_ =	shalt  }
0x6e: {  	_ =	shalt  }
0x6f: {  	_ =	shalt  }
0x70: {  	_ =	shalt  }
0x71: {  	_ =	shalt  }
0x72: {  	_ =	shalt  }
0x73: {  	_ =	shalt  }
0x74: {  	_ =	shalt  }
0x75: {  	_ =	shalt  }
0x76: {  	_ =	shalt  }
0x77: {  	_ =	shalt  }
0x78: {  	_ =	shalt  }
0x79: {  	_ =	shalt  }
0x7a: {  	_ =	shalt  }
0x7b: {  	_ =	shalt  }
0x7c: {  	_ =	shalt  }
0x7d: {  	_ =	shalt  }
0x7e: {  	_ =	shalt  }
0x7f: {  	_ =	shalt  }
0x80: {  	_ =	shalt  }
0x81: {  	_ =	shalt  }
0x82: {  	_ =	shalt  }
0x83: {  	_ =	shalt  }
0x84: {  	_ =	shalt  }
0x85: {  	_ =	shalt  }
0x86: {  	_ =	shalt  }
0x87: {  	_ =	shalt  }
.Lfunc_end0:
.L_simem_size_0:
called_computation_lowered:
.L_overlay_start_0:
0x88: {  	s2 =	sld [smem:$0x3FD9]  }
0x89: {  	s3 =	sld [smem:$0x3FFE];
	_ =	sdelay $0x1  }
0x8a: {  	s1 =	srdreg.scid  }
0x8b: {  	s0 =	sand.u32 $0x1, s1  }
0x8c: {  	s17 =	sshll.u32 s0, $0xA;
	s2 =	sadd.s32 s3, s2  }
0x8d: {  	s2 =	sadd.s32 s2, s17  }
0x8e: {  	[smem:$0x3FC5] =	sst s2  }
0x8f: {  	_ = 	snop  }
0x90: {  	s2 =	sld [smem:$0x3FC8]  }
0x91: {  	s18 =	sld [smem:$0x3FD0];
	(tm) =	ssettm $0x1  }
0x92: {  	s4 =	sld [smem:$0x3FFB];
	_ =	sdelay $0x3  }
0x93: {  	_ =	strace s4  }
0x94: {  	s4 =	sld [smem:$0x3FFC];
	_ =	sdelay $0x3  }
0x95: {  	_ =	strace s4  }
0x96: {  	s4 =	sld [smem:$0x3FFD];
	_ =	sdelay $0x3  }
0x97: {  	_ =	strace s4  }
0x98: {  	_ =	strace $0x8FFFFFFF  }
0x99: {  	s19 =	sld [smem:$0x3FDB];
	_ =	sdelay $0x1  }
0x9a: {  	s5 =	simm.s32 $_scs_section_size  }
0x9b: {  	s6 =	simm.s32 $_size__tile_overlayer_lowered;
	s7 =	simm.s32 $_tile_overlayer_lowered  }
0x9c: {  	s22 =	simm.s32 $0x1BFF;
	s21 =	sshll.u32 s7, $0x1;
	s4 =	sadd.s32 s5, s19  }
0x9d: {  	s8 =	simm.s32 $0x0;
	s20 =	sshll.u32 s6, $0x1;
	s6 =	sadd.s32 s21, s4  }
0x9e: {  	[timem:s8], [sflag:s22] =	dma.local [hbm:s6], s20  }
0x9f: {  	_ =	swait.ge [sflag:s22], s20  }
0xa0: {  	s5 =	ssub.s32 $0x0, s20;
	[sflag:s22] =	ssyncset.done $0x0  }
0xa1: {  	[sflag:s22] =	ssyncadd.s32 s5;
	_ =	sdelay $0x1  }
0xa2: {  	s23 =	simm.s32 $0x1B8B  }
0xa3: {  	_ =	swait.ge [sflag:s23], $0x1  }
0xa4: {  	[sflag:s23] =	ssyncset.done $0x0  }
0xa5: {  	s25 =	simm.s32 $0x1B8E;
	s24 =	sld [smem:$0x3FFE];
	[sflag:s23] =	ssyncadd.s32 $0xFFFFFFFF  }
0xa6: {  	s26 =	simm.s32 $execute0_lowered;
	[smem:$0x3FD2] =	sst s25  }
0xa7: {  	s6 =	sshll.u32 s26, $0x1;
	_ =	strace $0x80000046;
	[dreg:$0x1] =	wrdreg $0xFFFFFFFF  }
0xa8: {  	s28 =	simm.s32 $_size_execute0_lowered;
	s4 =	sadd.s32 s4, s6;
	[dreg:$0x0] =	wrdreg $0x0  }
0xa9: {  	s6 =	sshll.u32 s28, $0x1;
	[dreg:$0x2] =	wrdreg s4  }
0xaa: {  	[dreg:$0x3] =	wrdreg s6  }
0xab: {  	[dreg:$0x4] =	wrdreg $0xC0  }
0xac: {  	_ =	task [dreg:s8], $0x5FFFF  }
0xad: {  	[dreg:$0x1] =	wrdreg $0xFFFFFFFF  }
0xae: {  	[dreg:$0x0] =	wrdreg $0x60  }
0xaf: {  	[dreg:$0x2] =	wrdreg s18  }
0xb0: {  	[dreg:$0x3] =	wrdreg s2  }
0xb1: {  	[dreg:$0x4] =	wrdreg s24  }
0xb2: {  	[dreg:$0x5] =	wrdreg $0x9  }
0xb3: {  	_ =	task.clear_ibuf [dreg:s8], $0x6FFFF;
	_ =	strace $0x90000046  }
0xb4: {  	s29 =	simm.s32 $0x9;
	_ =	strace $0x80000048  }
0xb5: {  	_ =	swait.ge [sflag:s29], $0x1  }
0xb6: {  	[sflag:s29] =	ssyncadd.s32 $0xFFFFFFFF  }
0xb7: {  	_ =	strace $0x90000048  }
0xb8: {  	_ =	sfence  }
0xb9: {  	s30 =	sld [smem:$0x0];
	_ =	sdelay $0x2  }
0xba: {  	s31 =	sshll.u32 s1, $0xD;
	s1 =	sshrl.u32 s1, $0x2  }
0xbb: {  	s3 =	sand.u32 $0x4000, s31;
	s1 =	sadd.s32 s1, s30  }
0xbc: {  	s0 =	sor.u32 s3, s0;
	s1 =	sshll.u32 s1, $0x11  }
0xbd: {  	s0 =	sor.u32 s1, s0  }
0xbe: {  	s0 =	sadd.s32 $0x8F2B, s0  }
0xbf: {  	[sflag:s0] =	ssyncadd.remote.s32 $0x1  }
0xc0: {  	_ =	sfence.sel $0xFFFF  }
0xc1: {  	[dreg:$0x0] =	wrdreg $0xFFFFFFFF;
	(pc) =	sbr.abs _section_cstart, $3  }
0xc2: {  	[dreg:$0x1] =	wrdreg $0xFFFFFFFF  }
0xc3: {  	_ =	task.clear_ibuf [dreg:s8], $0x2FFFF;
	_ =	strace $0x9FFFFFFF  }
0xc4: {  	(tm) =	ssettm $0x7FFFFFFF  }
0xc5: {  	_ =	shalt  }
tec
execute0_lowered:
.L_overlay_start_1:
0x0: {  	(tag) =	ssettag $0x1  }
0x1: {  	s0 =	rddreg [dreg:$0x0]  }
0x2: {  	s1 =	srdreg.scid;
	s2 =	rddreg [dreg:$0x1]  }
0x3: {  	s3 =	stileid.u32;
	s4 =	rddreg [dreg:$0x2]  }
0x4: {  	s10 =	simm.s32 $0x3;
	s11 =	simm.s32 $0x50;
	s12 =	simm.s32 $0x2800  }
0x5: {  	s24 =	simm.s32 $0x5000;
	s17 =	simm.s32 $0x1;
	s13 =	simm.s32 $0x2  }
0x6: {  	s14 =	simm.s32 $0x4;
	s19 =	simm.s32 $0x18B0;
	s20 =	simm.s32 $0x19F0  }
0x7: {  	s21 =	simm.s32 $0x1B30;
	s22 =	simm.s32 $0x1C70;
	s23 =	simm.s32 $0x1DB0  }
0x8: {  	s25 =	simm.s32 $0x1EF0;
	s28 =	simm.s32 $0x2170;
	s29 =	simm.s32 $0x22B0  }
0x9: {  	s30 =	simm.s32 $0x23F0;
	s1 =	sand.u32 $0x1, s1;
	s3 =	sshll.u32 s3, $0x1  }
0xa: {  	s31 =	simm.s32 $0x2530;
	s15 =	simm.s32 $0x0;
	s5 =	sor.u32 s1, s3  }
0xb: {  	s9 =	sadd.s32 $0x800, s4;
	s3 =	simm.s32 $0x0;
	s6 =	smul.u32 $0x500, s5  }
0xc: {  	s1 =	ssub.s32 $0x2, s1;
	[smem:$0x7FF] =	sst s3;
	s7 =	smul.u32 $0xA000, s5  }
0xd: {  	s8 =	sshrl.u32 s1, $0x1;
	s5 =	smul.u32 $0x1400, s5;
	_ =	strace $0x80000047  }
0xe: {  	s1 =	ssub.s32 s1, s8;
	s7 =	sshrl.u32 s7, $0x3;
	s4 =	sadd.s32 s0, s6  }
0xf: {  	s5 =	sadd.s32 s9, s5;
	s0 =	simm.s32 $0x27B0;
	s26 =	sadd.s32 s9, s7  }
0x10: {  	s9 =	smax.u32 s1, $0x1;
	s1 =	simm.s32 $0x2670;
	s6 =	sadd.s32 $0x500, s26  }
0x11: {  	v0 =	vimm.f32 $0.0e+00;
	s7 =	sadd.s32 $0xA00, s26;
	s8 =	sadd.s32 $0xF00, s26;
	s26 =	simm.s32 $0x2030  }
.LBB2_1:
0x12: {  	[tilespmem:s3], [sflag:$0x3] =	stream.linear.gather [hbm4b:s4+s3], $0x2800, $0x38;
	[tilespmem:$0x7800] =	vst v63  }
0x13: {  	s16 =	simm.s32 $0x70;
	s18 =	simm.s32 $0x3C0  }
.LBB2_2:
0x14: {  	p0 =	sne.s32 s18, $0x9FC0;
	[tilespmem:s16+$0x2800] =	vst v0  }
0x15: {  	[tilespmem:s16+$0x2790] =	vst v0  }
0x16: {  	[tilespmem:s16+$0x27A0] =	vst v0  }
.Ltmp0:
0x17: {  	[tilespmem:s16+$0x27B0] =	vst v0;
	(pc) =	sbr.rel @p0 .LBB2_2-.Ltmp0, $4  }
0x18: {  	[tilespmem:s16+$0x27C0] =	vst v0  }
0x19: {  	[tilespmem:s16+$0x27D0] =	vst v0  }
0x1a: {  	[tilespmem:s16+$0x27E0] =	vst v0  }
0x1b: {  	[tilespmem:s16+$0x27F0] =	vst v0;
	s16 =	sshra.s32 s18, $0x2;
	s18 =	sadd.s32 $0x200, s18  }
0x1c: {  	[tilespmem:s16+$0x2800] =	vst v0  }
0x1d: {  	[tilespmem:s16+$0x2790] =	vst v0  }
0x1e: {  	[tilespmem:s16+$0x27A0] =	vst v0  }
0x1f: {  	[tilespmem:s16+$0x27B0] =	vst v0  }
0x20: {  	[tilespmem:s16+$0x27C0] =	vst v0  }
0x21: {  	[tilespmem:s16+$0x27D0] =	vst v0  }
0x22: {  	[tilespmem:s16+$0x27E0] =	vst v0  }
0x23: {  	[tilespmem:s16+$0x27F0] =	vst v0;
	s16 =	simm.s32 $0x70;
	s18 =	simm.s32 $0x3C0  }
.LBB2_4:
0x24: {  	p0 =	sne.s32 s18, $0x9FC0;
	[tilespmem:s16+$0x5000] =	vst v0  }
0x25: {  	[tilespmem:s16+$0x4F90] =	vst v0  }
0x26: {  	[tilespmem:s16+$0x4FA0] =	vst v0  }
.Ltmp1:
0x27: {  	[tilespmem:s16+$0x4FB0] =	vst v0;
	(pc) =	sbr.rel @p0 .LBB2_4-.Ltmp1, $4  }
0x28: {  	[tilespmem:s16+$0x4FC0] =	vst v0  }
0x29: {  	[tilespmem:s16+$0x4FD0] =	vst v0  }
0x2a: {  	[tilespmem:s16+$0x4FE0] =	vst v0  }
0x2b: {  	[tilespmem:s16+$0x4FF0] =	vst v0;
	s16 =	sshra.s32 s18, $0x2;
	s18 =	sadd.s32 $0x200, s18  }
0x2c: {  	[tilespmem:s16+$0x5000] =	vst v0  }
0x2d: {  	[tilespmem:s16+$0x4F90] =	vst v0  }
0x2e: {  	[tilespmem:s16+$0x4FA0] =	vst v0  }
0x2f: {  	[tilespmem:s16+$0x4FB0] =	vst v0  }
0x30: {  	[tilespmem:s16+$0x4FC0] =	vst v0  }
0x31: {  	[tilespmem:s16+$0x4FD0] =	vst v0  }
0x32: {  	[tilespmem:s16+$0x4FE0] =	vst v0  }
0x33: {  	[tilespmem:s16+$0x4FF0] =	vst v0  }
0x34: {  	_ =	swait.ge [sflag:s10], $0x2800  }
0x35: {  	[sflag:s10] =	ssyncset.done $0x0  }
0x36: {  	[sflag:s10] =	ssyncadd.s32 $0xFFFFD800  }
0x37: {  	[tilespmem:s12], [sflag:$0x1] =	stream.indirect.gather.add.f32 [hbm:s2], $0x80, s3, s11, $0xb8;
	[tilespmem:$0x7800] =	vst v63  }
0x38: {  	s18 =	simm.s32 $0x140  }
0x39: {  	[tilespmem:s12], [sflag:$0x1] =	stream.indirect.gather.add.f32 [hbm:s2], $0x80, s18, s11, $0xb8;
	[tilespmem:$0x7800] =	vst v63  }
0x3a: {  	s18 =	simm.s32 $0x280  }
0x3b: {  	[tilespmem:s12], [sflag:$0x1] =	stream.indirect.gather.add.f32 [hbm:s2], $0x80, s18, s11, $0xb8;
	[tilespmem:$0x7800] =	vst v63  }
0x3c: {  	s18 =	simm.s32 $0x3C0  }
0x3d: {  	[tilespmem:s12], [sflag:$0x1] =	stream.indirect.gather.add.f32 [hbm:s2], $0x80, s18, s11, $0xb8;
	[tilespmem:$0x7800] =	vst v63  }
0x3e: {  	s18 =	simm.s32 $0x500  }
0x3f: {  	[tilespmem:s12], [sflag:$0x1] =	stream.indirect.gather.add.f32 [hbm:s2], $0x80, s18, s11, $0xb8;
	[tilespmem:$0x7800] =	vst v63  }
0x40: {  	s18 =	simm.s32 $0x640  }
0x41: {  	[tilespmem:s12], [sflag:$0x1] =	stream.indirect.gather.add.f32 [hbm:s2], $0x80, s18, s11, $0xb8;
	[tilespmem:$0x7800] =	vst v63  }
0x42: {  	s18 =	simm.s32 $0x780  }
0x43: {  	[tilespmem:s12], [sflag:$0x1] =	stream.indirect.gather.add.f32 [hbm:s2], $0x80, s18, s11, $0xb8;
	[tilespmem:$0x7800] =	vst v63  }
0x44: {  	s18 =	simm.s32 $0x8C0  }
0x45: {  	[tilespmem:s12], [sflag:$0x1] =	stream.indirect.gather.add.f32 [hbm:s2], $0x80, s18, s11, $0xb8;
	[tilespmem:$0x7800] =	vst v63  }
0x46: {  	s18 =	simm.s32 $0xA00  }
0x47: {  	[tilespmem:s12], [sflag:$0x1] =	stream.indirect.gather.add.f32 [hbm:s2], $0x80, s18, s11, $0xb8;
	[tilespmem:$0x7800] =	vst v63  }
0x48: {  	s18 =	simm.s32 $0xB40  }
0x49: {  	[tilespmem:s12], [sflag:$0x1] =	stream.indirect.gather.add.f32 [hbm:s2], $0x80, s18, s11, $0xb8;
	[tilespmem:$0x7800] =	vst v63  }
0x4a: {  	s18 =	simm.s32 $0xC80  }
0x4b: {  	[tilespmem:s12], [sflag:$0x1] =	stream.indirect.gather.add.f32 [hbm:s2], $0x80, s18, s11, $0xb8;
	[tilespmem:$0x7800] =	vst v63  }
0x4c: {  	s18 =	simm.s32 $0xDC0  }
0x4d: {  	[tilespmem:s12], [sflag:$0x1] =	stream.indirect.gather.add.f32 [hbm:s2], $0x80, s18, s11, $0xb8;
	[tilespmem:$0x7800] =	vst v63  }
0x4e: {  	s18 =	simm.s32 $0xF00  }
0x4f: {  	[tilespmem:s12], [sflag:$0x1] =	stream.indirect.gather.add.f32 [hbm:s2], $0x80, s18, s11, $0xb8;
	[tilespmem:$0x7800] =	vst v63  }
0x50: {  	s18 =	simm.s32 $0x1040  }
0x51: {  	[tilespmem:s12], [sflag:$0x1] =	stream.indirect.gather.add.f32 [hbm:s2], $0x80, s18, s11, $0xb8;
	[tilespmem:$0x7800] =	vst v63  }
0x52: {  	s18 =	simm.s32 $0x1180  }
0x53: {  	[tilespmem:s12], [sflag:$0x1] =	stream.indirect.gather.add.f32 [hbm:s2], $0x80, s18, s11, $0xb8;
	[tilespmem:$0x7800] =	vst v63  }
0x54: {  	s18 =	simm.s32 $0x12C0  }
0x55: {  	[tilespmem:s12], [sflag:$0x1] =	stream.indirect.gather.add.f32 [hbm:s2], $0x80, s18, s11, $0xb8;
	[tilespmem:$0x7800] =	vst v63  }
0x56: {  	s18 =	simm.s32 $0x1400  }
0x57: {  	[tilespmem:s12], [sflag:$0x1] =	stream.indirect.gather.add.f32 [hbm:s2], $0x80, s18, s11, $0xb8;
	[tilespmem:$0x7800] =	vst v63  }
0x58: {  	s18 =	simm.s32 $0x1540  }
0x59: {  	[tilespmem:s12], [sflag:$0x1] =	stream.indirect.gather.add.f32 [hbm:s2], $0x80, s18, s11, $0xb8;
	[tilespmem:$0x7800] =	vst v63  }
0x5a: {  	s18 =	simm.s32 $0x1680  }
0x5b: {  	[tilespmem:s12], [sflag:$0x1] =	stream.indirect.gather.add.f32 [hbm:s2], $0x80, s18, s11, $0xb8;
	[tilespmem:$0x7800] =	vst v63  }
0x5c: {  	s18 =	simm.s32 $0x17C0  }
0x5d: {  	[tilespmem:s12], [sflag:$0x1] =	stream.indirect.gather.add.f32 [hbm:s2], $0x80, s18, s11, $0xb8;
	[tilespmem:$0x7800] =	vst v63  }
0x5e: {  	s18 =	simm.s32 $0x1900  }
0x5f: {  	[tilespmem:s12], [sflag:$0x1] =	stream.indirect.gather.add.f32 [hbm:s2], $0x80, s18, s11, $0xb8;
	[tilespmem:$0x7800] =	vst v63  }
0x60: {  	s18 =	simm.s32 $0x1A40  }
0x61: {  	[tilespmem:s12], [sflag:$0x1] =	stream.indirect.gather.add.f32 [hbm:s2], $0x80, s18, s11, $0xb8;
	[tilespmem:$0x7800] =	vst v63  }
0x62: {  	s18 =	simm.s32 $0x1B80  }
0x63: {  	[tilespmem:s12], [sflag:$0x1] =	stream.indirect.gather.add.f32 [hbm:s2], $0x80, s18, s11, $0xb8;
	[tilespmem:$0x7800] =	vst v63  }
0x64: {  	s18 =	simm.s32 $0x1CC0  }
0x65: {  	[tilespmem:s12], [sflag:$0x1] =	stream.indirect.gather.add.f32 [hbm:s2], $0x80, s18, s11, $0xb8;
	[tilespmem:$0x7800] =	vst v63  }
0x66: {  	s18 =	simm.s32 $0x1E00  }
0x67: {  	[tilespmem:s12], [sflag:$0x1] =	stream.indirect.gather.add.f32 [hbm:s2], $0x80, s18, s11, $0xb8;
	[tilespmem:$0x7800] =	vst v63  }
0x68: {  	s18 =	simm.s32 $0x1F40  }
0x69: {  	[tilespmem:s12], [sflag:$0x1] =	stream.indirect.gather.add.f32 [hbm:s2], $0x80, s18, s11, $0xb8;
	[tilespmem:$0x7800] =	vst v63  }
0x6a: {  	s18 =	simm.s32 $0x2080  }
0x6b: {  	[tilespmem:s12], [sflag:$0x1] =	stream.indirect.gather.add.f32 [hbm:s2], $0x80, s18, s11, $0xb8;
	[tilespmem:$0x7800] =	vst v63  }
0x6c: {  	s18 =	simm.s32 $0x21C0  }
0x6d: {  	[tilespmem:s12], [sflag:$0x1] =	stream.indirect.gather.add.f32 [hbm:s2], $0x80, s18, s11, $0xb8;
	[tilespmem:$0x7800] =	vst v63  }
0x6e: {  	s18 =	simm.s32 $0x2300  }
0x6f: {  	[tilespmem:s12], [sflag:$0x1] =	stream.indirect.gather.add.f32 [hbm:s2], $0x80, s18, s11, $0xb8;
	[tilespmem:$0x7800] =	vst v63  }
0x70: {  	s18 =	simm.s32 $0x2440  }
0x71: {  	[tilespmem:s12], [sflag:$0x1] =	stream.indirect.gather.add.f32 [hbm:s2], $0x80, s18, s11, $0xb8;
	[tilespmem:$0x7800] =	vst v63  }
0x72: {  	s18 =	simm.s32 $0x2580  }
0x73: {  	[tilespmem:s12], [sflag:$0x1] =	stream.indirect.gather.add.f32 [hbm:s2], $0x80, s18, s11, $0xb8;
	[tilespmem:$0x7800] =	vst v63  }
0x74: {  	s18 =	simm.s32 $0x26C0  }
0x75: {  	[tilespmem:s12], [sflag:$0x1] =	stream.indirect.gather.add.f32 [hbm:s2], $0x80, s18, s11, $0xb8;
	[tilespmem:$0x7800] =	vst v63  }
0x76: {  	_ = 	snop  }
0x77: {  	[tilespmem:s24], [sflag:$0x2] =	stream.indirect.gather.add.f32 [hbm:s2], $0x80, s11, s11, $0xb8;
	[tilespmem:$0x7800] =	vst v63  }
0x78: {  	s18 =	simm.s32 $0x190  }
0x79: {  	[tilespmem:s24], [sflag:$0x2] =	stream.indirect.gather.add.f32 [hbm:s2], $0x80, s18, s11, $0xb8;
	[tilespmem:$0x7800] =	vst v63  }
0x7a: {  	s18 =	simm.s32 $0x2D0  }
0x7b: {  	[tilespmem:s24], [sflag:$0x2] =	stream.indirect.gather.add.f32 [hbm:s2], $0x80, s18, s11, $0xb8;
	[tilespmem:$0x7800] =	vst v63  }
0x7c: {  	s18 =	simm.s32 $0x410  }
0x7d: {  	[tilespmem:s24], [sflag:$0x2] =	stream.indirect.gather.add.f32 [hbm:s2], $0x80, s18, s11, $0xb8;
	[tilespmem:$0x7800] =	vst v63  }
0x7e: {  	s18 =	simm.s32 $0x550  }
0x7f: {  	[tilespmem:s24], [sflag:$0x2] =	stream.indirect.gather.add.f32 [hbm:s2], $0x80, s18, s11, $0xb8;
	[tilespmem:$0x7800] =	vst v63  }
0x80: {  	s18 =	simm.s32 $0x690  }
0x81: {  	[tilespmem:s24], [sflag:$0x2] =	stream.indirect.gather.add.f32 [hbm:s2], $0x80, s18, s11, $0xb8;
	[tilespmem:$0x7800] =	vst v63  }
0x82: {  	s18 =	simm.s32 $0x7D0  }
0x83: {  	[tilespmem:s24], [sflag:$0x2] =	stream.indirect.gather.add.f32 [hbm:s2], $0x80, s18, s11, $0xb8;
	[tilespmem:$0x7800] =	vst v63  }
0x84: {  	s18 =	simm.s32 $0x910  }
0x85: {  	[tilespmem:s24], [sflag:$0x2] =	stream.indirect.gather.add.f32 [hbm:s2], $0x80, s18, s11, $0xb8;
	[tilespmem:$0x7800] =	vst v63  }
0x86: {  	s18 =	simm.s32 $0xA50  }
0x87: {  	[tilespmem:s24], [sflag:$0x2] =	stream.indirect.gather.add.f32 [hbm:s2], $0x80, s18, s11, $0xb8;
	[tilespmem:$0x7800] =	vst v63  }
0x88: {  	s18 =	simm.s32 $0xB90  }
0x89: {  	[tilespmem:s24], [sflag:$0x2] =	stream.indirect.gather.add.f32 [hbm:s2], $0x80, s18, s11, $0xb8;
	[tilespmem:$0x7800] =	vst v63  }
0x8a: {  	s18 =	simm.s32 $0xCD0  }
0x8b: {  	[tilespmem:s24], [sflag:$0x2] =	stream.indirect.gather.add.f32 [hbm:s2], $0x80, s18, s11, $0xb8;
	[tilespmem:$0x7800] =	vst v63  }
0x8c: {  	s18 =	simm.s32 $0xE10  }
0x8d: {  	[tilespmem:s24], [sflag:$0x2] =	stream.indirect.gather.add.f32 [hbm:s2], $0x80, s18, s11, $0xb8;
	[tilespmem:$0x7800] =	vst v63  }
0x8e: {  	s18 =	simm.s32 $0xF50  }
0x8f: {  	[tilespmem:s24], [sflag:$0x2] =	stream.indirect.gather.add.f32 [hbm:s2], $0x80, s18, s11, $0xb8;
	[tilespmem:$0x7800] =	vst v63  }
0x90: {  	s18 =	simm.s32 $0x1090  }
0x91: {  	[tilespmem:s24], [sflag:$0x2] =	stream.indirect.gather.add.f32 [hbm:s2], $0x80, s18, s11, $0xb8;
	[tilespmem:$0x7800] =	vst v63  }
0x92: {  	s18 =	simm.s32 $0x11D0  }
0x93: {  	[tilespmem:s24], [sflag:$0x2] =	stream.indirect.gather.add.f32 [hbm:s2], $0x80, s18, s11, $0xb8;
	[tilespmem:$0x7800] =	vst v63  }
0x94: {  	s18 =	simm.s32 $0x1310  }
0x95: {  	[tilespmem:s24], [sflag:$0x2] =	stream.indirect.gather.add.f32 [hbm:s2], $0x80, s18, s11, $0xb8;
	[tilespmem:$0x7800] =	vst v63  }
0x96: {  	s18 =	simm.s32 $0x1450  }
0x97: {  	[tilespmem:s24], [sflag:$0x2] =	stream.indirect.gather.add.f32 [hbm:s2], $0x80, s18, s11, $0xb8;
	[tilespmem:$0x7800] =	vst v63  }
0x98: {  	s18 =	simm.s32 $0x1590  }
0x99: {  	[tilespmem:s24], [sflag:$0x2] =	stream.indirect.gather.add.f32 [hbm:s2], $0x80, s18, s11, $0xb8;
	[tilespmem:$0x7800] =	vst v63  }
0x9a: {  	s18 =	simm.s32 $0x16D0  }
0x9b: {  	[tilespmem:s24], [sflag:$0x2] =	stream.indirect.gather.add.f32 [hbm:s2], $0x80, s18, s11, $0xb8;
	[tilespmem:$0x7800] =	vst v63  }
0x9c: {  	s18 =	simm.s32 $0x1810  }
0x9d: {  	[tilespmem:s24], [sflag:$0x2] =	stream.indirect.gather.add.f32 [hbm:s2], $0x80, s18, s11, $0xb8;
	[tilespmem:$0x7800] =	vst v63  }
0x9e: {  	s18 =	simm.s32 $0x1950  }
0x9f: {  	[tilespmem:s24], [sflag:$0x2] =	stream.indirect.gather.add.f32 [hbm:s2], $0x80, s18, s11, $0xb8;
	[tilespmem:$0x7800] =	vst v63  }
0xa0: {  	s18 =	simm.s32 $0x1A90  }
0xa1: {  	[tilespmem:s24], [sflag:$0x2] =	stream.indirect.gather.add.f32 [hbm:s2], $0x80, s18, s11, $0xb8;
	[tilespmem:$0x7800] =	vst v63  }
0xa2: {  	s18 =	simm.s32 $0x1BD0  }
0xa3: {  	[tilespmem:s24], [sflag:$0x2] =	stream.indirect.gather.add.f32 [hbm:s2], $0x80, s18, s11, $0xb8;
	[tilespmem:$0x7800] =	vst v63  }
0xa4: {  	s18 =	simm.s32 $0x1D10  }
0xa5: {  	[tilespmem:s24], [sflag:$0x2] =	stream.indirect.gather.add.f32 [hbm:s2], $0x80, s18, s11, $0xb8;
	[tilespmem:$0x7800] =	vst v63  }
0xa6: {  	s18 =	simm.s32 $0x1E50  }
0xa7: {  	[tilespmem:s24], [sflag:$0x2] =	stream.indirect.gather.add.f32 [hbm:s2], $0x80, s18, s11, $0xb8;
	[tilespmem:$0x7800] =	vst v63  }
0xa8: {  	s18 =	simm.s32 $0x1F90  }
0xa9: {  	[tilespmem:s24], [sflag:$0x2] =	stream.indirect.gather.add.f32 [hbm:s2], $0x80, s18, s11, $0xb8;
	[tilespmem:$0x7800] =	vst v63  }
0xaa: {  	s18 =	simm.s32 $0x20D0  }
0xab: {  	[tilespmem:s24], [sflag:$0x2] =	stream.indirect.gather.add.f32 [hbm:s2], $0x80, s18, s11, $0xb8;
	[tilespmem:$0x7800] =	vst v63  }
0xac: {  	s18 =	simm.s32 $0x2210  }
0xad: {  	[tilespmem:s24], [sflag:$0x2] =	stream.indirect.gather.add.f32 [hbm:s2], $0x80, s18, s11, $0xb8;
	[tilespmem:$0x7800] =	vst v63  }
0xae: {  	s18 =	simm.s32 $0x2350  }
0xaf: {  	[tilespmem:s24], [sflag:$0x2] =	stream.indirect.gather.add.f32 [hbm:s2], $0x80, s18, s11, $0xb8;
	[tilespmem:$0x7800] =	vst v63  }
0xb0: {  	s18 =	simm.s32 $0x2490  }
0xb1: {  	[tilespmem:s24], [sflag:$0x2] =	stream.indirect.gather.add.f32 [hbm:s2], $0x80, s18, s11, $0xb8;
	[tilespmem:$0x7800] =	vst v63  }
0xb2: {  	s18 =	simm.s32 $0x25D0  }
0xb3: {  	[tilespmem:s24], [sflag:$0x2] =	stream.indirect.gather.add.f32 [hbm:s2], $0x80, s18, s11, $0xb8;
	[tilespmem:$0x7800] =	vst v63  }
0xb4: {  	s18 =	simm.s32 $0x2710  }
0xb5: {  	[tilespmem:s24], [sflag:$0x2] =	stream.indirect.gather.add.f32 [hbm:s2], $0x80, s18, s11, $0xb8;
	[tilespmem:$0x7800] =	vst v63  }
0xb6: {  	_ =	swait.ge [sflag:s17], $0x2800  }
0xb7: {  	[sflag:s17] =	ssyncset.done $0x0  }
0xb8: {  	[sflag:s17] =	ssyncadd.s32 $0xFFFFD800  }
0xb9: {  	_ =	swait.ge [sflag:s17], $0x2800  }
0xba: {  	[sflag:s17] =	ssyncset.done $0x0  }
0xbb: {  	[sflag:s17] =	ssyncadd.s32 $0xFFFFD800  }
0xbc: {  	_ =	swait.ge [sflag:s17], $0x2800  }
0xbd: {  	[sflag:s17] =	ssyncset.done $0x0  }
0xbe: {  	[sflag:s17] =	ssyncadd.s32 $0xFFFFD800  }
0xbf: {  	_ =	swait.ge [sflag:s17], $0x2800  }
0xc0: {  	[sflag:s17] =	ssyncset.done $0x0  }
0xc1: {  	[sflag:s17] =	ssyncadd.s32 $0xFFFFD800  }
0xc2: {  	_ =	swait.ge [sflag:s17], $0x2800  }
0xc3: {  	[sflag:s17] =	ssyncset.done $0x0  }
0xc4: {  	[sflag:s17] =	ssyncadd.s32 $0xFFFFD800  }
0xc5: {  	_ =	swait.ge [sflag:s17], $0x2800  }
0xc6: {  	[sflag:s17] =	ssyncset.done $0x0  }
0xc7: {  	[sflag:s17] =	ssyncadd.s32 $0xFFFFD800  }
0xc8: {  	_ =	swait.ge [sflag:s17], $0x2800  }
0xc9: {  	[sflag:s17] =	ssyncset.done $0x0  }
0xca: {  	[sflag:s17] =	ssyncadd.s32 $0xFFFFD800  }
0xcb: {  	_ =	swait.ge [sflag:s17], $0x2800  }
0xcc: {  	[sflag:s17] =	ssyncset.done $0x0  }
0xcd: {  	[sflag:s17] =	ssyncadd.s32 $0xFFFFD800  }
0xce: {  	_ =	swait.ge [sflag:s17], $0x2800  }
0xcf: {  	[sflag:s17] =	ssyncset.done $0x0  }
0xd0: {  	[sflag:s17] =	ssyncadd.s32 $0xFFFFD800  }
0xd1: {  	_ =	swait.ge [sflag:s17], $0x2800  }
0xd2: {  	[sflag:s17] =	ssyncset.done $0x0  }
0xd3: {  	[sflag:s17] =	ssyncadd.s32 $0xFFFFD800  }
0xd4: {  	_ =	swait.ge [sflag:s17], $0x2800  }
0xd5: {  	[sflag:s17] =	ssyncset.done $0x0  }
0xd6: {  	[sflag:s17] =	ssyncadd.s32 $0xFFFFD800  }
0xd7: {  	_ =	swait.ge [sflag:s17], $0x2800  }
0xd8: {  	[sflag:s17] =	ssyncset.done $0x0  }
0xd9: {  	[sflag:s17] =	ssyncadd.s32 $0xFFFFD800  }
0xda: {  	_ =	swait.ge [sflag:s17], $0x2800  }
0xdb: {  	[sflag:s17] =	ssyncset.done $0x0  }
0xdc: {  	[sflag:s17] =	ssyncadd.s32 $0xFFFFD800  }
0xdd: {  	_ =	swait.ge [sflag:s17], $0x2800  }
0xde: {  	[sflag:s17] =	ssyncset.done $0x0  }
0xdf: {  	[sflag:s17] =	ssyncadd.s32 $0xFFFFD800  }
0xe0: {  	_ =	swait.ge [sflag:s17], $0x2800  }
0xe1: {  	[sflag:s17] =	ssyncset.done $0x0  }
0xe2: {  	[sflag:s17] =	ssyncadd.s32 $0xFFFFD800  }
0xe3: {  	_ =	swait.ge [sflag:s17], $0x2800  }
0xe4: {  	[sflag:s17] =	ssyncset.done $0x0  }
0xe5: {  	[sflag:s17] =	ssyncadd.s32 $0xFFFFD800  }
0xe6: {  	_ =	swait.ge [sflag:s17], $0x2800  }
0xe7: {  	[sflag:s17] =	ssyncset.done $0x0  }
0xe8: {  	[sflag:s17] =	ssyncadd.s32 $0xFFFFD800  }
0xe9: {  	_ =	swait.ge [sflag:s17], $0x2800  }
0xea: {  	[sflag:s17] =	ssyncset.done $0x0  }
0xeb: {  	[sflag:s17] =	ssyncadd.s32 $0xFFFFD800  }
0xec: {  	_ =	swait.ge [sflag:s17], $0x2800  }
0xed: {  	[sflag:s17] =	ssyncset.done $0x0  }
0xee: {  	[sflag:s17] =	ssyncadd.s32 $0xFFFFD800  }
0xef: {  	_ =	swait.ge [sflag:s17], $0x2800  }
0xf0: {  	[sflag:s17] =	ssyncset.done $0x0  }
0xf1: {  	[sflag:s17] =	ssyncadd.s32 $0xFFFFD800  }
0xf2: {  	_ =	swait.ge [sflag:s17], $0x2800  }
0xf3: {  	[sflag:s17] =	ssyncset.done $0x0  }
0xf4: {  	[sflag:s17] =	ssyncadd.s32 $0xFFFFD800  }
0xf5: {  	_ =	swait.ge [sflag:s17], $0x2800  }
0xf6: {  	[sflag:s17] =	ssyncset.done $0x0  }
0xf7: {  	[sflag:s17] =	ssyncadd.s32 $0xFFFFD800  }
0xf8: {  	_ =	swait.ge [sflag:s17], $0x2800  }
0xf9: {  	[sflag:s17] =	ssyncset.done $0x0  }
0xfa: {  	[sflag:s17] =	ssyncadd.s32 $0xFFFFD800  }
0xfb: {  	_ =	swait.ge [sflag:s17], $0x2800  }
0xfc: {  	[sflag:s17] =	ssyncset.done $0x0  }
0xfd: {  	[sflag:s17] =	ssyncadd.s32 $0xFFFFD800  }
0xfe: {  	_ =	swait.ge [sflag:s17], $0x2800  }
0xff: {  	[sflag:s17] =	ssyncset.done $0x0  }
0x100: {  	[sflag:s17] =	ssyncadd.s32 $0xFFFFD800  }
0x101: {  	_ =	swait.ge [sflag:s17], $0x2800  }
0x102: {  	[sflag:s17] =	ssyncset.done $0x0  }
0x103: {  	[sflag:s17] =	ssyncadd.s32 $0xFFFFD800  }
0x104: {  	_ =	swait.ge [sflag:s17], $0x2800  }
0x105: {  	[sflag:s17] =	ssyncset.done $0x0  }
0x106: {  	[sflag:s17] =	ssyncadd.s32 $0xFFFFD800  }
0x107: {  	_ =	swait.ge [sflag:s17], $0x2800  }
0x108: {  	[sflag:s17] =	ssyncset.done $0x0  }
0x109: {  	[sflag:s17] =	ssyncadd.s32 $0xFFFFD800  }
0x10a: {  	_ =	swait.ge [sflag:s17], $0x2800  }
0x10b: {  	[sflag:s17] =	ssyncset.done $0x0  }
0x10c: {  	[sflag:s17] =	ssyncadd.s32 $0xFFFFD800  }
0x10d: {  	_ =	swait.ge [sflag:s17], $0x2800  }
0x10e: {  	[sflag:s17] =	ssyncset.done $0x0  }
0x10f: {  	[sflag:s17] =	ssyncadd.s32 $0xFFFFD800  }
0x110: {  	_ =	swait.ge [sflag:s17], $0x2800  }
0x111: {  	[sflag:s17] =	ssyncset.done $0x0  }
0x112: {  	[sflag:s17] =	ssyncadd.s32 $0xFFFFD800  }
0x113: {  	_ =	swait.ge [sflag:s17], $0x2800  }
0x114: {  	[sflag:s17] =	ssyncset.done $0x0  }
0x115: {  	[sflag:s17] =	ssyncadd.s32 $0xFFFFD800  }
0x116: {  	[hbm4b:s5+s3] =	stream.linear.scatter [tilespmem:s12], [sflag:$0x3], $0x2800, $0x38;
	[tilespmem:$0x7800] =	vst v63  }
0x117: {  	_ =	swait.ge [sflag:s10], $0x2800  }
0x118: {  	[sflag:s10] =	ssyncset.done $0x0  }
0x119: {  	s16 =	simm.s32 $0x70;
	s18 =	simm.s32 $0x3C0;
	[sflag:s10] =	ssyncadd.s32 $0xFFFFD800  }
.LBB2_6:
0x11a: {  	p0 =	sne.s32 s18, $0x9FC0;
	[tilespmem:s16+$0x2800] =	vst v0  }
0x11b: {  	[tilespmem:s16+$0x2790] =	vst v0  }
0x11c: {  	[tilespmem:s16+$0x27A0] =	vst v0  }
.Ltmp2:
0x11d: {  	[tilespmem:s16+$0x27B0] =	vst v0;
	(pc) =	sbr.rel @p0 .LBB2_6-.Ltmp2, $4  }
0x11e: {  	[tilespmem:s16+$0x27C0] =	vst v0  }
0x11f: {  	[tilespmem:s16+$0x27D0] =	vst v0  }
0x120: {  	[tilespmem:s16+$0x27E0] =	vst v0  }
0x121: {  	[tilespmem:s16+$0x27F0] =	vst v0;
	s16 =	sshra.s32 s18, $0x2;
	s18 =	sadd.s32 $0x200, s18  }
0x122: {  	[tilespmem:s16+$0x2800] =	vst v0  }
0x123: {  	[tilespmem:s16+$0x2790] =	vst v0  }
0x124: {  	[tilespmem:s16+$0x27A0] =	vst v0  }
0x125: {  	[tilespmem:s16+$0x27B0] =	vst v0  }
0x126: {  	[tilespmem:s16+$0x27C0] =	vst v0  }
0x127: {  	[tilespmem:s16+$0x27D0] =	vst v0  }
0x128: {  	[tilespmem:s16+$0x27E0] =	vst v0  }
0x129: {  	[tilespmem:s16+$0x27F0] =	vst v0;
	s18 =	simm.s32 $0xA0  }
0x12a: {  	[tilespmem:s12], [sflag:$0x1] =	stream.indirect.gather.add.f32 [hbm:s2], $0x80, s18, s11, $0xb8;
	[tilespmem:$0x7800] =	vst v63  }
0x12b: {  	s18 =	simm.s32 $0x1E0  }
0x12c: {  	[tilespmem:s12], [sflag:$0x1] =	stream.indirect.gather.add.f32 [hbm:s2], $0x80, s18, s11, $0xb8;
	[tilespmem:$0x7800] =	vst v63  }
0x12d: {  	s18 =	simm.s32 $0x320  }
0x12e: {  	[tilespmem:s12], [sflag:$0x1] =	stream.indirect.gather.add.f32 [hbm:s2], $0x80, s18, s11, $0xb8;
	[tilespmem:$0x7800] =	vst v63  }
0x12f: {  	s18 =	simm.s32 $0x460  }
0x130: {  	[tilespmem:s12], [sflag:$0x1] =	stream.indirect.gather.add.f32 [hbm:s2], $0x80, s18, s11, $0xb8;
	[tilespmem:$0x7800] =	vst v63  }
0x131: {  	s18 =	simm.s32 $0x5A0  }
0x132: {  	[tilespmem:s12], [sflag:$0x1] =	stream.indirect.gather.add.f32 [hbm:s2], $0x80, s18, s11, $0xb8;
	[tilespmem:$0x7800] =	vst v63  }
0x133: {  	s18 =	simm.s32 $0x6E0  }
0x134: {  	[tilespmem:s12], [sflag:$0x1] =	stream.indirect.gather.add.f32 [hbm:s2], $0x80, s18, s11, $0xb8;
	[tilespmem:$0x7800] =	vst v63  }
0x135: {  	s18 =	simm.s32 $0x820  }
0x136: {  	[tilespmem:s12], [sflag:$0x1] =	stream.indirect.gather.add.f32 [hbm:s2], $0x80, s18, s11, $0xb8;
	[tilespmem:$0x7800] =	vst v63  }
0x137: {  	s18 =	simm.s32 $0x960  }
0x138: {  	[tilespmem:s12], [sflag:$0x1] =	stream.indirect.gather.add.f32 [hbm:s2], $0x80, s18, s11, $0xb8;
	[tilespmem:$0x7800] =	vst v63  }
0x139: {  	s18 =	simm.s32 $0xAA0  }
0x13a: {  	[tilespmem:s12], [sflag:$0x1] =	stream.indirect.gather.add.f32 [hbm:s2], $0x80, s18, s11, $0xb8;
	[tilespmem:$0x7800] =	vst v63  }
0x13b: {  	s18 =	simm.s32 $0xBE0  }
0x13c: {  	[tilespmem:s12], [sflag:$0x1] =	stream.indirect.gather.add.f32 [hbm:s2], $0x80, s18, s11, $0xb8;
	[tilespmem:$0x7800] =	vst v63  }
0x13d: {  	s18 =	simm.s32 $0xD20  }
0x13e: {  	[tilespmem:s12], [sflag:$0x1] =	stream.indirect.gather.add.f32 [hbm:s2], $0x80, s18, s11, $0xb8;
	[tilespmem:$0x7800] =	vst v63  }
0x13f: {  	s18 =	simm.s32 $0xE60  }
0x140: {  	[tilespmem:s12], [sflag:$0x1] =	stream.indirect.gather.add.f32 [hbm:s2], $0x80, s18, s11, $0xb8;
	[tilespmem:$0x7800] =	vst v63  }
0x141: {  	s18 =	simm.s32 $0xFA0  }
0x142: {  	[tilespmem:s12], [sflag:$0x1] =	stream.indirect.gather.add.f32 [hbm:s2], $0x80, s18, s11, $0xb8;
	[tilespmem:$0x7800] =	vst v63  }
0x143: {  	s18 =	simm.s32 $0x10E0  }
0x144: {  	[tilespmem:s12], [sflag:$0x1] =	stream.indirect.gather.add.f32 [hbm:s2], $0x80, s18, s11, $0xb8;
	[tilespmem:$0x7800] =	vst v63  }
0x145: {  	s18 =	simm.s32 $0x1220  }
0x146: {  	[tilespmem:s12], [sflag:$0x1] =	stream.indirect.gather.add.f32 [hbm:s2], $0x80, s18, s11, $0xb8;
	[tilespmem:$0x7800] =	vst v63  }
0x147: {  	s18 =	simm.s32 $0x1360  }
0x148: {  	[tilespmem:s12], [sflag:$0x1] =	stream.indirect.gather.add.f32 [hbm:s2], $0x80, s18, s11, $0xb8;
	[tilespmem:$0x7800] =	vst v63  }
0x149: {  	s18 =	simm.s32 $0x14A0  }
0x14a: {  	[tilespmem:s12], [sflag:$0x1] =	stream.indirect.gather.add.f32 [hbm:s2], $0x80, s18, s11, $0xb8;
	[tilespmem:$0x7800] =	vst v63  }
0x14b: {  	s18 =	simm.s32 $0x15E0  }
0x14c: {  	[tilespmem:s12], [sflag:$0x1] =	stream.indirect.gather.add.f32 [hbm:s2], $0x80, s18, s11, $0xb8;
	[tilespmem:$0x7800] =	vst v63  }
0x14d: {  	s18 =	simm.s32 $0x1720  }
0x14e: {  	[tilespmem:s12], [sflag:$0x1] =	stream.indirect.gather.add.f32 [hbm:s2], $0x80, s18, s11, $0xb8;
	[tilespmem:$0x7800] =	vst v63  }
0x14f: {  	s18 =	simm.s32 $0x1860  }
0x150: {  	[tilespmem:s12], [sflag:$0x1] =	stream.indirect.gather.add.f32 [hbm:s2], $0x80, s18, s11, $0xb8;
	[tilespmem:$0x7800] =	vst v63  }
0x151: {  	s18 =	simm.s32 $0x19A0  }
0x152: {  	[tilespmem:s12], [sflag:$0x1] =	stream.indirect.gather.add.f32 [hbm:s2], $0x80, s18, s11, $0xb8;
	[tilespmem:$0x7800] =	vst v63  }
0x153: {  	s18 =	simm.s32 $0x1AE0  }
0x154: {  	[tilespmem:s12], [sflag:$0x1] =	stream.indirect.gather.add.f32 [hbm:s2], $0x80, s18, s11, $0xb8;
	[tilespmem:$0x7800] =	vst v63  }
0x155: {  	s18 =	simm.s32 $0x1C20  }
0x156: {  	[tilespmem:s12], [sflag:$0x1] =	stream.indirect.gather.add.f32 [hbm:s2], $0x80, s18, s11, $0xb8;
	[tilespmem:$0x7800] =	vst v63  }
0x157: {  	s18 =	simm.s32 $0x1D60  }
0x158: {  	[tilespmem:s12], [sflag:$0x1] =	stream.indirect.gather.add.f32 [hbm:s2], $0x80, s18, s11, $0xb8;
	[tilespmem:$0x7800] =	vst v63  }
0x159: {  	s18 =	simm.s32 $0x1EA0  }
0x15a: {  	[tilespmem:s12], [sflag:$0x1] =	stream.indirect.gather.add.f32 [hbm:s2], $0x80, s18, s11, $0xb8;
	[tilespmem:$0x7800] =	vst v63  }
0x15b: {  	s18 =	simm.s32 $0x1FE0  }
0x15c: {  	[tilespmem:s12], [sflag:$0x1] =	stream.indirect.gather.add.f32 [hbm:s2], $0x80, s18, s11, $0xb8;
	[tilespmem:$0x7800] =	vst v63  }
0x15d: {  	s18 =	simm.s32 $0x2120  }
0x15e: {  	[tilespmem:s12], [sflag:$0x1] =	stream.indirect.gather.add.f32 [hbm:s2], $0x80, s18, s11, $0xb8;
	[tilespmem:$0x7800] =	vst v63  }
0x15f: {  	s18 =	simm.s32 $0x2260  }
0x160: {  	[tilespmem:s12], [sflag:$0x1] =	stream.indirect.gather.add.f32 [hbm:s2], $0x80, s18, s11, $0xb8;
	[tilespmem:$0x7800] =	vst v63  }
0x161: {  	s18 =	simm.s32 $0x23A0  }
0x162: {  	[tilespmem:s12], [sflag:$0x1] =	stream.indirect.gather.add.f32 [hbm:s2], $0x80, s18, s11, $0xb8;
	[tilespmem:$0x7800] =	vst v63  }
0x163: {  	s18 =	simm.s32 $0x24E0  }
0x164: {  	[tilespmem:s12], [sflag:$0x1] =	stream.indirect.gather.add.f32 [hbm:s2], $0x80, s18, s11, $0xb8;
	[tilespmem:$0x7800] =	vst v63  }
0x165: {  	s18 =	simm.s32 $0x2620  }
0x166: {  	[tilespmem:s12], [sflag:$0x1] =	stream.indirect.gather.add.f32 [hbm:s2], $0x80, s18, s11, $0xb8;
	[tilespmem:$0x7800] =	vst v63  }
0x167: {  	s18 =	simm.s32 $0x2760  }
0x168: {  	[tilespmem:s12], [sflag:$0x1] =	stream.indirect.gather.add.f32 [hbm:s2], $0x80, s18, s11, $0xb8;
	[tilespmem:$0x7800] =	vst v63  }
0x169: {  	_ =	swait.ge [sflag:s13], $0x2800  }
0x16a: {  	[sflag:s13] =	ssyncset.done $0x0  }
0x16b: {  	[sflag:s13] =	ssyncadd.s32 $0xFFFFD800  }
0x16c: {  	_ =	swait.ge [sflag:s13], $0x2800  }
0x16d: {  	[sflag:s13] =	ssyncset.done $0x0  }
0x16e: {  	[sflag:s13] =	ssyncadd.s32 $0xFFFFD800  }
0x16f: {  	_ =	swait.ge [sflag:s13], $0x2800  }
0x170: {  	[sflag:s13] =	ssyncset.done $0x0  }
0x171: {  	[sflag:s13] =	ssyncadd.s32 $0xFFFFD800  }
0x172: {  	_ =	swait.ge [sflag:s13], $0x2800  }
0x173: {  	[sflag:s13] =	ssyncset.done $0x0  }
0x174: {  	[sflag:s13] =	ssyncadd.s32 $0xFFFFD800  }
0x175: {  	_ =	swait.ge [sflag:s13], $0x2800  }
0x176: {  	[sflag:s13] =	ssyncset.done $0x0  }
0x177: {  	[sflag:s13] =	ssyncadd.s32 $0xFFFFD800  }
0x178: {  	_ =	swait.ge [sflag:s13], $0x2800  }
0x179: {  	[sflag:s13] =	ssyncset.done $0x0  }
0x17a: {  	[sflag:s13] =	ssyncadd.s32 $0xFFFFD800  }
0x17b: {  	_ =	swait.ge [sflag:s13], $0x2800  }
0x17c: {  	[sflag:s13] =	ssyncset.done $0x0  }
0x17d: {  	[sflag:s13] =	ssyncadd.s32 $0xFFFFD800  }
0x17e: {  	_ =	swait.ge [sflag:s13], $0x2800  }
0x17f: {  	[sflag:s13] =	ssyncset.done $0x0  }
0x180: {  	[sflag:s13] =	ssyncadd.s32 $0xFFFFD800  }
0x181: {  	_ =	swait.ge [sflag:s13], $0x2800  }
0x182: {  	[sflag:s13] =	ssyncset.done $0x0  }
0x183: {  	[sflag:s13] =	ssyncadd.s32 $0xFFFFD800  }
0x184: {  	_ =	swait.ge [sflag:s13], $0x2800  }
0x185: {  	[sflag:s13] =	ssyncset.done $0x0  }
0x186: {  	[sflag:s13] =	ssyncadd.s32 $0xFFFFD800  }
0x187: {  	_ =	swait.ge [sflag:s13], $0x2800  }
0x188: {  	[sflag:s13] =	ssyncset.done $0x0  }
0x189: {  	[sflag:s13] =	ssyncadd.s32 $0xFFFFD800  }
0x18a: {  	_ =	swait.ge [sflag:s13], $0x2800  }
0x18b: {  	[sflag:s13] =	ssyncset.done $0x0  }
0x18c: {  	[sflag:s13] =	ssyncadd.s32 $0xFFFFD800  }
0x18d: {  	_ =	swait.ge [sflag:s13], $0x2800  }
0x18e: {  	[sflag:s13] =	ssyncset.done $0x0  }
0x18f: {  	[sflag:s13] =	ssyncadd.s32 $0xFFFFD800  }
0x190: {  	_ =	swait.ge [sflag:s13], $0x2800  }
0x191: {  	[sflag:s13] =	ssyncset.done $0x0  }
0x192: {  	[sflag:s13] =	ssyncadd.s32 $0xFFFFD800  }
0x193: {  	_ =	swait.ge [sflag:s13], $0x2800  }
0x194: {  	[sflag:s13] =	ssyncset.done $0x0  }
0x195: {  	[sflag:s13] =	ssyncadd.s32 $0xFFFFD800  }
0x196: {  	_ =	swait.ge [sflag:s13], $0x2800  }
0x197: {  	[sflag:s13] =	ssyncset.done $0x0  }
0x198: {  	[sflag:s13] =	ssyncadd.s32 $0xFFFFD800  }
0x199: {  	_ =	swait.ge [sflag:s13], $0x2800  }
0x19a: {  	[sflag:s13] =	ssyncset.done $0x0  }
0x19b: {  	[sflag:s13] =	ssyncadd.s32 $0xFFFFD800  }
0x19c: {  	_ =	swait.ge [sflag:s13], $0x2800  }
0x19d: {  	[sflag:s13] =	ssyncset.done $0x0  }
0x19e: {  	[sflag:s13] =	ssyncadd.s32 $0xFFFFD800  }
0x19f: {  	_ =	swait.ge [sflag:s13], $0x2800  }
0x1a0: {  	[sflag:s13] =	ssyncset.done $0x0  }
0x1a1: {  	[sflag:s13] =	ssyncadd.s32 $0xFFFFD800  }
0x1a2: {  	_ =	swait.ge [sflag:s13], $0x2800  }
0x1a3: {  	[sflag:s13] =	ssyncset.done $0x0  }
0x1a4: {  	[sflag:s13] =	ssyncadd.s32 $0xFFFFD800  }
0x1a5: {  	_ =	swait.ge [sflag:s13], $0x2800  }
0x1a6: {  	[sflag:s13] =	ssyncset.done $0x0  }
0x1a7: {  	[sflag:s13] =	ssyncadd.s32 $0xFFFFD800  }
0x1a8: {  	_ =	swait.ge [sflag:s13], $0x2800  }
0x1a9: {  	[sflag:s13] =	ssyncset.done $0x0  }
0x1aa: {  	[sflag:s13] =	ssyncadd.s32 $0xFFFFD800  }
0x1ab: {  	_ =	swait.ge [sflag:s13], $0x2800  }
0x1ac: {  	[sflag:s13] =	ssyncset.done $0x0  }
0x1ad: {  	[sflag:s13] =	ssyncadd.s32 $0xFFFFD800  }
0x1ae: {  	_ =	swait.ge [sflag:s13], $0x2800  }
0x1af: {  	[sflag:s13] =	ssyncset.done $0x0  }
0x1b0: {  	[sflag:s13] =	ssyncadd.s32 $0xFFFFD800  }
0x1b1: {  	_ =	swait.ge [sflag:s13], $0x2800  }
0x1b2: {  	[sflag:s13] =	ssyncset.done $0x0  }
0x1b3: {  	[sflag:s13] =	ssyncadd.s32 $0xFFFFD800  }
0x1b4: {  	_ =	swait.ge [sflag:s13], $0x2800  }
0x1b5: {  	[sflag:s13] =	ssyncset.done $0x0  }
0x1b6: {  	[sflag:s13] =	ssyncadd.s32 $0xFFFFD800  }
0x1b7: {  	_ =	swait.ge [sflag:s13], $0x2800  }
0x1b8: {  	[sflag:s13] =	ssyncset.done $0x0  }
0x1b9: {  	[sflag:s13] =	ssyncadd.s32 $0xFFFFD800  }
0x1ba: {  	_ =	swait.ge [sflag:s13], $0x2800  }
0x1bb: {  	[sflag:s13] =	ssyncset.done $0x0  }
0x1bc: {  	[sflag:s13] =	ssyncadd.s32 $0xFFFFD800  }
0x1bd: {  	_ =	swait.ge [sflag:s13], $0x2800  }
0x1be: {  	[sflag:s13] =	ssyncset.done $0x0  }
0x1bf: {  	[sflag:s13] =	ssyncadd.s32 $0xFFFFD800  }
0x1c0: {  	_ =	swait.ge [sflag:s13], $0x2800  }
0x1c1: {  	[sflag:s13] =	ssyncset.done $0x0  }
0x1c2: {  	[sflag:s13] =	ssyncadd.s32 $0xFFFFD800  }
0x1c3: {  	_ =	swait.ge [sflag:s13], $0x2800  }
0x1c4: {  	[sflag:s13] =	ssyncset.done $0x0  }
0x1c5: {  	[sflag:s13] =	ssyncadd.s32 $0xFFFFD800  }
0x1c6: {  	_ =	swait.ge [sflag:s13], $0x2800  }
0x1c7: {  	[sflag:s13] =	ssyncset.done $0x0  }
0x1c8: {  	[sflag:s13] =	ssyncadd.s32 $0xFFFFD800  }
0x1c9: {  	[hbm4b:s6+s3] =	stream.linear.scatter [tilespmem:s24], [sflag:$0x4], $0x2800, $0x38;
	[tilespmem:$0x7800] =	vst v63  }
0x1ca: {  	_ =	swait.ge [sflag:s14], $0x2800  }
0x1cb: {  	[sflag:s14] =	ssyncset.done $0x0  }
0x1cc: {  	s16 =	simm.s32 $0x70;
	s18 =	simm.s32 $0x3C0;
	[sflag:s14] =	ssyncadd.s32 $0xFFFFD800  }
.LBB2_8:
0x1cd: {  	p0 =	sne.s32 s18, $0x9FC0;
	[tilespmem:s16+$0x5000] =	vst v0  }
0x1ce: {  	[tilespmem:s16+$0x4F90] =	vst v0  }
0x1cf: {  	[tilespmem:s16+$0x4FA0] =	vst v0  }
.Ltmp3:
0x1d0: {  	[tilespmem:s16+$0x4FB0] =	vst v0;
	(pc) =	sbr.rel @p0 .LBB2_8-.Ltmp3, $4  }
0x1d1: {  	[tilespmem:s16+$0x4FC0] =	vst v0  }
0x1d2: {  	[tilespmem:s16+$0x4FD0] =	vst v0  }
0x1d3: {  	[tilespmem:s16+$0x4FE0] =	vst v0  }
0x1d4: {  	[tilespmem:s16+$0x4FF0] =	vst v0;
	s16 =	sshra.s32 s18, $0x2;
	s18 =	sadd.s32 $0x200, s18  }
0x1d5: {  	[tilespmem:s16+$0x5000] =	vst v0  }
0x1d6: {  	[tilespmem:s16+$0x4F90] =	vst v0  }
0x1d7: {  	[tilespmem:s16+$0x4FA0] =	vst v0  }
0x1d8: {  	[tilespmem:s16+$0x4FB0] =	vst v0  }
0x1d9: {  	[tilespmem:s16+$0x4FC0] =	vst v0  }
0x1da: {  	[tilespmem:s16+$0x4FD0] =	vst v0  }
0x1db: {  	[tilespmem:s16+$0x4FE0] =	vst v0  }
0x1dc: {  	[tilespmem:s16+$0x4FF0] =	vst v0;
	s18 =	simm.s32 $0xF0  }
0x1dd: {  	[tilespmem:s24], [sflag:$0x2] =	stream.indirect.gather.add.f32 [hbm:s2], $0x80, s18, s11, $0xb8;
	[tilespmem:$0x7800] =	vst v63  }
0x1de: {  	s18 =	simm.s32 $0x230  }
0x1df: {  	[tilespmem:s24], [sflag:$0x2] =	stream.indirect.gather.add.f32 [hbm:s2], $0x80, s18, s11, $0xb8;
	[tilespmem:$0x7800] =	vst v63  }
0x1e0: {  	s18 =	simm.s32 $0x370  }
0x1e1: {  	[tilespmem:s24], [sflag:$0x2] =	stream.indirect.gather.add.f32 [hbm:s2], $0x80, s18, s11, $0xb8;
	[tilespmem:$0x7800] =	vst v63  }
0x1e2: {  	s18 =	simm.s32 $0x4B0  }
0x1e3: {  	[tilespmem:s24], [sflag:$0x2] =	stream.indirect.gather.add.f32 [hbm:s2], $0x80, s18, s11, $0xb8;
	[tilespmem:$0x7800] =	vst v63  }
0x1e4: {  	s18 =	simm.s32 $0x5F0  }
0x1e5: {  	[tilespmem:s24], [sflag:$0x2] =	stream.indirect.gather.add.f32 [hbm:s2], $0x80, s18, s11, $0xb8;
	[tilespmem:$0x7800] =	vst v63  }
0x1e6: {  	s18 =	simm.s32 $0x730  }
0x1e7: {  	[tilespmem:s24], [sflag:$0x2] =	stream.indirect.gather.add.f32 [hbm:s2], $0x80, s18, s11, $0xb8;
	[tilespmem:$0x7800] =	vst v63  }
0x1e8: {  	s18 =	simm.s32 $0x870  }
0x1e9: {  	[tilespmem:s24], [sflag:$0x2] =	stream.indirect.gather.add.f32 [hbm:s2], $0x80, s18, s11, $0xb8;
	[tilespmem:$0x7800] =	vst v63  }
0x1ea: {  	s18 =	simm.s32 $0x9B0  }
0x1eb: {  	[tilespmem:s24], [sflag:$0x2] =	stream.indirect.gather.add.f32 [hbm:s2], $0x80, s18, s11, $0xb8;
	[tilespmem:$0x7800] =	vst v63  }
0x1ec: {  	s18 =	simm.s32 $0xAF0  }
0x1ed: {  	[tilespmem:s24], [sflag:$0x2] =	stream.indirect.gather.add.f32 [hbm:s2], $0x80, s18, s11, $0xb8;
	[tilespmem:$0x7800] =	vst v63  }
0x1ee: {  	s18 =	simm.s32 $0xC30  }
0x1ef: {  	[tilespmem:s24], [sflag:$0x2] =	stream.indirect.gather.add.f32 [hbm:s2], $0x80, s18, s11, $0xb8;
	[tilespmem:$0x7800] =	vst v63  }
0x1f0: {  	s18 =	simm.s32 $0xD70  }
0x1f1: {  	[tilespmem:s24], [sflag:$0x2] =	stream.indirect.gather.add.f32 [hbm:s2], $0x80, s18, s11, $0xb8;
	[tilespmem:$0x7800] =	vst v63  }
0x1f2: {  	s18 =	simm.s32 $0xEB0  }
0x1f3: {  	[tilespmem:s24], [sflag:$0x2] =	stream.indirect.gather.add.f32 [hbm:s2], $0x80, s18, s11, $0xb8;
	[tilespmem:$0x7800] =	vst v63  }
0x1f4: {  	s18 =	simm.s32 $0xFF0  }
0x1f5: {  	[tilespmem:s24], [sflag:$0x2] =	stream.indirect.gather.add.f32 [hbm:s2], $0x80, s18, s11, $0xb8;
	[tilespmem:$0x7800] =	vst v63  }
0x1f6: {  	s18 =	simm.s32 $0x1130  }
0x1f7: {  	[tilespmem:s24], [sflag:$0x2] =	stream.indirect.gather.add.f32 [hbm:s2], $0x80, s18, s11, $0xb8;
	[tilespmem:$0x7800] =	vst v63  }
0x1f8: {  	s18 =	simm.s32 $0x1270  }
0x1f9: {  	[tilespmem:s24], [sflag:$0x2] =	stream.indirect.gather.add.f32 [hbm:s2], $0x80, s18, s11, $0xb8;
	[tilespmem:$0x7800] =	vst v63  }
0x1fa: {  	s18 =	simm.s32 $0x13B0  }
0x1fb: {  	[tilespmem:s24], [sflag:$0x2] =	stream.indirect.gather.add.f32 [hbm:s2], $0x80, s18, s11, $0xb8;
	[tilespmem:$0x7800] =	vst v63  }
0x1fc: {  	s18 =	simm.s32 $0x14F0  }
0x1fd: {  	[tilespmem:s24], [sflag:$0x2] =	stream.indirect.gather.add.f32 [hbm:s2], $0x80, s18, s11, $0xb8;
	[tilespmem:$0x7800] =	vst v63  }
0x1fe: {  	s18 =	simm.s32 $0x1630  }
0x1ff: {  	[tilespmem:s24], [sflag:$0x2] =	stream.indirect.gather.add.f32 [hbm:s2], $0x80, s18, s11, $0xb8;
	[tilespmem:$0x7800] =	vst v63  }
0x200: {  	s18 =	simm.s32 $0x1770  }
0x201: {  	[tilespmem:s24], [sflag:$0x2] =	stream.indirect.gather.add.f32 [hbm:s2], $0x80, s18, s11, $0xb8;
	[tilespmem:$0x7800] =	vst v63  }
0x202: {  	_ = 	snop  }
0x203: {  	[tilespmem:s24], [sflag:$0x2] =	stream.indirect.gather.add.f32 [hbm:s2], $0x80, s19, s11, $0xb8;
	[tilespmem:$0x7800] =	vst v63  }
0x204: {  	_ = 	snop  }
0x205: {  	[tilespmem:s24], [sflag:$0x2] =	stream.indirect.gather.add.f32 [hbm:s2], $0x80, s20, s11, $0xb8;
	[tilespmem:$0x7800] =	vst v63  }
0x206: {  	_ = 	snop  }
0x207: {  	[tilespmem:s24], [sflag:$0x2] =	stream.indirect.gather.add.f32 [hbm:s2], $0x80, s21, s11, $0xb8;
	[tilespmem:$0x7800] =	vst v63  }
0x208: {  	_ = 	snop  }
0x209: {  	[tilespmem:s24], [sflag:$0x2] =	stream.indirect.gather.add.f32 [hbm:s2], $0x80, s22, s11, $0xb8;
	[tilespmem:$0x7800] =	vst v63  }
0x20a: {  	_ = 	snop  }
0x20b: {  	[tilespmem:s24], [sflag:$0x2] =	stream.indirect.gather.add.f32 [hbm:s2], $0x80, s23, s11, $0xb8;
	[tilespmem:$0x7800] =	vst v63  }
0x20c: {  	_ = 	snop  }
0x20d: {  	[tilespmem:s24], [sflag:$0x2] =	stream.indirect.gather.add.f32 [hbm:s2], $0x80, s25, s11, $0xb8;
	[tilespmem:$0x7800] =	vst v63  }
0x20e: {  	_ = 	snop  }
0x20f: {  	[tilespmem:s24], [sflag:$0x2] =	stream.indirect.gather.add.f32 [hbm:s2], $0x80, s26, s11, $0xb8;
	[tilespmem:$0x7800] =	vst v63  }
0x210: {  	_ = 	snop  }
0x211: {  	[tilespmem:s24], [sflag:$0x2] =	stream.indirect.gather.add.f32 [hbm:s2], $0x80, s28, s11, $0xb8;
	[tilespmem:$0x7800] =	vst v63  }
0x212: {  	_ = 	snop  }
0x213: {  	[tilespmem:s24], [sflag:$0x2] =	stream.indirect.gather.add.f32 [hbm:s2], $0x80, s29, s11, $0xb8;
	[tilespmem:$0x7800] =	vst v63  }
0x214: {  	_ = 	snop  }
0x215: {  	[tilespmem:s24], [sflag:$0x2] =	stream.indirect.gather.add.f32 [hbm:s2], $0x80, s30, s11, $0xb8;
	[tilespmem:$0x7800] =	vst v63  }
0x216: {  	_ = 	snop  }
0x217: {  	[tilespmem:s24], [sflag:$0x2] =	stream.indirect.gather.add.f32 [hbm:s2], $0x80, s31, s11, $0xb8;
	[tilespmem:$0x7800] =	vst v63  }
0x218: {  	_ = 	snop  }
0x219: {  	[tilespmem:s24], [sflag:$0x2] =	stream.indirect.gather.add.f32 [hbm:s2], $0x80, s1, s11, $0xb8;
	[tilespmem:$0x7800] =	vst v63  }
0x21a: {  	_ = 	snop  }
0x21b: {  	[tilespmem:s24], [sflag:$0x2] =	stream.indirect.gather.add.f32 [hbm:s2], $0x80, s0, s11, $0xb8;
	[tilespmem:$0x7800] =	vst v63  }
0x21c: {  	_ =	swait.ge [sflag:s17], $0x2800  }
0x21d: {  	[sflag:s17] =	ssyncset.done $0x0  }
0x21e: {  	[sflag:s17] =	ssyncadd.s32 $0xFFFFD800  }
0x21f: {  	_ =	swait.ge [sflag:s17], $0x2800  }
0x220: {  	[sflag:s17] =	ssyncset.done $0x0  }
0x221: {  	[sflag:s17] =	ssyncadd.s32 $0xFFFFD800  }
0x222: {  	_ =	swait.ge [sflag:s17], $0x2800  }
0x223: {  	[sflag:s17] =	ssyncset.done $0x0  }
0x224: {  	[sflag:s17] =	ssyncadd.s32 $0xFFFFD800  }
0x225: {  	_ =	swait.ge [sflag:s17], $0x2800  }
0x226: {  	[sflag:s17] =	ssyncset.done $0x0  }
0x227: {  	[sflag:s17] =	ssyncadd.s32 $0xFFFFD800  }
0x228: {  	_ =	swait.ge [sflag:s17], $0x2800  }
0x229: {  	[sflag:s17] =	ssyncset.done $0x0  }
0x22a: {  	[sflag:s17] =	ssyncadd.s32 $0xFFFFD800  }
0x22b: {  	_ =	swait.ge [sflag:s17], $0x2800  }
0x22c: {  	[sflag:s17] =	ssyncset.done $0x0  }
0x22d: {  	[sflag:s17] =	ssyncadd.s32 $0xFFFFD800  }
0x22e: {  	_ =	swait.ge [sflag:s17], $0x2800  }
0x22f: {  	[sflag:s17] =	ssyncset.done $0x0  }
0x230: {  	[sflag:s17] =	ssyncadd.s32 $0xFFFFD800  }
0x231: {  	_ =	swait.ge [sflag:s17], $0x2800  }
0x232: {  	[sflag:s17] =	ssyncset.done $0x0  }
0x233: {  	[sflag:s17] =	ssyncadd.s32 $0xFFFFD800  }
0x234: {  	_ =	swait.ge [sflag:s17], $0x2800  }
0x235: {  	[sflag:s17] =	ssyncset.done $0x0  }
0x236: {  	[sflag:s17] =	ssyncadd.s32 $0xFFFFD800  }
0x237: {  	_ =	swait.ge [sflag:s17], $0x2800  }
0x238: {  	[sflag:s17] =	ssyncset.done $0x0  }
0x239: {  	[sflag:s17] =	ssyncadd.s32 $0xFFFFD800  }
0x23a: {  	_ =	swait.ge [sflag:s17], $0x2800  }
0x23b: {  	[sflag:s17] =	ssyncset.done $0x0  }
0x23c: {  	[sflag:s17] =	ssyncadd.s32 $0xFFFFD800  }
0x23d: {  	_ =	swait.ge [sflag:s17], $0x2800  }
0x23e: {  	[sflag:s17] =	ssyncset.done $0x0  }
0x23f: {  	[sflag:s17] =	ssyncadd.s32 $0xFFFFD800  }
0x240: {  	_ =	swait.ge [sflag:s17], $0x2800  }
0x241: {  	[sflag:s17] =	ssyncset.done $0x0  }
0x242: {  	[sflag:s17] =	ssyncadd.s32 $0xFFFFD800  }
0x243: {  	_ =	swait.ge [sflag:s17], $0x2800  }
0x244: {  	[sflag:s17] =	ssyncset.done $0x0  }
0x245: {  	[sflag:s17] =	ssyncadd.s32 $0xFFFFD800  }
0x246: {  	_ =	swait.ge [sflag:s17], $0x2800  }
0x247: {  	[sflag:s17] =	ssyncset.done $0x0  }
0x248: {  	[sflag:s17] =	ssyncadd.s32 $0xFFFFD800  }
0x249: {  	_ =	swait.ge [sflag:s17], $0x2800  }
0x24a: {  	[sflag:s17] =	ssyncset.done $0x0  }
0x24b: {  	[sflag:s17] =	ssyncadd.s32 $0xFFFFD800  }
0x24c: {  	_ =	swait.ge [sflag:s17], $0x2800  }
0x24d: {  	[sflag:s17] =	ssyncset.done $0x0  }
0x24e: {  	[sflag:s17] =	ssyncadd.s32 $0xFFFFD800  }
0x24f: {  	_ =	swait.ge [sflag:s17], $0x2800  }
0x250: {  	[sflag:s17] =	ssyncset.done $0x0  }
0x251: {  	[sflag:s17] =	ssyncadd.s32 $0xFFFFD800  }
0x252: {  	_ =	swait.ge [sflag:s17], $0x2800  }
0x253: {  	[sflag:s17] =	ssyncset.done $0x0  }
0x254: {  	[sflag:s17] =	ssyncadd.s32 $0xFFFFD800  }
0x255: {  	_ =	swait.ge [sflag:s17], $0x2800  }
0x256: {  	[sflag:s17] =	ssyncset.done $0x0  }
0x257: {  	[sflag:s17] =	ssyncadd.s32 $0xFFFFD800  }
0x258: {  	_ =	swait.ge [sflag:s17], $0x2800  }
0x259: {  	[sflag:s17] =	ssyncset.done $0x0  }
0x25a: {  	[sflag:s17] =	ssyncadd.s32 $0xFFFFD800  }
0x25b: {  	_ =	swait.ge [sflag:s17], $0x2800  }
0x25c: {  	[sflag:s17] =	ssyncset.done $0x0  }
0x25d: {  	[sflag:s17] =	ssyncadd.s32 $0xFFFFD800  }
0x25e: {  	_ =	swait.ge [sflag:s17], $0x2800  }
0x25f: {  	[sflag:s17] =	ssyncset.done $0x0  }
0x260: {  	[sflag:s17] =	ssyncadd.s32 $0xFFFFD800  }
0x261: {  	_ =	swait.ge [sflag:s17], $0x2800  }
0x262: {  	[sflag:s17] =	ssyncset.done $0x0  }
0x263: {  	[sflag:s17] =	ssyncadd.s32 $0xFFFFD800  }
0x264: {  	_ =	swait.ge [sflag:s17], $0x2800  }
0x265: {  	[sflag:s17] =	ssyncset.done $0x0  }
0x266: {  	[sflag:s17] =	ssyncadd.s32 $0xFFFFD800  }
0x267: {  	_ =	swait.ge [sflag:s17], $0x2800  }
0x268: {  	[sflag:s17] =	ssyncset.done $0x0  }
0x269: {  	[sflag:s17] =	ssyncadd.s32 $0xFFFFD800  }
0x26a: {  	_ =	swait.ge [sflag:s17], $0x2800  }
0x26b: {  	[sflag:s17] =	ssyncset.done $0x0  }
0x26c: {  	[sflag:s17] =	ssyncadd.s32 $0xFFFFD800  }
0x26d: {  	_ =	swait.ge [sflag:s17], $0x2800  }
0x26e: {  	[sflag:s17] =	ssyncset.done $0x0  }
0x26f: {  	[sflag:s17] =	ssyncadd.s32 $0xFFFFD800  }
0x270: {  	_ =	swait.ge [sflag:s17], $0x2800  }
0x271: {  	[sflag:s17] =	ssyncset.done $0x0  }
0x272: {  	[sflag:s17] =	ssyncadd.s32 $0xFFFFD800  }
0x273: {  	_ =	swait.ge [sflag:s17], $0x2800  }
0x274: {  	[sflag:s17] =	ssyncset.done $0x0  }
0x275: {  	[sflag:s17] =	ssyncadd.s32 $0xFFFFD800  }
0x276: {  	_ =	swait.ge [sflag:s17], $0x2800  }
0x277: {  	[sflag:s17] =	ssyncset.done $0x0  }
0x278: {  	[sflag:s17] =	ssyncadd.s32 $0xFFFFD800  }
0x279: {  	_ =	swait.ge [sflag:s17], $0x2800  }
0x27a: {  	[sflag:s17] =	ssyncset.done $0x0  }
0x27b: {  	[sflag:s17] =	ssyncadd.s32 $0xFFFFD800  }
0x27c: {  	[hbm4b:s7+s3] =	stream.linear.scatter [tilespmem:s12], [sflag:$0x3], $0x2800, $0x38;
	[tilespmem:$0x7800] =	vst v63  }
0x27d: {  	_ =	swait.ge [sflag:s13], $0x2800  }
0x27e: {  	[sflag:s13] =	ssyncset.done $0x0  }
0x27f: {  	[sflag:s13] =	ssyncadd.s32 $0xFFFFD800  }
0x280: {  	_ =	swait.ge [sflag:s13], $0x2800  }
0x281: {  	[sflag:s13] =	ssyncset.done $0x0  }
0x282: {  	[sflag:s13] =	ssyncadd.s32 $0xFFFFD800  }
0x283: {  	_ =	swait.ge [sflag:s13], $0x2800  }
0x284: {  	[sflag:s13] =	ssyncset.done $0x0  }
0x285: {  	[sflag:s13] =	ssyncadd.s32 $0xFFFFD800  }
0x286: {  	_ =	swait.ge [sflag:s13], $0x2800  }
0x287: {  	[sflag:s13] =	ssyncset.done $0x0  }
0x288: {  	[sflag:s13] =	ssyncadd.s32 $0xFFFFD800  }
0x289: {  	_ =	swait.ge [sflag:s13], $0x2800  }
0x28a: {  	[sflag:s13] =	ssyncset.done $0x0  }
0x28b: {  	[sflag:s13] =	ssyncadd.s32 $0xFFFFD800  }
0x28c: {  	_ =	swait.ge [sflag:s13], $0x2800  }
0x28d: {  	[sflag:s13] =	ssyncset.done $0x0  }
0x28e: {  	[sflag:s13] =	ssyncadd.s32 $0xFFFFD800  }
0x28f: {  	_ =	swait.ge [sflag:s13], $0x2800  }
0x290: {  	[sflag:s13] =	ssyncset.done $0x0  }
0x291: {  	[sflag:s13] =	ssyncadd.s32 $0xFFFFD800  }
0x292: {  	_ =	swait.ge [sflag:s13], $0x2800  }
0x293: {  	[sflag:s13] =	ssyncset.done $0x0  }
0x294: {  	[sflag:s13] =	ssyncadd.s32 $0xFFFFD800  }
0x295: {  	_ =	swait.ge [sflag:s13], $0x2800  }
0x296: {  	[sflag:s13] =	ssyncset.done $0x0  }
0x297: {  	[sflag:s13] =	ssyncadd.s32 $0xFFFFD800  }
0x298: {  	_ =	swait.ge [sflag:s13], $0x2800  }
0x299: {  	[sflag:s13] =	ssyncset.done $0x0  }
0x29a: {  	[sflag:s13] =	ssyncadd.s32 $0xFFFFD800  }
0x29b: {  	_ =	swait.ge [sflag:s13], $0x2800  }
0x29c: {  	[sflag:s13] =	ssyncset.done $0x0  }
0x29d: {  	[sflag:s13] =	ssyncadd.s32 $0xFFFFD800  }
0x29e: {  	_ =	swait.ge [sflag:s13], $0x2800  }
0x29f: {  	[sflag:s13] =	ssyncset.done $0x0  }
0x2a0: {  	[sflag:s13] =	ssyncadd.s32 $0xFFFFD800  }
0x2a1: {  	_ =	swait.ge [sflag:s13], $0x2800  }
0x2a2: {  	[sflag:s13] =	ssyncset.done $0x0  }
0x2a3: {  	[sflag:s13] =	ssyncadd.s32 $0xFFFFD800  }
0x2a4: {  	_ =	swait.ge [sflag:s13], $0x2800  }
0x2a5: {  	[sflag:s13] =	ssyncset.done $0x0  }
0x2a6: {  	[sflag:s13] =	ssyncadd.s32 $0xFFFFD800  }
0x2a7: {  	_ =	swait.ge [sflag:s13], $0x2800  }
0x2a8: {  	[sflag:s13] =	ssyncset.done $0x0  }
0x2a9: {  	[sflag:s13] =	ssyncadd.s32 $0xFFFFD800  }
0x2aa: {  	_ =	swait.ge [sflag:s13], $0x2800  }
0x2ab: {  	[sflag:s13] =	ssyncset.done $0x0  }
0x2ac: {  	[sflag:s13] =	ssyncadd.s32 $0xFFFFD800  }
0x2ad: {  	_ =	swait.ge [sflag:s13], $0x2800  }
0x2ae: {  	[sflag:s13] =	ssyncset.done $0x0  }
0x2af: {  	[sflag:s13] =	ssyncadd.s32 $0xFFFFD800  }
0x2b0: {  	_ =	swait.ge [sflag:s13], $0x2800  }
0x2b1: {  	[sflag:s13] =	ssyncset.done $0x0  }
0x2b2: {  	[sflag:s13] =	ssyncadd.s32 $0xFFFFD800  }
0x2b3: {  	_ =	swait.ge [sflag:s13], $0x2800  }
0x2b4: {  	[sflag:s13] =	ssyncset.done $0x0  }
0x2b5: {  	[sflag:s13] =	ssyncadd.s32 $0xFFFFD800  }
0x2b6: {  	_ =	swait.ge [sflag:s13], $0x2800  }
0x2b7: {  	[sflag:s13] =	ssyncset.done $0x0  }
0x2b8: {  	[sflag:s13] =	ssyncadd.s32 $0xFFFFD800  }
0x2b9: {  	_ =	swait.ge [sflag:s13], $0x2800  }
0x2ba: {  	[sflag:s13] =	ssyncset.done $0x0  }
0x2bb: {  	[sflag:s13] =	ssyncadd.s32 $0xFFFFD800  }
0x2bc: {  	_ =	swait.ge [sflag:s13], $0x2800  }
0x2bd: {  	[sflag:s13] =	ssyncset.done $0x0  }
0x2be: {  	[sflag:s13] =	ssyncadd.s32 $0xFFFFD800  }
0x2bf: {  	_ =	swait.ge [sflag:s13], $0x2800  }
0x2c0: {  	[sflag:s13] =	ssyncset.done $0x0  }
0x2c1: {  	[sflag:s13] =	ssyncadd.s32 $0xFFFFD800  }
0x2c2: {  	_ =	swait.ge [sflag:s13], $0x2800  }
0x2c3: {  	[sflag:s13] =	ssyncset.done $0x0  }
0x2c4: {  	[sflag:s13] =	ssyncadd.s32 $0xFFFFD800  }
0x2c5: {  	_ =	swait.ge [sflag:s13], $0x2800  }
0x2c6: {  	[sflag:s13] =	ssyncset.done $0x0  }
0x2c7: {  	[sflag:s13] =	ssyncadd.s32 $0xFFFFD800  }
0x2c8: {  	_ =	swait.ge [sflag:s13], $0x2800  }
0x2c9: {  	[sflag:s13] =	ssyncset.done $0x0  }
0x2ca: {  	[sflag:s13] =	ssyncadd.s32 $0xFFFFD800  }
0x2cb: {  	_ =	swait.ge [sflag:s13], $0x2800  }
0x2cc: {  	[sflag:s13] =	ssyncset.done $0x0  }
0x2cd: {  	[sflag:s13] =	ssyncadd.s32 $0xFFFFD800  }
0x2ce: {  	_ =	swait.ge [sflag:s13], $0x2800  }
0x2cf: {  	[sflag:s13] =	ssyncset.done $0x0  }
0x2d0: {  	[sflag:s13] =	ssyncadd.s32 $0xFFFFD800  }
0x2d1: {  	_ =	swait.ge [sflag:s13], $0x2800  }
0x2d2: {  	[sflag:s13] =	ssyncset.done $0x0  }
0x2d3: {  	[sflag:s13] =	ssyncadd.s32 $0xFFFFD800  }
0x2d4: {  	_ =	swait.ge [sflag:s13], $0x2800  }
0x2d5: {  	[sflag:s13] =	ssyncset.done $0x0  }
0x2d6: {  	[sflag:s13] =	ssyncadd.s32 $0xFFFFD800  }
0x2d7: {  	_ =	swait.ge [sflag:s13], $0x2800  }
0x2d8: {  	[sflag:s13] =	ssyncset.done $0x0  }
0x2d9: {  	[sflag:s13] =	ssyncadd.s32 $0xFFFFD800  }
0x2da: {  	_ =	swait.ge [sflag:s13], $0x2800  }
0x2db: {  	[sflag:s13] =	ssyncset.done $0x0  }
0x2dc: {  	s15 =	sadd.s32 $0x1, s15;
	[sflag:s13] =	ssyncadd.s32 $0xFFFFD800  }
0x2dd: {  	[hbm4b:s8+s3] =	stream.linear.scatter [tilespmem:s24], [sflag:$0x4], $0x2800, $0x38;
	[tilespmem:$0x7800] =	vst v63  }
0x2de: {  	p0 =	sne.s32 s15, s9;
	_ =	swait.ge [sflag:s10], $0x2800  }
.Ltmp4:
0x2df: {  	[sflag:s10] =	ssyncset.done $0x0;
	(pc) =	sbr.rel @p0 .LBB2_1-.Ltmp4, $4  }
0x2e0: {  	[sflag:s10] =	ssyncadd.s32 $0xFFFFD800  }
0x2e1: {  	_ =	swait.ge [sflag:s14], $0x2800  }
0x2e2: {  	[sflag:s14] =	ssyncset.done $0x0  }
0x2e3: {  	[sflag:s14] =	ssyncadd.s32 $0xFFFFD800  }
0x2e4: {  	_ =	sfence.sel $0x180000  }
0x2e5: {  	[bflag:$0x0] =	sbarrier.arrive $0xFFFF  }
0x2e6: {  	_ =	strace $0x90000047  }
0x2e7: {  	s0 =	stileid.u32;
	[bflag:$0x2] =	sbarrier.arrive $0xFFFF  }
0x2e8: {  	p0 =	sne.s32 s0, $0x0;
	s0 =	rddreg [dreg:$0x3]  }
0x2e9: {  	s0 =	sadd.s32 @!p0 $0x100000, s0  }
0x2ea: {  	[sflag:s0] =	ssyncadd.tile.s32 @!p0 $0x1;
	_ =	shalt  }
.Lfunc_end2:
_tile_overlayer_lowered:
.L_overlay_start_2:
0x2eb: {  	(tag) =	ssettag $0x2  }
0x2ec: {  	s0 =	rddreg [dreg:$0x0];
	s2 =	stileid.u32  }
0x2ed: {  	s1 =	rddreg [dreg:$0x1];
	p0 =	sne.s32 s2, $0x0  }
0x2ee: {  	s3 =	rddreg [dreg:$0x2];
	[bflag:$0x3] =	sbarrier.arrive $0xFFFF;
	s2 =	simm.s32 @!p0 $0x1C05  }
0x2ef: {  	[timem:s3], [sflag:s2] =	dma.local @!p0 [hbm:s0], s1  }
0x2f0: {  	s0 =	simm.s32 @!p0 $0x5  }
0x2f1: {  	_ =	swait.ge @!p0 [sflag:s0], s1  }
0x2f2: {  	s1 =	ssub.s32 @!p0 $0x0, s1;
	[sflag:s0] =	ssyncset.done @!p0 $0x0  }
0x2f3: {  	[sflag:s0] =	ssyncadd.s32 @!p0 s1  }
0x2f4: {  	[bflag:$0x3] =	sbarrier.arrive $0xFFFF  }
0x2f5: {  	_ =	shalt  }

</sc_bundles>
